<compile_context>
chip_gen: v7x
topology: tpu7x:2x2x1
jax: 0.10.2.dev20260603
libtpu: 0.0.44.dev20260713+nightly
codegen_flags: <defaults>
</compile_context>

<pallas_src>
import functools

import jax
import jax.numpy as jnp
from jax import lax
from jax.experimental import pallas as pl
from jax.experimental.pallas import tpu as pltpu
from jax.experimental.pallas import tpu_sc as plsc

_NUM_LAYERS = 3
_D = 128
_N = 10000
_E = 320000

_NC = 2
_NS = 16
_NW = _NC * _NS
_CHUNK = 96
_ITERS = 106
_E_PAD = _CHUNK * _ITERS * _NW
_N_PAD = 10112
_ROWS_PER_SUB = _N_PAD // _NS



def _proj_body(ea_ref, w_ref, o_ref):
    o_ref[...] = jnp.dot(ea_ref[...], w_ref[...],
                         preferred_element_type=jnp.float32)


def _edge_project(edge_attr, w_edge_l):
    blk = 6144
    return pl.pallas_call(
        _proj_body,
        grid=(_E_PAD // blk,),
        in_specs=[
            pl.BlockSpec((blk, 16), lambda i: (i, 0)),
            pl.BlockSpec((16, _D), lambda i: (0, 0)),
        ],
        out_specs=pl.BlockSpec((blk, _D), lambda i: (i, 0)),
        out_shape=jax.ShapeDtypeStruct((_E_PAD, _D), jnp.float32),
    )(edge_attr, w_edge_l)


def _update_body(x_ref, a0_ref, a1_ref, w_ref, b_ref, o_ref):
    h = x_ref[...] + a0_ref[...] + a1_ref[...]
    y = jnp.dot(h, w_ref[...], preferred_element_type=jnp.float32) + b_ref[...]
    o_ref[...] = jnp.maximum(y, 0.0)


def _node_update(x, agg0, agg1, w_l, b_l):
    blk = 2000
    return pl.pallas_call(
        _update_body,
        grid=(_N // blk,),
        in_specs=[
            pl.BlockSpec((blk, _D), lambda i: (i, 0)),
            pl.BlockSpec((blk, _D), lambda i: (i, 0)),
            pl.BlockSpec((blk, _D), lambda i: (i, 0)),
            pl.BlockSpec((_D, _D), lambda i: (0, 0)),
            pl.BlockSpec((1, _D), lambda i: (0, 0)),
        ],
        out_specs=pl.BlockSpec((blk, _D), lambda i: (i, 0)),
        out_shape=jax.ShapeDtypeStruct((_N, _D), jnp.float32),
    )(x, agg0, agg1, w_l, b_l.reshape(1, _D))



def _sc_edge_body(x_hbm, e_hbm, src_hbm, dst_hbm, zero_hbm, out_hbm,
                  src0, dst0, rows0, e0, src1, dst1, rows1, e1,
                  agg_sh, gsem, esem, isem):
    cid = lax.axis_index("c")
    sid = lax.axis_index("s")
    wid = cid * _NS + sid

    pltpu.sync_copy(zero_hbm, agg_sh.at[pl.ds(sid * _ROWS_PER_SUB, _ROWS_PER_SUB)])
    plsc.subcore_barrier()

    def chunk_off(i):
        return (wid + _NW * i) * _CHUNK

    pltpu.sync_copy(src_hbm.at[pl.ds(chunk_off(0), _CHUNK)], src0)
    pltpu.sync_copy(dst_hbm.at[pl.ds(chunk_off(0), _CHUNK)], dst0)
    pltpu.async_copy(x_hbm.at[src0.at[pl.ds(0, 48)]], rows0.at[pl.ds(0, 48)], gsem)
    pltpu.async_copy(x_hbm.at[src0.at[pl.ds(48, 48)]], rows0.at[pl.ds(48, 48)], gsem)
    pltpu.async_copy(e_hbm.at[pl.ds(chunk_off(0), _CHUNK)], e0, esem)
    pltpu.async_copy(src_hbm.at[pl.ds(chunk_off(1), _CHUNK)], src1, isem)
    pltpu.async_copy(dst_hbm.at[pl.ds(chunk_off(1), _CHUNK)], dst1, isem)

    slots = ((src0, dst0, rows0, e0), (src1, dst1, rows1, e1))

    def sub_iter(i, s):
        srcb, dstb, rowsb, eb = slots[s]
        srcn, dstn, rowsn, en = slots[1 - s]
        pltpu.make_async_copy(x_hbm.at[srcb.at[pl.ds(0, 48)]],
                              rowsb.at[pl.ds(0, 48)], gsem).wait()
        pltpu.make_async_copy(x_hbm.at[srcb.at[pl.ds(48, 48)]],
                              rowsb.at[pl.ds(48, 48)], gsem).wait()
        pltpu.make_async_copy(e_hbm.at[pl.ds(chunk_off(i), _CHUNK)], eb,
                              esem).wait()

        @pl.when(i + 1 < _ITERS)
        def _():
            pltpu.make_async_copy(src_hbm.at[pl.ds(chunk_off(i + 1), _CHUNK)],
                                  srcn, isem).wait()
            pltpu.make_async_copy(dst_hbm.at[pl.ds(chunk_off(i + 1), _CHUNK)],
                                  dstn, isem).wait()
            pltpu.async_copy(x_hbm.at[srcn.at[pl.ds(0, 48)]],
                             rowsn.at[pl.ds(0, 48)], gsem)
            pltpu.async_copy(x_hbm.at[srcn.at[pl.ds(48, 48)]],
                             rowsn.at[pl.ds(48, 48)], gsem)
            pltpu.async_copy(e_hbm.at[pl.ds(chunk_off(i + 1), _CHUNK)], en, esem)

        @pl.loop(0, _CHUNK)
        def _combine(r):
            for j in range(0, _D, 16):
                v = rowsb[r, pl.ds(j, 16)] + eb[r, pl.ds(j, 16)]
                rowsb[r, pl.ds(j, 16)] = jnp.maximum(v, 0.0)

        pltpu.sync_copy(rowsb, agg_sh.at[dstb], add=True)

        @pl.when(i + 2 < _ITERS)
        def _():
            pltpu.async_copy(src_hbm.at[pl.ds(chunk_off(i + 2), _CHUNK)],
                             srcb, isem)
            pltpu.async_copy(dst_hbm.at[pl.ds(chunk_off(i + 2), _CHUNK)],
                             dstb, isem)

    @pl.loop(0, _ITERS, step=2)
    def _pipeline(i):
        sub_iter(i, 0)
        sub_iter(i + 1, 1)

    plsc.subcore_barrier()

    off = sid * _ROWS_PER_SUB
    pltpu.sync_copy(agg_sh.at[pl.ds(off, _ROWS_PER_SUB)],
                    out_hbm.at[cid, pl.ds(off, _ROWS_PER_SUB)])


@functools.cache
def _sc_edge_pass():
    return pl.kernel(
        _sc_edge_body,
        out_type=jax.ShapeDtypeStruct((_NC, _N_PAD, _D), jnp.float32),
        mesh=plsc.VectorSubcoreMesh(core_axis_name="c", subcore_axis_name="s",
                                    num_cores=_NC, num_subcores=_NS),
        scratch_types=[
            pltpu.VMEM((_CHUNK,), jnp.int32),
            pltpu.VMEM((_CHUNK,), jnp.int32),
            pltpu.VMEM((_CHUNK, _D), jnp.float32),
            pltpu.VMEM((_CHUNK, _D), jnp.float32),
            pltpu.VMEM((_CHUNK,), jnp.int32),
            pltpu.VMEM((_CHUNK,), jnp.int32),
            pltpu.VMEM((_CHUNK, _D), jnp.float32),
            pltpu.VMEM((_CHUNK, _D), jnp.float32),
            pltpu.VMEM_SHARED((_N_PAD, _D), jnp.float32),
            pltpu.SemaphoreType.DMA,
            pltpu.SemaphoreType.DMA,
            pltpu.SemaphoreType.DMA,
        ],
    )



def kernel(x, edge_index, edge_attr, W_edge, W, b):
    pad = _E_PAD - _E
    src = jnp.concatenate(
        [edge_index[0].astype(jnp.int32), jnp.zeros((pad,), jnp.int32)])
    dst = jnp.concatenate(
        [edge_index[1].astype(jnp.int32), jnp.full((pad,), _N, jnp.int32)])
    ea_pad = jnp.concatenate(
        [edge_attr.astype(jnp.float32), jnp.zeros((pad, 16), jnp.float32)])
    zero_blk = jnp.zeros((_ROWS_PER_SUB, _D), jnp.float32)
    x = x.astype(jnp.float32)
    for l in range(_NUM_LAYERS):
        e = _edge_project(ea_pad, W_edge[l])
        agg = _sc_edge_pass()(x, e, src, dst, zero_blk)
        x = _node_update(x, agg[0, :_N], agg[1, :_N], W[l], b[l])
    return x

# --- scband reference (transcript-rebuilt; emitter-appended) ---
"""Pipeline reference for scband-graph-self-encoder-36215164240849 (READ-ONLY COPY).

The authoritative reference and input builder live on the scoring server;
editing this copy changes nothing except your own understanding.
"""

import jax, jax.numpy as jnp
import numpy as np

NUM_LAYERS = 3
D_MODEL = 128
D_EDGE = 16
N_NODES = 10000
N_EDGES = 320000


def setup_inputs(seed: int = 0) -> dict:
    key = jax.random.key(seed)
    k_x, k_ei, k_ea, k_we, k_w, k_b = jax.random.split(key, 6)
    x = jax.random.normal(k_x, (N_NODES, D_MODEL), dtype=jnp.float32)
    edge_index = jax.random.randint(k_ei, (2, N_EDGES), 0, N_NODES, dtype=jnp.int64)
    edge_attr = jax.random.normal(k_ea, (N_EDGES, D_EDGE), dtype=jnp.float32)
    # learned parameters, one set per encoder layer (stacked along axis 0)
    W_edge = jax.random.normal(k_we, (NUM_LAYERS, D_EDGE, D_MODEL), dtype=jnp.float32) * (1.0 / np.sqrt(D_EDGE))
    W = jax.random.normal(k_w, (NUM_LAYERS, D_MODEL, D_MODEL), dtype=jnp.float32) * (1.0 / np.sqrt(D_MODEL))
    b = jax.random.normal(k_b, (NUM_LAYERS, D_MODEL), dtype=jnp.float32) * 0.01
    return {"x": x, "edge_index": edge_index, "edge_attr": edge_attr, "W_edge": W_edge, "W": W, "b": b}


def reference(x, edge_index, edge_attr, W_edge, W, b):
    """Stack of NUM_LAYERS GINE-style message-passing layers, mirroring
    Graph_SelfEncoder.forward: for each layer, x = layer(x, edge_index, edge_attr).
    Each layer: project edge_attr to d_model, gather source node features,
    relu-combine into messages, scatter-add to destination nodes, then a
    dense update with residual.
    """
    src = edge_index[0]
    dst = edge_index[1]
    n = x.shape[0]
    for l in range(NUM_LAYERS):
        e = edge_attr @ W_edge[l]                      # [E, d_model]
        msg = jax.nn.relu(jnp.take(x, src, axis=0) + e)  # gather + combine
        agg = jax.ops.segment_sum(msg, dst, num_segments=n)  # scatter-add
        x = jax.nn.relu((x + agg) @ W[l] + b[l])
    return x

if __name__ == "__main__":
    import jax
    _d = setup_inputs()
    print(jax.jit(kernel)(*tuple(_d.values())))

</pallas_src>

<mosaic_0001>
#map = affine_map<(d0, d1) -> (0, 0)>
#map1 = affine_map<(d0, d1) -> (0)>
#map2 = affine_map<(d0, d1) -> (0, 0, 0)>
module attributes {stable_mosaic.version = 14 : i64} {
  func.func @_sc_edge_body(%arg0: i32, %arg1: i32, %arg2: memref<10000x128xf32, #tpu.memory_space<hbm>>, %arg3: memref<325632x128xf32, #tpu.memory_space<hbm>>, %arg4: memref<325632xi32, #tpu.memory_space<hbm>>, %arg5: memref<325632xi32, #tpu.memory_space<hbm>>, %arg6: memref<632x128xf32, #tpu.memory_space<hbm>>, %arg7: memref<2x10112x128xf32, #tpu.memory_space<hbm>>, %arg8: memref<96xi32, #tpu.memory_space<vmem>>, %arg9: memref<96xi32, #tpu.memory_space<vmem>>, %arg10: memref<96x128xf32, #tpu.memory_space<vmem>>, %arg11: memref<96x128xf32, #tpu.memory_space<vmem>>, %arg12: memref<96xi32, #tpu.memory_space<vmem>>, %arg13: memref<96xi32, #tpu.memory_space<vmem>>, %arg14: memref<96x128xf32, #tpu.memory_space<vmem>>, %arg15: memref<96x128xf32, #tpu.memory_space<vmem>>, %arg16: memref<10112x128xf32, #tpu.memory_space<vmem_shared>>, %arg17: memref<!tpu.dma_semaphore, #tpu.memory_space<semaphore_mem>>, %arg18: memref<!tpu.dma_semaphore, #tpu.memory_space<semaphore_mem>>, %arg19: memref<!tpu.dma_semaphore, #tpu.memory_space<semaphore_mem>>) attributes {dimension_semantics = [#tpu.dimension_semantics<core_parallel>, #tpu.dimension_semantics<subcore_parallel>], iteration_bounds = array<i64: 2, 16>, scalar_prefetch = 0 : i64, scratch_operands = 12 : i64, tpu.core_type = #tpu.core_type<sc_vector_subcore>, window_params = [{transform_indices = #map}, {transform_indices = #map}, {transform_indices = #map1}, {transform_indices = #map1}, {transform_indices = #map}, {transform_indices = #map2}]} {
    %mul3A = arith.constant 16 : i32
    %mul3A_0 = arith.muli %arg0, %mul3A : i32
    %add3A = arith.addi %mul3A_0, %arg1 : i32
    %mul3A_1 = arith.constant 632 : i32
    %mul3A_2 = arith.muli %arg1, %mul3A_1 : i32
    "tpu.region"() ({
      %run_scoped3A = tpu.sem_alloc : memref<!tpu.dma_semaphore, #tpu.memory_space<semaphore_mem>>
      %dma_start3A_53 = arith.constant 0 : i32
      %dma_start3A_54 = tpu.memref_slice %arg16[%mul3A_2, %dma_start3A_53] : memref<10112x128xf32, #tpu.memory_space<vmem_shared>> -> memref<632x128xf32, #tpu.memory_space<vmem_shared>>
      tpu.enqueue_dma source(%arg6 : memref<632x128xf32, #tpu.memory_space<hbm>>) target(%dma_start3A_54 : memref<632x128xf32, #tpu.memory_space<vmem_shared>>) target_semaphore(%run_scoped3A : memref<!tpu.dma_semaphore, #tpu.memory_space<semaphore_mem>>)
      %dma_wait3A = arith.constant 0 : i32
      %dma_wait3A_55 = tpu.memref_slice %arg16[%mul3A_2, %dma_wait3A] : memref<10112x128xf32, #tpu.memory_space<vmem_shared>> -> memref<632x128xf32, #tpu.memory_space<vmem_shared>>
      tpu.wait_dma2 semaphore(%run_scoped3A : memref<!tpu.dma_semaphore, #tpu.memory_space<semaphore_mem>>) src(%arg6 : memref<632x128xf32, #tpu.memory_space<hbm>>) dst(%dma_wait3A_55 : memref<632x128xf32, #tpu.memory_space<vmem_shared>>)
      tpu.yield
    }) : () -> ()
    %barrier3A = arith.constant 0 : index
    tpu.barrier barrier_id(%barrier3A)
    %add3A_3 = arith.constant 0 : i32
    %add3A_4 = arith.addi %add3A, %add3A_3 : i32
    %mul3A_5 = arith.constant 96 : i32
    %mul3A_6 = arith.muli %add3A_4, %mul3A_5 : i32
    "tpu.region"() ({
      %run_scoped3A = tpu.sem_alloc : memref<!tpu.dma_semaphore, #tpu.memory_space<semaphore_mem>>
      %dma_start3A_53 = tpu.memref_slice %arg4[%mul3A_6] : memref<325632xi32, #tpu.memory_space<hbm>> -> memref<96xi32, #tpu.memory_space<hbm>>
      %dma_start3A_54 = tpu.memref_slice %arg4[%mul3A_6] : memref<325632xi32, #tpu.memory_space<hbm>> -> memref<96xi32, #tpu.memory_space<hbm>>
      tpu.enqueue_dma source(%dma_start3A_54 : memref<96xi32, #tpu.memory_space<hbm>>) target(%arg8 : memref<96xi32, #tpu.memory_space<vmem>>) target_semaphore(%run_scoped3A : memref<!tpu.dma_semaphore, #tpu.memory_space<semaphore_mem>>)
      %dma_wait3A = tpu.memref_slice %arg4[%mul3A_6] : memref<325632xi32, #tpu.memory_space<hbm>> -> memref<96xi32, #tpu.memory_space<hbm>>
      %dma_wait3A_55 = tpu.memref_slice %arg4[%mul3A_6] : memref<325632xi32, #tpu.memory_space<hbm>> -> memref<96xi32, #tpu.memory_space<hbm>>
      tpu.wait_dma2 semaphore(%run_scoped3A : memref<!tpu.dma_semaphore, #tpu.memory_space<semaphore_mem>>) src(%dma_wait3A_55 : memref<96xi32, #tpu.memory_space<hbm>>) dst(%arg8 : memref<96xi32, #tpu.memory_space<vmem>>)
      tpu.yield
    }) : () -> ()
    %add3A_7 = arith.constant 0 : i32
    %add3A_8 = arith.addi %add3A, %add3A_7 : i32
    %mul3A_9 = arith.constant 96 : i32
    %mul3A_10 = arith.muli %add3A_8, %mul3A_9 : i32
    "tpu.region"() ({
      %run_scoped3A = tpu.sem_alloc : memref<!tpu.dma_semaphore, #tpu.memory_space<semaphore_mem>>
      %dma_start3A_53 = tpu.memref_slice %arg5[%mul3A_10] : memref<325632xi32, #tpu.memory_space<hbm>> -> memref<96xi32, #tpu.memory_space<hbm>>
      %dma_start3A_54 = tpu.memref_slice %arg5[%mul3A_10] : memref<325632xi32, #tpu.memory_space<hbm>> -> memref<96xi32, #tpu.memory_space<hbm>>
      tpu.enqueue_dma source(%dma_start3A_54 : memref<96xi32, #tpu.memory_space<hbm>>) target(%arg9 : memref<96xi32, #tpu.memory_space<vmem>>) target_semaphore(%run_scoped3A : memref<!tpu.dma_semaphore, #tpu.memory_space<semaphore_mem>>)
      %dma_wait3A = tpu.memref_slice %arg5[%mul3A_10] : memref<325632xi32, #tpu.memory_space<hbm>> -> memref<96xi32, #tpu.memory_space<hbm>>
      %dma_wait3A_55 = tpu.memref_slice %arg5[%mul3A_10] : memref<325632xi32, #tpu.memory_space<hbm>> -> memref<96xi32, #tpu.memory_space<hbm>>
      tpu.wait_dma2 semaphore(%run_scoped3A : memref<!tpu.dma_semaphore, #tpu.memory_space<semaphore_mem>>) src(%dma_wait3A_55 : memref<96xi32, #tpu.memory_space<hbm>>) dst(%arg9 : memref<96xi32, #tpu.memory_space<vmem>>)
      tpu.yield
    }) : () -> ()
    %dma_start3A = arith.constant 0 : i32
    %dma_start3A_11 = arith.constant 0 : i32
    %dma_start3A_12 = tpu.memref_slice %arg10[%dma_start3A, %dma_start3A_11] : memref<96x128xf32, #tpu.memory_space<vmem>> -> memref<48x128xf32, #tpu.memory_space<vmem>>
    %dma_start3A_13 = arith.constant 0 : i32
    %dma_start3A_14 = tpu.memref_slice %arg8[%dma_start3A_13] : memref<96xi32, #tpu.memory_space<vmem>> -> memref<48xi32, #tpu.memory_space<vmem>>
    %dma_start3A_15 = arith.constant 0 : i32
    %dma_start3A_16 = arith.constant 0 : i32
    %dma_start3A_17 = tpu.memref_slice %arg2[%dma_start3A_15, %dma_start3A_16] : memref<10000x128xf32, #tpu.memory_space<hbm>> -> memref<10000x128xf32, #tpu.memory_space<hbm>>
    tpu.enqueue_indirect_dma source(%dma_start3A_17 : memref<10000x128xf32, #tpu.memory_space<hbm>>) target(%dma_start3A_12 : memref<48x128xf32, #tpu.memory_space<vmem>>) offsets(%dma_start3A_14 : memref<48xi32, #tpu.memory_space<vmem>>) semaphore(%arg17 : memref<!tpu.dma_semaphore, #tpu.memory_space<semaphore_mem>>)
    %dma_start3A_18 = arith.constant 48 : i32
    %dma_start3A_19 = arith.constant 0 : i32
    %dma_start3A_20 = tpu.memref_slice %arg10[%dma_start3A_18, %dma_start3A_19] : memref<96x128xf32, #tpu.memory_space<vmem>> -> memref<48x128xf32, #tpu.memory_space<vmem>>
    %dma_start3A_21 = arith.constant 48 : i32
    %dma_start3A_22 = tpu.memref_slice %arg8[%dma_start3A_21] : memref<96xi32, #tpu.memory_space<vmem>> -> memref<48xi32, #tpu.memory_space<vmem>>
    %dma_start3A_23 = arith.constant 0 : i32
    %dma_start3A_24 = arith.constant 0 : i32
    %dma_start3A_25 = tpu.memref_slice %arg2[%dma_start3A_23, %dma_start3A_24] : memref<10000x128xf32, #tpu.memory_space<hbm>> -> memref<10000x128xf32, #tpu.memory_space<hbm>>
    tpu.enqueue_indirect_dma source(%dma_start3A_25 : memref<10000x128xf32, #tpu.memory_space<hbm>>) target(%dma_start3A_20 : memref<48x128xf32, #tpu.memory_space<vmem>>) offsets(%dma_start3A_22 : memref<48xi32, #tpu.memory_space<vmem>>) semaphore(%arg17 : memref<!tpu.dma_semaphore, #tpu.memory_space<semaphore_mem>>)
    %add3A_26 = arith.constant 0 : i32
    %add3A_27 = arith.addi %add3A, %add3A_26 : i32
    %mul3A_28 = arith.constant 96 : i32
    %mul3A_29 = arith.muli %add3A_27, %mul3A_28 : i32
    %dma_start3A_30 = arith.constant 0 : i32
    %dma_start3A_31 = tpu.memref_slice %arg3[%mul3A_29, %dma_start3A_30] : memref<325632x128xf32, #tpu.memory_space<hbm>> -> memref<96x128xf32, #tpu.memory_space<hbm>>
    %dma_start3A_32 = arith.constant 0 : i32
    %dma_start3A_33 = tpu.memref_slice %arg3[%mul3A_29, %dma_start3A_32] : memref<325632x128xf32, #tpu.memory_space<hbm>> -> memref<96x128xf32, #tpu.memory_space<hbm>>
    tpu.enqueue_dma source(%dma_start3A_33 : memref<96x128xf32, #tpu.memory_space<hbm>>) target(%arg11 : memref<96x128xf32, #tpu.memory_space<vmem>>) target_semaphore(%arg18 : memref<!tpu.dma_semaphore, #tpu.memory_space<semaphore_mem>>)
    %add3A_34 = arith.constant 32 : i32
    %add3A_35 = arith.addi %add3A, %add3A_34 : i32
    %mul3A_36 = arith.constant 96 : i32
    %mul3A_37 = arith.muli %add3A_35, %mul3A_36 : i32
    %dma_start3A_38 = tpu.memref_slice %arg4[%mul3A_37] : memref<325632xi32, #tpu.memory_space<hbm>> -> memref<96xi32, #tpu.memory_space<hbm>>
    %dma_start3A_39 = tpu.memref_slice %arg4[%mul3A_37] : memref<325632xi32, #tpu.memory_space<hbm>> -> memref<96xi32, #tpu.memory_space<hbm>>
    tpu.enqueue_dma source(%dma_start3A_39 : memref<96xi32, #tpu.memory_space<hbm>>) target(%arg12 : memref<96xi32, #tpu.memory_space<vmem>>) target_semaphore(%arg19 : memref<!tpu.dma_semaphore, #tpu.memory_space<semaphore_mem>>)
    %add3A_40 = arith.constant 32 : i32
    %add3A_41 = arith.addi %add3A, %add3A_40 : i32
    %mul3A_42 = arith.constant 96 : i32
    %mul3A_43 = arith.muli %add3A_41, %mul3A_42 : i32
    %dma_start3A_44 = tpu.memref_slice %arg5[%mul3A_43] : memref<325632xi32, #tpu.memory_space<hbm>> -> memref<96xi32, #tpu.memory_space<hbm>>
    %dma_start3A_45 = tpu.memref_slice %arg5[%mul3A_43] : memref<325632xi32, #tpu.memory_space<hbm>> -> memref<96xi32, #tpu.memory_space<hbm>>
    tpu.enqueue_dma source(%dma_start3A_45 : memref<96xi32, #tpu.memory_space<hbm>>) target(%arg13 : memref<96xi32, #tpu.memory_space<vmem>>) target_semaphore(%arg19 : memref<!tpu.dma_semaphore, #tpu.memory_space<semaphore_mem>>)
    %scan3A = arith.constant 0 : i32
    %scan3A_46 = arith.constant 53 : i32
    %scan3A_47 = arith.addi %scan3A, %scan3A_46 : i32
    %scan3A_48 = arith.constant 1 : i32
    scf.for %scan3A_53 = %scan3A to %scan3A_47 step %scan3A_48  : i32 {
      %mul3A_54 = arith.constant 2 : i32
      %mul3A_55 = arith.muli %scan3A_53, %mul3A_54 : i32
      %add3A_56 = arith.constant 0 : i32
      %add3A_57 = arith.addi %add3A_56, %mul3A_55 : i32
      %dma_wait3A = arith.constant 0 : i32
      %dma_wait3A_58 = arith.constant 0 : i32
      %dma_wait3A_59 = tpu.memref_slice %arg10[%dma_wait3A, %dma_wait3A_58] : memref<96x128xf32, #tpu.memory_space<vmem>> -> memref<48x128xf32, #tpu.memory_space<vmem>>
      %dma_wait3A_60 = arith.constant 0 : i32
      %dma_wait3A_61 = tpu.memref_slice %arg8[%dma_wait3A_60] : memref<96xi32, #tpu.memory_space<vmem>> -> memref<48xi32, #tpu.memory_space<vmem>>
      %dma_wait3A_62 = arith.constant 0 : i32
      %dma_wait3A_63 = arith.constant 0 : i32
      %dma_wait3A_64 = tpu.memref_slice %arg2[%dma_wait3A_62, %dma_wait3A_63] : memref<10000x128xf32, #tpu.memory_space<hbm>> -> memref<10000x128xf32, #tpu.memory_space<hbm>>
      tpu.wait_indirect_dma semaphore(%arg17 : memref<!tpu.dma_semaphore, #tpu.memory_space<semaphore_mem>>) src(%dma_wait3A_64 : memref<10000x128xf32, #tpu.memory_space<hbm>>) dst(%dma_wait3A_59 : memref<48x128xf32, #tpu.memory_space<vmem>>)
      %dma_wait3A_65 = arith.constant 48 : i32
      %dma_wait3A_66 = arith.constant 0 : i32
      %dma_wait3A_67 = tpu.memref_slice %arg10[%dma_wait3A_65, %dma_wait3A_66] : memref<96x128xf32, #tpu.memory_space<vmem>> -> memref<48x128xf32, #tpu.memory_space<vmem>>
      %dma_wait3A_68 = arith.constant 48 : i32
      %dma_wait3A_69 = tpu.memref_slice %arg8[%dma_wait3A_68] : memref<96xi32, #tpu.memory_space<vmem>> -> memref<48xi32, #tpu.memory_space<vmem>>
      %dma_wait3A_70 = arith.constant 0 : i32
      %dma_wait3A_71 = arith.constant 0 : i32
      %dma_wait3A_72 = tpu.memref_slice %arg2[%dma_wait3A_70, %dma_wait3A_71] : memref<10000x128xf32, #tpu.memory_space<hbm>> -> memref<10000x128xf32, #tpu.memory_space<hbm>>
      tpu.wait_indirect_dma semaphore(%arg17 : memref<!tpu.dma_semaphore, #tpu.memory_space<semaphore_mem>>) src(%dma_wait3A_72 : memref<10000x128xf32, #tpu.memory_space<hbm>>) dst(%dma_wait3A_67 : memref<48x128xf32, #tpu.memory_space<vmem>>)
      %mul3A_73 = arith.constant 32 : i32
      %mul3A_74 = arith.muli %mul3A_73, %add3A_57 : i32
      %add3A_75 = arith.addi %add3A, %mul3A_74 : i32
      %mul3A_76 = arith.constant 96 : i32
      %mul3A_77 = arith.muli %add3A_75, %mul3A_76 : i32
      %dma_wait3A_78 = arith.constant 0 : i32
      %dma_wait3A_79 = tpu.memref_slice %arg3[%mul3A_77, %dma_wait3A_78] : memref<325632x128xf32, #tpu.memory_space<hbm>> -> memref<96x128xf32, #tpu.memory_space<hbm>>
      %dma_wait3A_80 = arith.constant 0 : i32
      %dma_wait3A_81 = tpu.memref_slice %arg3[%mul3A_77, %dma_wait3A_80] : memref<325632x128xf32, #tpu.memory_space<hbm>> -> memref<96x128xf32, #tpu.memory_space<hbm>>
      tpu.wait_dma2 semaphore(%arg18 : memref<!tpu.dma_semaphore, #tpu.memory_space<semaphore_mem>>) src(%dma_wait3A_81 : memref<96x128xf32, #tpu.memory_space<hbm>>) dst(%arg11 : memref<96x128xf32, #tpu.memory_space<vmem>>)
      %add3A_82 = arith.constant 1 : i32
      %add3A_83 = arith.addi %add3A_57, %add3A_82 : i32
      %lt3A = arith.constant 106 : i32
      %lt3A_84 = arith.cmpi slt, %add3A_83, %lt3A : i32
      %convert_element_type3A = arith.extui %lt3A_84 : i1 to i32
      %cond3A = arith.constant 0 : i32
      %cond3A_85 = arith.cmpi ne, %convert_element_type3A, %cond3A : i32
      scf.if %cond3A_85 {
        %add3A_144 = arith.constant 1 : i32
        %add3A_145 = arith.addi %add3A_57, %add3A_144 : i32
        %mul3A_146 = arith.constant 32 : i32
        %mul3A_147 = arith.muli %mul3A_146, %add3A_145 : i32
        %add3A_148 = arith.addi %add3A, %mul3A_147 : i32
        %mul3A_149 = arith.constant 96 : i32
        %mul3A_150 = arith.muli %add3A_148, %mul3A_149 : i32
        %dma_wait3A_151 = tpu.memref_slice %arg4[%mul3A_150] : memref<325632xi32, #tpu.memory_space<hbm>> -> memref<96xi32, #tpu.memory_space<hbm>>
        %dma_wait3A_152 = tpu.memref_slice %arg4[%mul3A_150] : memref<325632xi32, #tpu.memory_space<hbm>> -> memref<96xi32, #tpu.memory_space<hbm>>
        tpu.wait_dma2 semaphore(%arg19 : memref<!tpu.dma_semaphore, #tpu.memory_space<semaphore_mem>>) src(%dma_wait3A_152 : memref<96xi32, #tpu.memory_space<hbm>>) dst(%arg12 : memref<96xi32, #tpu.memory_space<vmem>>)
        %add3A_153 = arith.constant 1 : i32
        %add3A_154 = arith.addi %add3A_57, %add3A_153 : i32
        %mul3A_155 = arith.constant 32 : i32
        %mul3A_156 = arith.muli %mul3A_155, %add3A_154 : i32
        %add3A_157 = arith.addi %add3A, %mul3A_156 : i32
        %mul3A_158 = arith.constant 96 : i32
        %mul3A_159 = arith.muli %add3A_157, %mul3A_158 : i32
        %dma_wait3A_160 = tpu.memref_slice %arg5[%mul3A_159] : memref<325632xi32, #tpu.memory_space<hbm>> -> memref<96xi32, #tpu.memory_space<hbm>>
        %dma_wait3A_161 = tpu.memref_slice %arg5[%mul3A_159] : memref<325632xi32, #tpu.memory_space<hbm>> -> memref<96xi32, #tpu.memory_space<hbm>>
        tpu.wait_dma2 semaphore(%arg19 : memref<!tpu.dma_semaphore, #tpu.memory_space<semaphore_mem>>) src(%dma_wait3A_161 : memref<96xi32, #tpu.memory_space<hbm>>) dst(%arg13 : memref<96xi32, #tpu.memory_space<vmem>>)
        %dma_start3A_162 = arith.constant 0 : i32
        %dma_start3A_163 = arith.constant 0 : i32
        %dma_start3A_164 = tpu.memref_slice %arg14[%dma_start3A_162, %dma_start3A_163] : memref<96x128xf32, #tpu.memory_space<vmem>> -> memref<48x128xf32, #tpu.memory_space<vmem>>
        %dma_start3A_165 = arith.constant 0 : i32
        %dma_start3A_166 = tpu.memref_slice %arg12[%dma_start3A_165] : memref<96xi32, #tpu.memory_space<vmem>> -> memref<48xi32, #tpu.memory_space<vmem>>
        %dma_start3A_167 = arith.constant 0 : i32
        %dma_start3A_168 = arith.constant 0 : i32
        %dma_start3A_169 = tpu.memref_slice %arg2[%dma_start3A_167, %dma_start3A_168] : memref<10000x128xf32, #tpu.memory_space<hbm>> -> memref<10000x128xf32, #tpu.memory_space<hbm>>
        tpu.enqueue_indirect_dma source(%dma_start3A_169 : memref<10000x128xf32, #tpu.memory_space<hbm>>) target(%dma_start3A_164 : memref<48x128xf32, #tpu.memory_space<vmem>>) offsets(%dma_start3A_166 : memref<48xi32, #tpu.memory_space<vmem>>) semaphore(%arg17 : memref<!tpu.dma_semaphore, #tpu.memory_space<semaphore_mem>>)
        %dma_start3A_170 = arith.constant 48 : i32
        %dma_start3A_171 = arith.constant 0 : i32
        %dma_start3A_172 = tpu.memref_slice %arg14[%dma_start3A_170, %dma_start3A_171] : memref<96x128xf32, #tpu.memory_space<vmem>> -> memref<48x128xf32, #tpu.memory_space<vmem>>
        %dma_start3A_173 = arith.constant 48 : i32
        %dma_start3A_174 = tpu.memref_slice %arg12[%dma_start3A_173] : memref<96xi32, #tpu.memory_space<vmem>> -> memref<48xi32, #tpu.memory_space<vmem>>
        %dma_start3A_175 = arith.constant 0 : i32
        %dma_start3A_176 = arith.constant 0 : i32
        %dma_start3A_177 = tpu.memref_slice %arg2[%dma_start3A_175, %dma_start3A_176] : memref<10000x128xf32, #tpu.memory_space<hbm>> -> memref<10000x128xf32, #tpu.memory_space<hbm>>
        tpu.enqueue_indirect_dma source(%dma_start3A_177 : memref<10000x128xf32, #tpu.memory_space<hbm>>) target(%dma_start3A_172 : memref<48x128xf32, #tpu.memory_space<vmem>>) offsets(%dma_start3A_174 : memref<48xi32, #tpu.memory_space<vmem>>) semaphore(%arg17 : memref<!tpu.dma_semaphore, #tpu.memory_space<semaphore_mem>>)
        %add3A_178 = arith.constant 1 : i32
        %add3A_179 = arith.addi %add3A_57, %add3A_178 : i32
        %mul3A_180 = arith.constant 32 : i32
        %mul3A_181 = arith.muli %mul3A_180, %add3A_179 : i32
        %add3A_182 = arith.addi %add3A, %mul3A_181 : i32
        %mul3A_183 = arith.constant 96 : i32
        %mul3A_184 = arith.muli %add3A_182, %mul3A_183 : i32
        %dma_start3A_185 = arith.constant 0 : i32
        %dma_start3A_186 = tpu.memref_slice %arg3[%mul3A_184, %dma_start3A_185] : memref<325632x128xf32, #tpu.memory_space<hbm>> -> memref<96x128xf32, #tpu.memory_space<hbm>>
        %dma_start3A_187 = arith.constant 0 : i32
        %dma_start3A_188 = tpu.memref_slice %arg3[%mul3A_184, %dma_start3A_187] : memref<325632x128xf32, #tpu.memory_space<hbm>> -> memref<96x128xf32, #tpu.memory_space<hbm>>
        tpu.enqueue_dma source(%dma_start3A_188 : memref<96x128xf32, #tpu.memory_space<hbm>>) target(%arg15 : memref<96x128xf32, #tpu.memory_space<vmem>>) target_semaphore(%arg18 : memref<!tpu.dma_semaphore, #tpu.memory_space<semaphore_mem>>)
      } else {
      }
      %scan3A_86 = arith.constant 0 : i32
      %scan3A_87 = arith.constant 96 : i32
      %scan3A_88 = arith.addi %scan3A_86, %scan3A_87 : i32
      %scan3A_89 = arith.constant 1 : i32
      scf.for %scan3A_144 = %scan3A_86 to %scan3A_88 step %scan3A_89  : i32 {
        %mul3A_145 = arith.constant 1 : i32
        %mul3A_146 = arith.muli %scan3A_144, %mul3A_145 : i32
        %add3A_147 = arith.constant 0 : i32
        %add3A_148 = arith.addi %add3A_147, %mul3A_146 : i32
        %get3A = arith.index_cast %add3A_148 : i32 to index
        %get3A_149 = arith.constant 0 : index
        %get3A_150 = tpu.vector_load %arg10[%get3A, %get3A_149] {strides = array<i32>} : memref<96x128xf32, #tpu.memory_space<vmem>>, vector<1x16xf32>,
        %get3A_151 = vector.shape_cast %get3A_150 : vector<1x16xf32> to vector<16xf32>
        %get3A_152 = arith.index_cast %add3A_148 : i32 to index
        %get3A_153 = arith.constant 0 : index
        %get3A_154 = tpu.vector_load %arg11[%get3A_152, %get3A_153] {strides = array<i32>} : memref<96x128xf32, #tpu.memory_space<vmem>>, vector<1x16xf32>,
        %get3A_155 = vector.shape_cast %get3A_154 : vector<1x16xf32> to vector<16xf32>
        %add3A_156 = arith.addf %get3A_151, %get3A_155 : vector<16xf32>
        %max3A = arith.constant 0.000000e+00 : f32
        %max3A_157 = vector.broadcast %max3A : f32 to vector<16xf32>
        %max3A_158 = arith.maximumf %add3A_156, %max3A_157 : vector<16xf32>
        %swap3A = arith.index_cast %add3A_148 : i32 to index
        %swap3A_159 = arith.constant 0 : index
        %swap3A_160 = tpu.vector_load %arg10[%swap3A, %swap3A_159] {strides = array<i32>} : memref<96x128xf32, #tpu.memory_space<vmem>>, vector<1x16xf32>,
        %swap3A_161 = vector.shape_cast %swap3A_160 : vector<1x16xf32> to vector<16xf32>
        %swap3A_162 = vector.shape_cast %max3A_158 : vector<16xf32> to vector<1x16xf32>
        tpu.vector_store %arg10[%swap3A, %swap3A_159], %swap3A_162 {strides = array<i32>} : memref<96x128xf32, #tpu.memory_space<vmem>>, vector<1x16xf32>,
        %get3A_163 = arith.index_cast %add3A_148 : i32 to index
        %get3A_164 = arith.constant 16 : index
        %get3A_165 = tpu.vector_load %arg10[%get3A_163, %get3A_164] {strides = array<i32>} : memref<96x128xf32, #tpu.memory_space<vmem>>, vector<1x16xf32>,
        %get3A_166 = vector.shape_cast %get3A_165 : vector<1x16xf32> to vector<16xf32>
        %get3A_167 = arith.index_cast %add3A_148 : i32 to index
        %get3A_168 = arith.constant 16 : index
        %get3A_169 = tpu.vector_load %arg11[%get3A_167, %get3A_168] {strides = array<i32>} : memref<96x128xf32, #tpu.memory_space<vmem>>, vector<1x16xf32>,
        %get3A_170 = vector.shape_cast %get3A_169 : vector<1x16xf32> to vector<16xf32>
        %add3A_171 = arith.addf %get3A_166, %get3A_170 : vector<16xf32>
        %max3A_172 = arith.constant 0.000000e+00 : f32
        %max3A_173 = vector.broadcast %max3A_172 : f32 to vector<16xf32>
        %max3A_174 = arith.maximumf %add3A_171, %max3A_173 : vector<16xf32>
        %swap3A_175 = arith.index_cast %add3A_148 : i32 to index
        %swap3A_176 = arith.constant 16 : index
        %swap3A_177 = tpu.vector_load %arg10[%swap3A_175, %swap3A_176] {strides = array<i32>} : memref<96x128xf32, #tpu.memory_space<vmem>>, vector<1x16xf32>,
        %swap3A_178 = vector.shape_cast %swap3A_177 : vector<1x16xf32> to vector<16xf32>
        %swap3A_179 = vector.shape_cast %max3A_174 : vector<16xf32> to vector<1x16xf32>
        tpu.vector_store %arg10[%swap3A_175, %swap3A_176], %swap3A_179 {strides = array<i32>} : memref<96x128xf32, #tpu.memory_space<vmem>>, vector<1x16xf32>,
        %get3A_180 = arith.index_cast %add3A_148 : i32 to index
        %get3A_181 = arith.constant 32 : index
        %get3A_182 = tpu.vector_load %arg10[%get3A_180, %get3A_181] {strides = array<i32>} : memref<96x128xf32, #tpu.memory_space<vmem>>, vector<1x16xf32>,
        %get3A_183 = vector.shape_cast %get3A_182 : vector<1x16xf32> to vector<16xf32>
        %get3A_184 = arith.index_cast %add3A_148 : i32 to index
        %get3A_185 = arith.constant 32 : index
        %get3A_186 = tpu.vector_load %arg11[%get3A_184, %get3A_185] {strides = array<i32>} : memref<96x128xf32, #tpu.memory_space<vmem>>, vector<1x16xf32>,
        %get3A_187 = vector.shape_cast %get3A_186 : vector<1x16xf32> to vector<16xf32>
        %add3A_188 = arith.addf %get3A_183, %get3A_187 : vector<16xf32>
        %max3A_189 = arith.constant 0.000000e+00 : f32
        %max3A_190 = vector.broadcast %max3A_189 : f32 to vector<16xf32>
        %max3A_191 = arith.maximumf %add3A_188, %max3A_190 : vector<16xf32>
        %swap3A_192 = arith.index_cast %add3A_148 : i32 to index
        %swap3A_193 = arith.constant 32 : index
        %swap3A_194 = tpu.vector_load %arg10[%swap3A_192, %swap3A_193] {strides = array<i32>} : memref<96x128xf32, #tpu.memory_space<vmem>>, vector<1x16xf32>,
        %swap3A_195 = vector.shape_cast %swap3A_194 : vector<1x16xf32> to vector<16xf32>
        %swap3A_196 = vector.shape_cast %max3A_191 : vector<16xf32> to vector<1x16xf32>
        tpu.vector_store %arg10[%swap3A_192, %swap3A_193], %swap3A_196 {strides = array<i32>} : memref<96x128xf32, #tpu.memory_space<vmem>>, vector<1x16xf32>,
        %get3A_197 = arith.index_cast %add3A_148 : i32 to index
        %get3A_198 = arith.constant 48 : index
        %get3A_199 = tpu.vector_load %arg10[%get3A_197, %get3A_198] {strides = array<i32>} : memref<96x128xf32, #tpu.memory_space<vmem>>, vector<1x16xf32>,
        %get3A_200 = vector.shape_cast %get3A_199 : vector<1x16xf32> to vector<16xf32>
        %get3A_201 = arith.index_cast %add3A_148 : i32 to index
        %get3A_202 = arith.constant 48 : index
        %get3A_203 = tpu.vector_load %arg11[%get3A_201, %get3A_202] {strides = array<i32>} : memref<96x128xf32, #tpu.memory_space<vmem>>, vector<1x16xf32>,
        %get3A_204 = vector.shape_cast %get3A_203 : vector<1x16xf32> to vector<16xf32>
        %add3A_205 = arith.addf %get3A_200, %get3A_204 : vector<16xf32>
        %max3A_206 = arith.constant 0.000000e+00 : f32
        %max3A_207 = vector.broadcast %max3A_206 : f32 to vector<16xf32>
        %max3A_208 = arith.maximumf %add3A_205, %max3A_207 : vector<16xf32>
        %swap3A_209 = arith.index_cast %add3A_148 : i32 to index
        %swap3A_210 = arith.constant 48 : index
        %swap3A_211 = tpu.vector_load %arg10[%swap3A_209, %swap3A_210] {strides = array<i32>} : memref<96x128xf32, #tpu.memory_space<vmem>>, vector<1x16xf32>,
        %swap3A_212 = vector.shape_cast %swap3A_211 : vector<1x16xf32> to vector<16xf32>
        %swap3A_213 = vector.shape_cast %max3A_208 : vector<16xf32> to vector<1x16xf32>
        tpu.vector_store %arg10[%swap3A_209, %swap3A_210], %swap3A_213 {strides = array<i32>} : memref<96x128xf32, #tpu.memory_space<vmem>>, vector<1x16xf32>,
        %get3A_214 = arith.index_cast %add3A_148 : i32 to index
        %get3A_215 = arith.constant 64 : index
        %get3A_216 = tpu.vector_load %arg10[%get3A_214, %get3A_215] {strides = array<i32>} : memref<96x128xf32, #tpu.memory_space<vmem>>, vector<1x16xf32>,
        %get3A_217 = vector.shape_cast %get3A_216 : vector<1x16xf32> to vector<16xf32>
        %get3A_218 = arith.index_cast %add3A_148 : i32 to index
        %get3A_219 = arith.constant 64 : index
        %get3A_220 = tpu.vector_load %arg11[%get3A_218, %get3A_219] {strides = array<i32>} : memref<96x128xf32, #tpu.memory_space<vmem>>, vector<1x16xf32>,
        %get3A_221 = vector.shape_cast %get3A_220 : vector<1x16xf32> to vector<16xf32>
        %add3A_222 = arith.addf %get3A_217, %get3A_221 : vector<16xf32>
        %max3A_223 = arith.constant 0.000000e+00 : f32
        %max3A_224 = vector.broadcast %max3A_223 : f32 to vector<16xf32>
        %max3A_225 = arith.maximumf %add3A_222, %max3A_224 : vector<16xf32>
        %swap3A_226 = arith.index_cast %add3A_148 : i32 to index
        %swap3A_227 = arith.constant 64 : index
        %swap3A_228 = tpu.vector_load %arg10[%swap3A_226, %swap3A_227] {strides = array<i32>} : memref<96x128xf32, #tpu.memory_space<vmem>>, vector<1x16xf32>,
        %swap3A_229 = vector.shape_cast %swap3A_228 : vector<1x16xf32> to vector<16xf32>
        %swap3A_230 = vector.shape_cast %max3A_225 : vector<16xf32> to vector<1x16xf32>
        tpu.vector_store %arg10[%swap3A_226, %swap3A_227], %swap3A_230 {strides = array<i32>} : memref<96x128xf32, #tpu.memory_space<vmem>>, vector<1x16xf32>,
        %get3A_231 = arith.index_cast %add3A_148 : i32 to index
        %get3A_232 = arith.constant 80 : index
        %get3A_233 = tpu.vector_load %arg10[%get3A_231, %get3A_232] {strides = array<i32>} : memref<96x128xf32, #tpu.memory_space<vmem>>, vector<1x16xf32>,
        %get3A_234 = vector.shape_cast %get3A_233 : vector<1x16xf32> to vector<16xf32>
        %get3A_235 = arith.index_cast %add3A_148 : i32 to index
        %get3A_236 = arith.constant 80 : index
        %get3A_237 = tpu.vector_load %arg11[%get3A_235, %get3A_236] {strides = array<i32>} : memref<96x128xf32, #tpu.memory_space<vmem>>, vector<1x16xf32>,
        %get3A_238 = vector.shape_cast %get3A_237 : vector<1x16xf32> to vector<16xf32>
        %add3A_239 = arith.addf %get3A_234, %get3A_238 : vector<16xf32>
        %max3A_240 = arith.constant 0.000000e+00 : f32
        %max3A_241 = vector.broadcast %max3A_240 : f32 to vector<16xf32>
        %max3A_242 = arith.maximumf %add3A_239, %max3A_241 : vector<16xf32>
        %swap3A_243 = arith.index_cast %add3A_148 : i32 to index
        %swap3A_244 = arith.constant 80 : index
        %swap3A_245 = tpu.vector_load %arg10[%swap3A_243, %swap3A_244] {strides = array<i32>} : memref<96x128xf32, #tpu.memory_space<vmem>>, vector<1x16xf32>,
        %swap3A_246 = vector.shape_cast %swap3A_245 : vector<1x16xf32> to vector<16xf32>
        %swap3A_247 = vector.shape_cast %max3A_242 : vector<16xf32> to vector<1x16xf32>
        tpu.vector_store %arg10[%swap3A_243, %swap3A_244], %swap3A_247 {strides = array<i32>} : memref<96x128xf32, #tpu.memory_space<vmem>>, vector<1x16xf32>,
        %get3A_248 = arith.index_cast %add3A_148 : i32 to index
        %get3A_249 = arith.constant 96 : index
        %get3A_250 = tpu.vector_load %arg10[%get3A_248, %get3A_249] {strides = array<i32>} : memref<96x128xf32, #tpu.memory_space<vmem>>, vector<1x16xf32>,
        %get3A_251 = vector.shape_cast %get3A_250 : vector<1x16xf32> to vector<16xf32>
        %get3A_252 = arith.index_cast %add3A_148 : i32 to index
        %get3A_253 = arith.constant 96 : index
        %get3A_254 = tpu.vector_load %arg11[%get3A_252, %get3A_253] {strides = array<i32>} : memref<96x128xf32, #tpu.memory_space<vmem>>, vector<1x16xf32>,
        %get3A_255 = vector.shape_cast %get3A_254 : vector<1x16xf32> to vector<16xf32>
        %add3A_256 = arith.addf %get3A_251, %get3A_255 : vector<16xf32>
        %max3A_257 = arith.constant 0.000000e+00 : f32
        %max3A_258 = vector.broadcast %max3A_257 : f32 to vector<16xf32>
        %max3A_259 = arith.maximumf %add3A_256, %max3A_258 : vector<16xf32>
        %swap3A_260 = arith.index_cast %add3A_148 : i32 to index
        %swap3A_261 = arith.constant 96 : index
        %swap3A_262 = tpu.vector_load %arg10[%swap3A_260, %swap3A_261] {strides = array<i32>} : memref<96x128xf32, #tpu.memory_space<vmem>>, vector<1x16xf32>,
        %swap3A_263 = vector.shape_cast %swap3A_262 : vector<1x16xf32> to vector<16xf32>
        %swap3A_264 = vector.shape_cast %max3A_259 : vector<16xf32> to vector<1x16xf32>
        tpu.vector_store %arg10[%swap3A_260, %swap3A_261], %swap3A_264 {strides = array<i32>} : memref<96x128xf32, #tpu.memory_space<vmem>>, vector<1x16xf32>,
        %get3A_265 = arith.index_cast %add3A_148 : i32 to index
        %get3A_266 = arith.constant 112 : index
        %get3A_267 = tpu.vector_load %arg10[%get3A_265, %get3A_266] {strides = array<i32>} : memref<96x128xf32, #tpu.memory_space<vmem>>, vector<1x16xf32>,
        %get3A_268 = vector.shape_cast %get3A_267 : vector<1x16xf32> to vector<16xf32>
        %get3A_269 = arith.index_cast %add3A_148 : i32 to index
        %get3A_270 = arith.constant 112 : index
        %get3A_271 = tpu.vector_load %arg11[%get3A_269, %get3A_270] {strides = array<i32>} : memref<96x128xf32, #tpu.memory_space<vmem>>, vector<1x16xf32>,
        %get3A_272 = vector.shape_cast %get3A_271 : vector<1x16xf32> to vector<16xf32>
        %add3A_273 = arith.addf %get3A_268, %get3A_272 : vector<16xf32>
        %max3A_274 = arith.constant 0.000000e+00 : f32
        %max3A_275 = vector.broadcast %max3A_274 : f32 to vector<16xf32>
        %max3A_276 = arith.maximumf %add3A_273, %max3A_275 : vector<16xf32>
        %swap3A_277 = arith.index_cast %add3A_148 : i32 to index
        %swap3A_278 = arith.constant 112 : index
        %swap3A_279 = tpu.vector_load %arg10[%swap3A_277, %swap3A_278] {strides = array<i32>} : memref<96x128xf32, #tpu.memory_space<vmem>>, vector<1x16xf32>,
        %swap3A_280 = vector.shape_cast %swap3A_279 : vector<1x16xf32> to vector<16xf32>
        %swap3A_281 = vector.shape_cast %max3A_276 : vector<16xf32> to vector<1x16xf32>
        tpu.vector_store %arg10[%swap3A_277, %swap3A_278], %swap3A_281 {strides = array<i32>} : memref<96x128xf32, #tpu.memory_space<vmem>>, vector<1x16xf32>,
      }
      %scan3A_90 = arith.constant 96 : i32
      "tpu.region"() ({
        %run_scoped3A = tpu.sem_alloc : memref<!tpu.dma_semaphore, #tpu.memory_space<semaphore_mem>>
        %dma_start3A_144 = arith.constant 0 : i32
        %dma_start3A_145 = arith.constant 0 : i32
        %dma_start3A_146 = tpu.memref_slice %arg16[%dma_start3A_144, %dma_start3A_145] : memref<10112x128xf32, #tpu.memory_space<vmem_shared>> -> memref<10112x128xf32, #tpu.memory_space<vmem_shared>>
        tpu.enqueue_indirect_dma source(%arg10 : memref<96x128xf32, #tpu.memory_space<vmem>>) target(%dma_start3A_146 : memref<10112x128xf32, #tpu.memory_space<vmem_shared>>) offsets(%arg9 : memref<96xi32, #tpu.memory_space<vmem>>) semaphore(%run_scoped3A : memref<!tpu.dma_semaphore, #tpu.memory_space<semaphore_mem>>) {add = true}
        %dma_wait3A_147 = arith.constant 0 : i32
        %dma_wait3A_148 = arith.constant 0 : i32
        %dma_wait3A_149 = tpu.memref_slice %arg16[%dma_wait3A_147, %dma_wait3A_148] : memref<10112x128xf32, #tpu.memory_space<vmem_shared>> -> memref<10112x128xf32, #tpu.memory_space<vmem_shared>>
        tpu.wait_indirect_dma semaphore(%run_scoped3A : memref<!tpu.dma_semaphore, #tpu.memory_space<semaphore_mem>>) src(%arg10 : memref<96x128xf32, #tpu.memory_space<vmem>>) dst(%dma_wait3A_149 : memref<10112x128xf32, #tpu.memory_space<vmem_shared>>)
        tpu.yield
      }) : () -> ()
      %add3A_91 = arith.constant 2 : i32
      %add3A_92 = arith.addi %add3A_57, %add3A_91 : i32
      %lt3A_93 = arith.constant 106 : i32
      %lt3A_94 = arith.cmpi slt, %add3A_92, %lt3A_93 : i32
      %convert_element_type3A_95 = arith.extui %lt3A_94 : i1 to i32
      %cond3A_96 = arith.constant 0 : i32
      %cond3A_97 = arith.cmpi ne, %convert_element_type3A_95, %cond3A_96 : i32
      scf.if %cond3A_97 {
        %add3A_144 = arith.constant 2 : i32
        %add3A_145 = arith.addi %add3A_57, %add3A_144 : i32
        %mul3A_146 = arith.constant 32 : i32
        %mul3A_147 = arith.muli %mul3A_146, %add3A_145 : i32
        %add3A_148 = arith.addi %add3A, %mul3A_147 : i32
        %mul3A_149 = arith.constant 96 : i32
        %mul3A_150 = arith.muli %add3A_148, %mul3A_149 : i32
        %dma_start3A_151 = tpu.memref_slice %arg4[%mul3A_150] : memref<325632xi32, #tpu.memory_space<hbm>> -> memref<96xi32, #tpu.memory_space<hbm>>
        %dma_start3A_152 = tpu.memref_slice %arg4[%mul3A_150] : memref<325632xi32, #tpu.memory_space<hbm>> -> memref<96xi32, #tpu.memory_space<hbm>>
        tpu.enqueue_dma source(%dma_start3A_152 : memref<96xi32, #tpu.memory_space<hbm>>) target(%arg8 : memref<96xi32, #tpu.memory_space<vmem>>) target_semaphore(%arg19 : memref<!tpu.dma_semaphore, #tpu.memory_space<semaphore_mem>>)
        %add3A_153 = arith.constant 2 : i32
        %add3A_154 = arith.addi %add3A_57, %add3A_153 : i32
        %mul3A_155 = arith.constant 32 : i32
        %mul3A_156 = arith.muli %mul3A_155, %add3A_154 : i32
        %add3A_157 = arith.addi %add3A, %mul3A_156 : i32
        %mul3A_158 = arith.constant 96 : i32
        %mul3A_159 = arith.muli %add3A_157, %mul3A_158 : i32
        %dma_start3A_160 = tpu.memref_slice %arg5[%mul3A_159] : memref<325632xi32, #tpu.memory_space<hbm>> -> memref<96xi32, #tpu.memory_space<hbm>>
        %dma_start3A_161 = tpu.memref_slice %arg5[%mul3A_159] : memref<325632xi32, #tpu.memory_space<hbm>> -> memref<96xi32, #tpu.memory_space<hbm>>
        tpu.enqueue_dma source(%dma_start3A_161 : memref<96xi32, #tpu.memory_space<hbm>>) target(%arg9 : memref<96xi32, #tpu.memory_space<vmem>>) target_semaphore(%arg19 : memref<!tpu.dma_semaphore, #tpu.memory_space<semaphore_mem>>)
      } else {
      }
      %add3A_98 = arith.constant 1 : i32
      %add3A_99 = arith.addi %add3A_57, %add3A_98 : i32
      %dma_wait3A_100 = arith.constant 0 : i32
      %dma_wait3A_101 = arith.constant 0 : i32
      %dma_wait3A_102 = tpu.memref_slice %arg14[%dma_wait3A_100, %dma_wait3A_101] : memref<96x128xf32, #tpu.memory_space<vmem>> -> memref<48x128xf32, #tpu.memory_space<vmem>>
      %dma_wait3A_103 = arith.constant 0 : i32
      %dma_wait3A_104 = tpu.memref_slice %arg12[%dma_wait3A_103] : memref<96xi32, #tpu.memory_space<vmem>> -> memref<48xi32, #tpu.memory_space<vmem>>
      %dma_wait3A_105 = arith.constant 0 : i32
      %dma_wait3A_106 = arith.constant 0 : i32
      %dma_wait3A_107 = tpu.memref_slice %arg2[%dma_wait3A_105, %dma_wait3A_106] : memref<10000x128xf32, #tpu.memory_space<hbm>> -> memref<10000x128xf32, #tpu.memory_space<hbm>>
      tpu.wait_indirect_dma semaphore(%arg17 : memref<!tpu.dma_semaphore, #tpu.memory_space<semaphore_mem>>) src(%dma_wait3A_107 : memref<10000x128xf32, #tpu.memory_space<hbm>>) dst(%dma_wait3A_102 : memref<48x128xf32, #tpu.memory_space<vmem>>)
      %dma_wait3A_108 = arith.constant 48 : i32
      %dma_wait3A_109 = arith.constant 0 : i32
      %dma_wait3A_110 = tpu.memref_slice %arg14[%dma_wait3A_108, %dma_wait3A_109] : memref<96x128xf32, #tpu.memory_space<vmem>> -> memref<48x128xf32, #tpu.memory_space<vmem>>
      %dma_wait3A_111 = arith.constant 48 : i32
      %dma_wait3A_112 = tpu.memref_slice %arg12[%dma_wait3A_111] : memref<96xi32, #tpu.memory_space<vmem>> -> memref<48xi32, #tpu.memory_space<vmem>>
      %dma_wait3A_113 = arith.constant 0 : i32
      %dma_wait3A_114 = arith.constant 0 : i32
      %dma_wait3A_115 = tpu.memref_slice %arg2[%dma_wait3A_113, %dma_wait3A_114] : memref<10000x128xf32, #tpu.memory_space<hbm>> -> memref<10000x128xf32, #tpu.memory_space<hbm>>
      tpu.wait_indirect_dma semaphore(%arg17 : memref<!tpu.dma_semaphore, #tpu.memory_space<semaphore_mem>>) src(%dma_wait3A_115 : memref<10000x128xf32, #tpu.memory_space<hbm>>) dst(%dma_wait3A_110 : memref<48x128xf32, #tpu.memory_space<vmem>>)
      %mul3A_116 = arith.constant 32 : i32
      %mul3A_117 = arith.muli %mul3A_116, %add3A_99 : i32
      %add3A_118 = arith.addi %add3A, %mul3A_117 : i32
      %mul3A_119 = arith.constant 96 : i32
      %mul3A_120 = arith.muli %add3A_118, %mul3A_119 : i32
      %dma_wait3A_121 = arith.constant 0 : i32
      %dma_wait3A_122 = tpu.memref_slice %arg3[%mul3A_120, %dma_wait3A_121] : memref<325632x128xf32, #tpu.memory_space<hbm>> -> memref<96x128xf32, #tpu.memory_space<hbm>>
      %dma_wait3A_123 = arith.constant 0 : i32
      %dma_wait3A_124 = tpu.memref_slice %arg3[%mul3A_120, %dma_wait3A_123] : memref<325632x128xf32, #tpu.memory_space<hbm>> -> memref<96x128xf32, #tpu.memory_space<hbm>>
      tpu.wait_dma2 semaphore(%arg18 : memref<!tpu.dma_semaphore, #tpu.memory_space<semaphore_mem>>) src(%dma_wait3A_124 : memref<96x128xf32, #tpu.memory_space<hbm>>) dst(%arg15 : memref<96x128xf32, #tpu.memory_space<vmem>>)
      %add3A_125 = arith.constant 1 : i32
      %add3A_126 = arith.addi %add3A_99, %add3A_125 : i32
      %lt3A_127 = arith.constant 106 : i32
      %lt3A_128 = arith.cmpi slt, %add3A_126, %lt3A_127 : i32
      %convert_element_type3A_129 = arith.extui %lt3A_128 : i1 to i32
      %cond3A_130 = arith.constant 0 : i32
      %cond3A_131 = arith.cmpi ne, %convert_element_type3A_129, %cond3A_130 : i32
      scf.if %cond3A_131 {
        %add3A_144 = arith.constant 1 : i32
        %add3A_145 = arith.addi %add3A_99, %add3A_144 : i32
        %mul3A_146 = arith.constant 32 : i32
        %mul3A_147 = arith.muli %mul3A_146, %add3A_145 : i32
        %add3A_148 = arith.addi %add3A, %mul3A_147 : i32
        %mul3A_149 = arith.constant 96 : i32
        %mul3A_150 = arith.muli %add3A_148, %mul3A_149 : i32
        %dma_wait3A_151 = tpu.memref_slice %arg4[%mul3A_150] : memref<325632xi32, #tpu.memory_space<hbm>> -> memref<96xi32, #tpu.memory_space<hbm>>
        %dma_wait3A_152 = tpu.memref_slice %arg4[%mul3A_150] : memref<325632xi32, #tpu.memory_space<hbm>> -> memref<96xi32, #tpu.memory_space<hbm>>
        tpu.wait_dma2 semaphore(%arg19 : memref<!tpu.dma_semaphore, #tpu.memory_space<semaphore_mem>>) src(%dma_wait3A_152 : memref<96xi32, #tpu.memory_space<hbm>>) dst(%arg8 : memref<96xi32, #tpu.memory_space<vmem>>)
        %add3A_153 = arith.constant 1 : i32
        %add3A_154 = arith.addi %add3A_99, %add3A_153 : i32
        %mul3A_155 = arith.constant 32 : i32
        %mul3A_156 = arith.muli %mul3A_155, %add3A_154 : i32
        %add3A_157 = arith.addi %add3A, %mul3A_156 : i32
        %mul3A_158 = arith.constant 96 : i32
        %mul3A_159 = arith.muli %add3A_157, %mul3A_158 : i32
        %dma_wait3A_160 = tpu.memref_slice %arg5[%mul3A_159] : memref<325632xi32, #tpu.memory_space<hbm>> -> memref<96xi32, #tpu.memory_space<hbm>>
        %dma_wait3A_161 = tpu.memref_slice %arg5[%mul3A_159] : memref<325632xi32, #tpu.memory_space<hbm>> -> memref<96xi32, #tpu.memory_space<hbm>>
        tpu.wait_dma2 semaphore(%arg19 : memref<!tpu.dma_semaphore, #tpu.memory_space<semaphore_mem>>) src(%dma_wait3A_161 : memref<96xi32, #tpu.memory_space<hbm>>) dst(%arg9 : memref<96xi32, #tpu.memory_space<vmem>>)
        %dma_start3A_162 = arith.constant 0 : i32
        %dma_start3A_163 = arith.constant 0 : i32
        %dma_start3A_164 = tpu.memref_slice %arg10[%dma_start3A_162, %dma_start3A_163] : memref<96x128xf32, #tpu.memory_space<vmem>> -> memref<48x128xf32, #tpu.memory_space<vmem>>
        %dma_start3A_165 = arith.constant 0 : i32
        %dma_start3A_166 = tpu.memref_slice %arg8[%dma_start3A_165] : memref<96xi32, #tpu.memory_space<vmem>> -> memref<48xi32, #tpu.memory_space<vmem>>
        %dma_start3A_167 = arith.constant 0 : i32
        %dma_start3A_168 = arith.constant 0 : i32
        %dma_start3A_169 = tpu.memref_slice %arg2[%dma_start3A_167, %dma_start3A_168] : memref<10000x128xf32, #tpu.memory_space<hbm>> -> memref<10000x128xf32, #tpu.memory_space<hbm>>
        tpu.enqueue_indirect_dma source(%dma_start3A_169 : memref<10000x128xf32, #tpu.memory_space<hbm>>) target(%dma_start3A_164 : memref<48x128xf32, #tpu.memory_space<vmem>>) offsets(%dma_start3A_166 : memref<48xi32, #tpu.memory_space<vmem>>) semaphore(%arg17 : memref<!tpu.dma_semaphore, #tpu.memory_space<semaphore_mem>>)
        %dma_start3A_170 = arith.constant 48 : i32
        %dma_start3A_171 = arith.constant 0 : i32
        %dma_start3A_172 = tpu.memref_slice %arg10[%dma_start3A_170, %dma_start3A_171] : memref<96x128xf32, #tpu.memory_space<vmem>> -> memref<48x128xf32, #tpu.memory_space<vmem>>
        %dma_start3A_173 = arith.constant 48 : i32
        %dma_start3A_174 = tpu.memref_slice %arg8[%dma_start3A_173] : memref<96xi32, #tpu.memory_space<vmem>> -> memref<48xi32, #tpu.memory_space<vmem>>
        %dma_start3A_175 = arith.constant 0 : i32
        %dma_start3A_176 = arith.constant 0 : i32
        %dma_start3A_177 = tpu.memref_slice %arg2[%dma_start3A_175, %dma_start3A_176] : memref<10000x128xf32, #tpu.memory_space<hbm>> -> memref<10000x128xf32, #tpu.memory_space<hbm>>
        tpu.enqueue_indirect_dma source(%dma_start3A_177 : memref<10000x128xf32, #tpu.memory_space<hbm>>) target(%dma_start3A_172 : memref<48x128xf32, #tpu.memory_space<vmem>>) offsets(%dma_start3A_174 : memref<48xi32, #tpu.memory_space<vmem>>) semaphore(%arg17 : memref<!tpu.dma_semaphore, #tpu.memory_space<semaphore_mem>>)
        %add3A_178 = arith.constant 1 : i32
        %add3A_179 = arith.addi %add3A_99, %add3A_178 : i32
        %mul3A_180 = arith.constant 32 : i32
        %mul3A_181 = arith.muli %mul3A_180, %add3A_179 : i32
        %add3A_182 = arith.addi %add3A, %mul3A_181 : i32
        %mul3A_183 = arith.constant 96 : i32
        %mul3A_184 = arith.muli %add3A_182, %mul3A_183 : i32
        %dma_start3A_185 = arith.constant 0 : i32
        %dma_start3A_186 = tpu.memref_slice %arg3[%mul3A_184, %dma_start3A_185] : memref<325632x128xf32, #tpu.memory_space<hbm>> -> memref<96x128xf32, #tpu.memory_space<hbm>>
        %dma_start3A_187 = arith.constant 0 : i32
        %dma_start3A_188 = tpu.memref_slice %arg3[%mul3A_184, %dma_start3A_187] : memref<325632x128xf32, #tpu.memory_space<hbm>> -> memref<96x128xf32, #tpu.memory_space<hbm>>
        tpu.enqueue_dma source(%dma_start3A_188 : memref<96x128xf32, #tpu.memory_space<hbm>>) target(%arg11 : memref<96x128xf32, #tpu.memory_space<vmem>>) target_semaphore(%arg18 : memref<!tpu.dma_semaphore, #tpu.memory_space<semaphore_mem>>)
      } else {
      }
      %scan3A_132 = arith.constant 0 : i32
      %scan3A_133 = arith.constant 96 : i32
      %scan3A_134 = arith.addi %scan3A_132, %scan3A_133 : i32
      %scan3A_135 = arith.constant 1 : i32
      scf.for %scan3A_144 = %scan3A_132 to %scan3A_134 step %scan3A_135  : i32 {
        %mul3A_145 = arith.constant 1 : i32
        %mul3A_146 = arith.muli %scan3A_144, %mul3A_145 : i32
        %add3A_147 = arith.constant 0 : i32
        %add3A_148 = arith.addi %add3A_147, %mul3A_146 : i32
        %get3A = arith.index_cast %add3A_148 : i32 to index
        %get3A_149 = arith.constant 0 : index
        %get3A_150 = tpu.vector_load %arg14[%get3A, %get3A_149] {strides = array<i32>} : memref<96x128xf32, #tpu.memory_space<vmem>>, vector<1x16xf32>,
        %get3A_151 = vector.shape_cast %get3A_150 : vector<1x16xf32> to vector<16xf32>
        %get3A_152 = arith.index_cast %add3A_148 : i32 to index
        %get3A_153 = arith.constant 0 : index
        %get3A_154 = tpu.vector_load %arg15[%get3A_152, %get3A_153] {strides = array<i32>} : memref<96x128xf32, #tpu.memory_space<vmem>>, vector<1x16xf32>,
        %get3A_155 = vector.shape_cast %get3A_154 : vector<1x16xf32> to vector<16xf32>
        %add3A_156 = arith.addf %get3A_151, %get3A_155 : vector<16xf32>
        %max3A = arith.constant 0.000000e+00 : f32
        %max3A_157 = vector.broadcast %max3A : f32 to vector<16xf32>
        %max3A_158 = arith.maximumf %add3A_156, %max3A_157 : vector<16xf32>
        %swap3A = arith.index_cast %add3A_148 : i32 to index
        %swap3A_159 = arith.constant 0 : index
        %swap3A_160 = tpu.vector_load %arg14[%swap3A, %swap3A_159] {strides = array<i32>} : memref<96x128xf32, #tpu.memory_space<vmem>>, vector<1x16xf32>,
        %swap3A_161 = vector.shape_cast %swap3A_160 : vector<1x16xf32> to vector<16xf32>
        %swap3A_162 = vector.shape_cast %max3A_158 : vector<16xf32> to vector<1x16xf32>
        tpu.vector_store %arg14[%swap3A, %swap3A_159], %swap3A_162 {strides = array<i32>} : memref<96x128xf32, #tpu.memory_space<vmem>>, vector<1x16xf32>,
        %get3A_163 = arith.index_cast %add3A_148 : i32 to index
        %get3A_164 = arith.constant 16 : index
        %get3A_165 = tpu.vector_load %arg14[%get3A_163, %get3A_164] {strides = array<i32>} : memref<96x128xf32, #tpu.memory_space<vmem>>, vector<1x16xf32>,
        %get3A_166 = vector.shape_cast %get3A_165 : vector<1x16xf32> to vector<16xf32>
        %get3A_167 = arith.index_cast %add3A_148 : i32 to index
        %get3A_168 = arith.constant 16 : index
        %get3A_169 = tpu.vector_load %arg15[%get3A_167, %get3A_168] {strides = array<i32>} : memref<96x128xf32, #tpu.memory_space<vmem>>, vector<1x16xf32>,
        %get3A_170 = vector.shape_cast %get3A_169 : vector<1x16xf32> to vector<16xf32>
        %add3A_171 = arith.addf %get3A_166, %get3A_170 : vector<16xf32>
        %max3A_172 = arith.constant 0.000000e+00 : f32
        %max3A_173 = vector.broadcast %max3A_172 : f32 to vector<16xf32>
        %max3A_174 = arith.maximumf %add3A_171, %max3A_173 : vector<16xf32>
        %swap3A_175 = arith.index_cast %add3A_148 : i32 to index
        %swap3A_176 = arith.constant 16 : index
        %swap3A_177 = tpu.vector_load %arg14[%swap3A_175, %swap3A_176] {strides = array<i32>} : memref<96x128xf32, #tpu.memory_space<vmem>>, vector<1x16xf32>,
        %swap3A_178 = vector.shape_cast %swap3A_177 : vector<1x16xf32> to vector<16xf32>
        %swap3A_179 = vector.shape_cast %max3A_174 : vector<16xf32> to vector<1x16xf32>
        tpu.vector_store %arg14[%swap3A_175, %swap3A_176], %swap3A_179 {strides = array<i32>} : memref<96x128xf32, #tpu.memory_space<vmem>>, vector<1x16xf32>,
        %get3A_180 = arith.index_cast %add3A_148 : i32 to index
        %get3A_181 = arith.constant 32 : index
        %get3A_182 = tpu.vector_load %arg14[%get3A_180, %get3A_181] {strides = array<i32>} : memref<96x128xf32, #tpu.memory_space<vmem>>, vector<1x16xf32>,
        %get3A_183 = vector.shape_cast %get3A_182 : vector<1x16xf32> to vector<16xf32>
        %get3A_184 = arith.index_cast %add3A_148 : i32 to index
        %get3A_185 = arith.constant 32 : index
        %get3A_186 = tpu.vector_load %arg15[%get3A_184, %get3A_185] {strides = array<i32>} : memref<96x128xf32, #tpu.memory_space<vmem>>, vector<1x16xf32>,
        %get3A_187 = vector.shape_cast %get3A_186 : vector<1x16xf32> to vector<16xf32>
        %add3A_188 = arith.addf %get3A_183, %get3A_187 : vector<16xf32>
        %max3A_189 = arith.constant 0.000000e+00 : f32
        %max3A_190 = vector.broadcast %max3A_189 : f32 to vector<16xf32>
        %max3A_191 = arith.maximumf %add3A_188, %max3A_190 : vector<16xf32>
        %swap3A_192 = arith.index_cast %add3A_148 : i32 to index
        %swap3A_193 = arith.constant 32 : index
        %swap3A_194 = tpu.vector_load %arg14[%swap3A_192, %swap3A_193] {strides = array<i32>} : memref<96x128xf32, #tpu.memory_space<vmem>>, vector<1x16xf32>,
        %swap3A_195 = vector.shape_cast %swap3A_194 : vector<1x16xf32> to vector<16xf32>
        %swap3A_196 = vector.shape_cast %max3A_191 : vector<16xf32> to vector<1x16xf32>
        tpu.vector_store %arg14[%swap3A_192, %swap3A_193], %swap3A_196 {strides = array<i32>} : memref<96x128xf32, #tpu.memory_space<vmem>>, vector<1x16xf32>,
        %get3A_197 = arith.index_cast %add3A_148 : i32 to index
        %get3A_198 = arith.constant 48 : index
        %get3A_199 = tpu.vector_load %arg14[%get3A_197, %get3A_198] {strides = array<i32>} : memref<96x128xf32, #tpu.memory_space<vmem>>, vector<1x16xf32>,
        %get3A_200 = vector.shape_cast %get3A_199 : vector<1x16xf32> to vector<16xf32>
        %get3A_201 = arith.index_cast %add3A_148 : i32 to index
        %get3A_202 = arith.constant 48 : index
        %get3A_203 = tpu.vector_load %arg15[%get3A_201, %get3A_202] {strides = array<i32>} : memref<96x128xf32, #tpu.memory_space<vmem>>, vector<1x16xf32>,
        %get3A_204 = vector.shape_cast %get3A_203 : vector<1x16xf32> to vector<16xf32>
        %add3A_205 = arith.addf %get3A_200, %get3A_204 : vector<16xf32>
        %max3A_206 = arith.constant 0.000000e+00 : f32
        %max3A_207 = vector.broadcast %max3A_206 : f32 to vector<16xf32>
        %max3A_208 = arith.maximumf %add3A_205, %max3A_207 : vector<16xf32>
        %swap3A_209 = arith.index_cast %add3A_148 : i32 to index
        %swap3A_210 = arith.constant 48 : index
        %swap3A_211 = tpu.vector_load %arg14[%swap3A_209, %swap3A_210] {strides = array<i32>} : memref<96x128xf32, #tpu.memory_space<vmem>>, vector<1x16xf32>,
        %swap3A_212 = vector.shape_cast %swap3A_211 : vector<1x16xf32> to vector<16xf32>
        %swap3A_213 = vector.shape_cast %max3A_208 : vector<16xf32> to vector<1x16xf32>
        tpu.vector_store %arg14[%swap3A_209, %swap3A_210], %swap3A_213 {strides = array<i32>} : memref<96x128xf32, #tpu.memory_space<vmem>>, vector<1x16xf32>,
        %get3A_214 = arith.index_cast %add3A_148 : i32 to index
        %get3A_215 = arith.constant 64 : index
        %get3A_216 = tpu.vector_load %arg14[%get3A_214, %get3A_215] {strides = array<i32>} : memref<96x128xf32, #tpu.memory_space<vmem>>, vector<1x16xf32>,
        %get3A_217 = vector.shape_cast %get3A_216 : vector<1x16xf32> to vector<16xf32>
        %get3A_218 = arith.index_cast %add3A_148 : i32 to index
        %get3A_219 = arith.constant 64 : index
        %get3A_220 = tpu.vector_load %arg15[%get3A_218, %get3A_219] {strides = array<i32>} : memref<96x128xf32, #tpu.memory_space<vmem>>, vector<1x16xf32>,
        %get3A_221 = vector.shape_cast %get3A_220 : vector<1x16xf32> to vector<16xf32>
        %add3A_222 = arith.addf %get3A_217, %get3A_221 : vector<16xf32>
        %max3A_223 = arith.constant 0.000000e+00 : f32
        %max3A_224 = vector.broadcast %max3A_223 : f32 to vector<16xf32>
        %max3A_225 = arith.maximumf %add3A_222, %max3A_224 : vector<16xf32>
        %swap3A_226 = arith.index_cast %add3A_148 : i32 to index
        %swap3A_227 = arith.constant 64 : index
        %swap3A_228 = tpu.vector_load %arg14[%swap3A_226, %swap3A_227] {strides = array<i32>} : memref<96x128xf32, #tpu.memory_space<vmem>>, vector<1x16xf32>,
        %swap3A_229 = vector.shape_cast %swap3A_228 : vector<1x16xf32> to vector<16xf32>
        %swap3A_230 = vector.shape_cast %max3A_225 : vector<16xf32> to vector<1x16xf32>
        tpu.vector_store %arg14[%swap3A_226, %swap3A_227], %swap3A_230 {strides = array<i32>} : memref<96x128xf32, #tpu.memory_space<vmem>>, vector<1x16xf32>,
        %get3A_231 = arith.index_cast %add3A_148 : i32 to index
        %get3A_232 = arith.constant 80 : index
        %get3A_233 = tpu.vector_load %arg14[%get3A_231, %get3A_232] {strides = array<i32>} : memref<96x128xf32, #tpu.memory_space<vmem>>, vector<1x16xf32>,
        %get3A_234 = vector.shape_cast %get3A_233 : vector<1x16xf32> to vector<16xf32>
        %get3A_235 = arith.index_cast %add3A_148 : i32 to index
        %get3A_236 = arith.constant 80 : index
        %get3A_237 = tpu.vector_load %arg15[%get3A_235, %get3A_236] {strides = array<i32>} : memref<96x128xf32, #tpu.memory_space<vmem>>, vector<1x16xf32>,
        %get3A_238 = vector.shape_cast %get3A_237 : vector<1x16xf32> to vector<16xf32>
        %add3A_239 = arith.addf %get3A_234, %get3A_238 : vector<16xf32>
        %max3A_240 = arith.constant 0.000000e+00 : f32
        %max3A_241 = vector.broadcast %max3A_240 : f32 to vector<16xf32>
        %max3A_242 = arith.maximumf %add3A_239, %max3A_241 : vector<16xf32>
        %swap3A_243 = arith.index_cast %add3A_148 : i32 to index
        %swap3A_244 = arith.constant 80 : index
        %swap3A_245 = tpu.vector_load %arg14[%swap3A_243, %swap3A_244] {strides = array<i32>} : memref<96x128xf32, #tpu.memory_space<vmem>>, vector<1x16xf32>,
        %swap3A_246 = vector.shape_cast %swap3A_245 : vector<1x16xf32> to vector<16xf32>
        %swap3A_247 = vector.shape_cast %max3A_242 : vector<16xf32> to vector<1x16xf32>
        tpu.vector_store %arg14[%swap3A_243, %swap3A_244], %swap3A_247 {strides = array<i32>} : memref<96x128xf32, #tpu.memory_space<vmem>>, vector<1x16xf32>,
        %get3A_248 = arith.index_cast %add3A_148 : i32 to index
        %get3A_249 = arith.constant 96 : index
        %get3A_250 = tpu.vector_load %arg14[%get3A_248, %get3A_249] {strides = array<i32>} : memref<96x128xf32, #tpu.memory_space<vmem>>, vector<1x16xf32>,
        %get3A_251 = vector.shape_cast %get3A_250 : vector<1x16xf32> to vector<16xf32>
        %get3A_252 = arith.index_cast %add3A_148 : i32 to index
        %get3A_253 = arith.constant 96 : index
        %get3A_254 = tpu.vector_load %arg15[%get3A_252, %get3A_253] {strides = array<i32>} : memref<96x128xf32, #tpu.memory_space<vmem>>, vector<1x16xf32>,
        %get3A_255 = vector.shape_cast %get3A_254 : vector<1x16xf32> to vector<16xf32>
        %add3A_256 = arith.addf %get3A_251, %get3A_255 : vector<16xf32>
        %max3A_257 = arith.constant 0.000000e+00 : f32
        %max3A_258 = vector.broadcast %max3A_257 : f32 to vector<16xf32>
        %max3A_259 = arith.maximumf %add3A_256, %max3A_258 : vector<16xf32>
        %swap3A_260 = arith.index_cast %add3A_148 : i32 to index
        %swap3A_261 = arith.constant 96 : index
        %swap3A_262 = tpu.vector_load %arg14[%swap3A_260, %swap3A_261] {strides = array<i32>} : memref<96x128xf32, #tpu.memory_space<vmem>>, vector<1x16xf32>,
        %swap3A_263 = vector.shape_cast %swap3A_262 : vector<1x16xf32> to vector<16xf32>
        %swap3A_264 = vector.shape_cast %max3A_259 : vector<16xf32> to vector<1x16xf32>
        tpu.vector_store %arg14[%swap3A_260, %swap3A_261], %swap3A_264 {strides = array<i32>} : memref<96x128xf32, #tpu.memory_space<vmem>>, vector<1x16xf32>,
        %get3A_265 = arith.index_cast %add3A_148 : i32 to index
        %get3A_266 = arith.constant 112 : index
        %get3A_267 = tpu.vector_load %arg14[%get3A_265, %get3A_266] {strides = array<i32>} : memref<96x128xf32, #tpu.memory_space<vmem>>, vector<1x16xf32>,
        %get3A_268 = vector.shape_cast %get3A_267 : vector<1x16xf32> to vector<16xf32>
        %get3A_269 = arith.index_cast %add3A_148 : i32 to index
        %get3A_270 = arith.constant 112 : index
        %get3A_271 = tpu.vector_load %arg15[%get3A_269, %get3A_270] {strides = array<i32>} : memref<96x128xf32, #tpu.memory_space<vmem>>, vector<1x16xf32>,
        %get3A_272 = vector.shape_cast %get3A_271 : vector<1x16xf32> to vector<16xf32>
        %add3A_273 = arith.addf %get3A_268, %get3A_272 : vector<16xf32>
        %max3A_274 = arith.constant 0.000000e+00 : f32
        %max3A_275 = vector.broadcast %max3A_274 : f32 to vector<16xf32>
        %max3A_276 = arith.maximumf %add3A_273, %max3A_275 : vector<16xf32>
        %swap3A_277 = arith.index_cast %add3A_148 : i32 to index
        %swap3A_278 = arith.constant 112 : index
        %swap3A_279 = tpu.vector_load %arg14[%swap3A_277, %swap3A_278] {strides = array<i32>} : memref<96x128xf32, #tpu.memory_space<vmem>>, vector<1x16xf32>,
        %swap3A_280 = vector.shape_cast %swap3A_279 : vector<1x16xf32> to vector<16xf32>
        %swap3A_281 = vector.shape_cast %max3A_276 : vector<16xf32> to vector<1x16xf32>
        tpu.vector_store %arg14[%swap3A_277, %swap3A_278], %swap3A_281 {strides = array<i32>} : memref<96x128xf32, #tpu.memory_space<vmem>>, vector<1x16xf32>,
      }
      %scan3A_136 = arith.constant 96 : i32
      "tpu.region"() ({
        %run_scoped3A = tpu.sem_alloc : memref<!tpu.dma_semaphore, #tpu.memory_space<semaphore_mem>>
        %dma_start3A_144 = arith.constant 0 : i32
        %dma_start3A_145 = arith.constant 0 : i32
        %dma_start3A_146 = tpu.memref_slice %arg16[%dma_start3A_144, %dma_start3A_145] : memref<10112x128xf32, #tpu.memory_space<vmem_shared>> -> memref<10112x128xf32, #tpu.memory_space<vmem_shared>>
        tpu.enqueue_indirect_dma source(%arg14 : memref<96x128xf32, #tpu.memory_space<vmem>>) target(%dma_start3A_146 : memref<10112x128xf32, #tpu.memory_space<vmem_shared>>) offsets(%arg13 : memref<96xi32, #tpu.memory_space<vmem>>) semaphore(%run_scoped3A : memref<!tpu.dma_semaphore, #tpu.memory_space<semaphore_mem>>) {add = true}
        %dma_wait3A_147 = arith.constant 0 : i32
        %dma_wait3A_148 = arith.constant 0 : i32
        %dma_wait3A_149 = tpu.memref_slice %arg16[%dma_wait3A_147, %dma_wait3A_148] : memref<10112x128xf32, #tpu.memory_space<vmem_shared>> -> memref<10112x128xf32, #tpu.memory_space<vmem_shared>>
        tpu.wait_indirect_dma semaphore(%run_scoped3A : memref<!tpu.dma_semaphore, #tpu.memory_space<semaphore_mem>>) src(%arg14 : memref<96x128xf32, #tpu.memory_space<vmem>>) dst(%dma_wait3A_149 : memref<10112x128xf32, #tpu.memory_space<vmem_shared>>)
        tpu.yield
      }) : () -> ()
      %add3A_137 = arith.constant 2 : i32
      %add3A_138 = arith.addi %add3A_99, %add3A_137 : i32
      %lt3A_139 = arith.constant 106 : i32
      %lt3A_140 = arith.cmpi slt, %add3A_138, %lt3A_139 : i32
      %convert_element_type3A_141 = arith.extui %lt3A_140 : i1 to i32
      %cond3A_142 = arith.constant 0 : i32
      %cond3A_143 = arith.cmpi ne, %convert_element_type3A_141, %cond3A_142 : i32
      scf.if %cond3A_143 {
        %add3A_144 = arith.constant 2 : i32
        %add3A_145 = arith.addi %add3A_99, %add3A_144 : i32
        %mul3A_146 = arith.constant 32 : i32
        %mul3A_147 = arith.muli %mul3A_146, %add3A_145 : i32
        %add3A_148 = arith.addi %add3A, %mul3A_147 : i32
        %mul3A_149 = arith.constant 96 : i32
        %mul3A_150 = arith.muli %add3A_148, %mul3A_149 : i32
        %dma_start3A_151 = tpu.memref_slice %arg4[%mul3A_150] : memref<325632xi32, #tpu.memory_space<hbm>> -> memref<96xi32, #tpu.memory_space<hbm>>
        %dma_start3A_152 = tpu.memref_slice %arg4[%mul3A_150] : memref<325632xi32, #tpu.memory_space<hbm>> -> memref<96xi32, #tpu.memory_space<hbm>>
        tpu.enqueue_dma source(%dma_start3A_152 : memref<96xi32, #tpu.memory_space<hbm>>) target(%arg12 : memref<96xi32, #tpu.memory_space<vmem>>) target_semaphore(%arg19 : memref<!tpu.dma_semaphore, #tpu.memory_space<semaphore_mem>>)
        %add3A_153 = arith.constant 2 : i32
        %add3A_154 = arith.addi %add3A_99, %add3A_153 : i32
        %mul3A_155 = arith.constant 32 : i32
        %mul3A_156 = arith.muli %mul3A_155, %add3A_154 : i32
        %add3A_157 = arith.addi %add3A, %mul3A_156 : i32
        %mul3A_158 = arith.constant 96 : i32
        %mul3A_159 = arith.muli %add3A_157, %mul3A_158 : i32
        %dma_start3A_160 = tpu.memref_slice %arg5[%mul3A_159] : memref<325632xi32, #tpu.memory_space<hbm>> -> memref<96xi32, #tpu.memory_space<hbm>>
        %dma_start3A_161 = tpu.memref_slice %arg5[%mul3A_159] : memref<325632xi32, #tpu.memory_space<hbm>> -> memref<96xi32, #tpu.memory_space<hbm>>
        tpu.enqueue_dma source(%dma_start3A_161 : memref<96xi32, #tpu.memory_space<hbm>>) target(%arg13 : memref<96xi32, #tpu.memory_space<vmem>>) target_semaphore(%arg19 : memref<!tpu.dma_semaphore, #tpu.memory_space<semaphore_mem>>)
      } else {
      }
    }
    %scan3A_49 = arith.constant 53 : i32
    %barrier3A_50 = arith.constant 0 : index
    tpu.barrier barrier_id(%barrier3A_50)
    %mul3A_51 = arith.constant 632 : i32
    %mul3A_52 = arith.muli %arg1, %mul3A_51 : i32
    "tpu.region"() ({
      %run_scoped3A = tpu.sem_alloc : memref<!tpu.dma_semaphore, #tpu.memory_space<semaphore_mem>>
      %dma_start3A_53 = arith.constant 0 : i32
      %dma_start3A_54 = tpu.memref_slice %arg7[%arg0, %mul3A_52, %dma_start3A_53] : memref<2x10112x128xf32, #tpu.memory_space<hbm>> -> memref<1x632x128xf32, #tpu.memory_space<hbm>>
      %dma_start3A_55 = tpu.memref_squeeze %dma_start3A_54 : memref<1x632x128xf32, #tpu.memory_space<hbm>> -> memref<632x128xf32, #tpu.memory_space<hbm>>
      %dma_start3A_56 = arith.constant 0 : i32
      %dma_start3A_57 = tpu.memref_slice %arg16[%mul3A_52, %dma_start3A_56] : memref<10112x128xf32, #tpu.memory_space<vmem_shared>> -> memref<632x128xf32, #tpu.memory_space<vmem_shared>>
      tpu.enqueue_dma source(%dma_start3A_57 : memref<632x128xf32, #tpu.memory_space<vmem_shared>>) target(%dma_start3A_55 : memref<632x128xf32, #tpu.memory_space<hbm>>) target_semaphore(%run_scoped3A : memref<!tpu.dma_semaphore, #tpu.memory_space<semaphore_mem>>)
      %dma_wait3A = arith.constant 0 : i32
      %dma_wait3A_58 = tpu.memref_slice %arg7[%arg0, %mul3A_52, %dma_wait3A] : memref<2x10112x128xf32, #tpu.memory_space<hbm>> -> memref<1x632x128xf32, #tpu.memory_space<hbm>>
      %dma_wait3A_59 = tpu.memref_squeeze %dma_wait3A_58 : memref<1x632x128xf32, #tpu.memory_space<hbm>> -> memref<632x128xf32, #tpu.memory_space<hbm>>
      %dma_wait3A_60 = arith.constant 0 : i32
      %dma_wait3A_61 = tpu.memref_slice %arg16[%mul3A_52, %dma_wait3A_60] : memref<10112x128xf32, #tpu.memory_space<vmem_shared>> -> memref<632x128xf32, #tpu.memory_space<vmem_shared>>
      tpu.wait_dma2 semaphore(%run_scoped3A : memref<!tpu.dma_semaphore, #tpu.memory_space<semaphore_mem>>) src(%dma_wait3A_61 : memref<632x128xf32, #tpu.memory_space<vmem_shared>>) dst(%dma_wait3A_59 : memref<632x128xf32, #tpu.memory_space<hbm>>)
      tpu.yield
    }) : () -> ()
    return
  }
}

#map = affine_map<(d0, d1) -> (0, 0)>
#map1 = affine_map<(d0, d1) -> (0)>
#map2 = affine_map<(d0, d1) -> (0, 0, 0)>
module attributes {stable_mosaic.version = 14 : i64} {
  func.func @_sc_edge_body(%arg0: i32, %arg1: i32, %arg2: memref<10000x128xf32, #tpu.memory_space<hbm>>, %arg3: memref<325632x128xf32, #tpu.memory_space<hbm>>, %arg4: memref<325632xi32, #tpu.memory_space<hbm>>, %arg5: memref<325632xi32, #tpu.memory_space<hbm>>, %arg6: memref<632x128xf32, #tpu.memory_space<hbm>>, %arg7: memref<2x10112x128xf32, #tpu.memory_space<hbm>>, %arg8: memref<96xi32, #tpu.memory_space<vmem>>, %arg9: memref<96xi32, #tpu.memory_space<vmem>>, %arg10: memref<96x128xf32, #tpu.memory_space<vmem>>, %arg11: memref<96x128xf32, #tpu.memory_space<vmem>>, %arg12: memref<96xi32, #tpu.memory_space<vmem>>, %arg13: memref<96xi32, #tpu.memory_space<vmem>>, %arg14: memref<96x128xf32, #tpu.memory_space<vmem>>, %arg15: memref<96x128xf32, #tpu.memory_space<vmem>>, %arg16: memref<10112x128xf32, #tpu.memory_space<vmem_shared>>, %arg17: memref<!tpu.dma_semaphore, #tpu.memory_space<semaphore_mem>>, %arg18: memref<!tpu.dma_semaphore, #tpu.memory_space<semaphore_mem>>, %arg19: memref<!tpu.dma_semaphore, #tpu.memory_space<semaphore_mem>>) attributes {dimension_semantics = [#tpu.dimension_semantics<core_parallel>, #tpu.dimension_semantics<subcore_parallel>], iteration_bounds = array<i64: 2, 16>, scalar_prefetch = 0 : i64, scratch_operands = 12 : i64, tpu.core_type = #tpu.core_type<sc_vector_subcore>, window_params = [{transform_indices = #map}, {transform_indices = #map}, {transform_indices = #map1}, {transform_indices = #map1}, {transform_indices = #map}, {transform_indices = #map2}]} {
    %mul3A = arith.constant 16 : i32
    %mul3A_0 = arith.muli %arg0, %mul3A : i32
    %add3A = arith.addi %mul3A_0, %arg1 : i32
    %mul3A_1 = arith.constant 632 : i32
    %mul3A_2 = arith.muli %arg1, %mul3A_1 : i32
    "tpu.region"() ({
      %run_scoped3A = tpu.sem_alloc : memref<!tpu.dma_semaphore, #tpu.memory_space<semaphore_mem>>
      %dma_start3A_53 = arith.constant 0 : i32
      %dma_start3A_54 = tpu.memref_slice %arg16[%mul3A_2, %dma_start3A_53] : memref<10112x128xf32, #tpu.memory_space<vmem_shared>> -> memref<632x128xf32, #tpu.memory_space<vmem_shared>>
      tpu.enqueue_dma source(%arg6 : memref<632x128xf32, #tpu.memory_space<hbm>>) target(%dma_start3A_54 : memref<632x128xf32, #tpu.memory_space<vmem_shared>>) target_semaphore(%run_scoped3A : memref<!tpu.dma_semaphore, #tpu.memory_space<semaphore_mem>>)
      %dma_wait3A = arith.constant 0 : i32
      %dma_wait3A_55 = tpu.memref_slice %arg16[%mul3A_2, %dma_wait3A] : memref<10112x128xf32, #tpu.memory_space<vmem_shared>> -> memref<632x128xf32, #tpu.memory_space<vmem_shared>>
      tpu.wait_dma2 semaphore(%run_scoped3A : memref<!tpu.dma_semaphore, #tpu.memory_space<semaphore_mem>>) src(%arg6 : memref<632x128xf32, #tpu.memory_space<hbm>>) dst(%dma_wait3A_55 : memref<632x128xf32, #tpu.memory_space<vmem_shared>>)
      tpu.yield
    }) : () -> ()
    %barrier3A = arith.constant 0 : index
    tpu.barrier barrier_id(%barrier3A)
    %add3A_3 = arith.constant 0 : i32
    %add3A_4 = arith.addi %add3A, %add3A_3 : i32
    %mul3A_5 = arith.constant 96 : i32
    %mul3A_6 = arith.muli %add3A_4, %mul3A_5 : i32
    "tpu.region"() ({
      %run_scoped3A = tpu.sem_alloc : memref<!tpu.dma_semaphore, #tpu.memory_space<semaphore_mem>>
      %dma_start3A_53 = tpu.memref_slice %arg4[%mul3A_6] : memref<325632xi32, #tpu.memory_space<hbm>> -> memref<96xi32, #tpu.memory_space<hbm>>
      %dma_start3A_54 = tpu.memref_slice %arg4[%mul3A_6] : memref<325632xi32, #tpu.memory_space<hbm>> -> memref<96xi32, #tpu.memory_space<hbm>>
      tpu.enqueue_dma source(%dma_start3A_54 : memref<96xi32, #tpu.memory_space<hbm>>) target(%arg8 : memref<96xi32, #tpu.memory_space<vmem>>) target_semaphore(%run_scoped3A : memref<!tpu.dma_semaphore, #tpu.memory_space<semaphore_mem>>)
      %dma_wait3A = tpu.memref_slice %arg4[%mul3A_6] : memref<325632xi32, #tpu.memory_space<hbm>> -> memref<96xi32, #tpu.memory_space<hbm>>
      %dma_wait3A_55 = tpu.memref_slice %arg4[%mul3A_6] : memref<325632xi32, #tpu.memory_space<hbm>> -> memref<96xi32, #tpu.memory_space<hbm>>
      tpu.wait_dma2 semaphore(%run_scoped3A : memref<!tpu.dma_semaphore, #tpu.memory_space<semaphore_mem>>) src(%dma_wait3A_55 : memref<96xi32, #tpu.memory_space<hbm>>) dst(%arg8 : memref<96xi32, #tpu.memory_space<vmem>>)
      tpu.yield
    }) : () -> ()
    %add3A_7 = arith.constant 0 : i32
    %add3A_8 = arith.addi %add3A, %add3A_7 : i32
    %mul3A_9 = arith.constant 96 : i32
    %mul3A_10 = arith.muli %add3A_8, %mul3A_9 : i32
    "tpu.region"() ({
      %run_scoped3A = tpu.sem_alloc : memref<!tpu.dma_semaphore, #tpu.memory_space<semaphore_mem>>
      %dma_start3A_53 = tpu.memref_slice %arg5[%mul3A_10] : memref<325632xi32, #tpu.memory_space<hbm>> -> memref<96xi32, #tpu.memory_space<hbm>>
      %dma_start3A_54 = tpu.memref_slice %arg5[%mul3A_10] : memref<325632xi32, #tpu.memory_space<hbm>> -> memref<96xi32, #tpu.memory_space<hbm>>
      tpu.enqueue_dma source(%dma_start3A_54 : memref<96xi32, #tpu.memory_space<hbm>>) target(%arg9 : memref<96xi32, #tpu.memory_space<vmem>>) target_semaphore(%run_scoped3A : memref<!tpu.dma_semaphore, #tpu.memory_space<semaphore_mem>>)
      %dma_wait3A = tpu.memref_slice %arg5[%mul3A_10] : memref<325632xi32, #tpu.memory_space<hbm>> -> memref<96xi32, #tpu.memory_space<hbm>>
      %dma_wait3A_55 = tpu.memref_slice %arg5[%mul3A_10] : memref<325632xi32, #tpu.memory_space<hbm>> -> memref<96xi32, #tpu.memory_space<hbm>>
      tpu.wait_dma2 semaphore(%run_scoped3A : memref<!tpu.dma_semaphore, #tpu.memory_space<semaphore_mem>>) src(%dma_wait3A_55 : memref<96xi32, #tpu.memory_space<hbm>>) dst(%arg9 : memref<96xi32, #tpu.memory_space<vmem>>)
      tpu.yield
    }) : () -> ()
    %dma_start3A = arith.constant 0 : i32
    %dma_start3A_11 = arith.constant 0 : i32
    %dma_start3A_12 = tpu.memref_slice %arg10[%dma_start3A, %dma_start3A_11] : memref<96x128xf32, #tpu.memory_space<vmem>> -> memref<48x128xf32, #tpu.memory_space<vmem>>
    %dma_start3A_13 = arith.constant 0 : i32
    %dma_start3A_14 = tpu.memref_slice %arg8[%dma_start3A_13] : memref<96xi32, #tpu.memory_space<vmem>> -> memref<48xi32, #tpu.memory_space<vmem>>
    %dma_start3A_15 = arith.constant 0 : i32
    %dma_start3A_16 = arith.constant 0 : i32
    %dma_start3A_17 = tpu.memref_slice %arg2[%dma_start3A_15, %dma_start3A_16] : memref<10000x128xf32, #tpu.memory_space<hbm>> -> memref<10000x128xf32, #tpu.memory_space<hbm>>
    tpu.enqueue_indirect_dma source(%dma_start3A_17 : memref<10000x128xf32, #tpu.memory_space<hbm>>) target(%dma_start3A_12 : memref<48x128xf32, #tpu.memory_space<vmem>>) offsets(%dma_start3A_14 : memref<48xi32, #tpu.memory_space<vmem>>) semaphore(%arg17 : memref<!tpu.dma_semaphore, #tpu.memory_space<semaphore_mem>>)
    %dma_start3A_18 = arith.constant 48 : i32
    %dma_start3A_19 = arith.constant 0 : i32
    %dma_start3A_20 = tpu.memref_slice %arg10[%dma_start3A_18, %dma_start3A_19] : memref<96x128xf32, #tpu.memory_space<vmem>> -> memref<48x128xf32, #tpu.memory_space<vmem>>
    %dma_start3A_21 = arith.constant 48 : i32
    %dma_start3A_22 = tpu.memref_slice %arg8[%dma_start3A_21] : memref<96xi32, #tpu.memory_space<vmem>> -> memref<48xi32, #tpu.memory_space<vmem>>
    %dma_start3A_23 = arith.constant 0 : i32
    %dma_start3A_24 = arith.constant 0 : i32
    %dma_start3A_25 = tpu.memref_slice %arg2[%dma_start3A_23, %dma_start3A_24] : memref<10000x128xf32, #tpu.memory_space<hbm>> -> memref<10000x128xf32, #tpu.memory_space<hbm>>
    tpu.enqueue_indirect_dma source(%dma_start3A_25 : memref<10000x128xf32, #tpu.memory_space<hbm>>) target(%dma_start3A_20 : memref<48x128xf32, #tpu.memory_space<vmem>>) offsets(%dma_start3A_22 : memref<48xi32, #tpu.memory_space<vmem>>) semaphore(%arg17 : memref<!tpu.dma_semaphore, #tpu.memory_space<semaphore_mem>>)
    %add3A_26 = arith.constant 0 : i32
    %add3A_27 = arith.addi %add3A, %add3A_26 : i32
    %mul3A_28 = arith.constant 96 : i32
    %mul3A_29 = arith.muli %add3A_27, %mul3A_28 : i32
    %dma_start3A_30 = arith.constant 0 : i32
    %dma_start3A_31 = tpu.memref_slice %arg3[%mul3A_29, %dma_start3A_30] : memref<325632x128xf32, #tpu.memory_space<hbm>> -> memref<96x128xf32, #tpu.memory_space<hbm>>
    %dma_start3A_32 = arith.constant 0 : i32
    %dma_start3A_33 = tpu.memref_slice %arg3[%mul3A_29, %dma_start3A_32] : memref<325632x128xf32, #tpu.memory_space<hbm>> -> memref<96x128xf32, #tpu.memory_space<hbm>>
    tpu.enqueue_dma source(%dma_start3A_33 : memref<96x128xf32, #tpu.memory_space<hbm>>) target(%arg11 : memref<96x128xf32, #tpu.memory_space<vmem>>) target_semaphore(%arg18 : memref<!tpu.dma_semaphore, #tpu.memory_space<semaphore_mem>>)
    %add3A_34 = arith.constant 32 : i32
    %add3A_35 = arith.addi %add3A, %add3A_34 : i32
    %mul3A_36 = arith.constant 96 : i32
    %mul3A_37 = arith.muli %add3A_35, %mul3A_36 : i32
    %dma_start3A_38 = tpu.memref_slice %arg4[%mul3A_37] : memref<325632xi32, #tpu.memory_space<hbm>> -> memref<96xi32, #tpu.memory_space<hbm>>
    %dma_start3A_39 = tpu.memref_slice %arg4[%mul3A_37] : memref<325632xi32, #tpu.memory_space<hbm>> -> memref<96xi32, #tpu.memory_space<hbm>>
    tpu.enqueue_dma source(%dma_start3A_39 : memref<96xi32, #tpu.memory_space<hbm>>) target(%arg12 : memref<96xi32, #tpu.memory_space<vmem>>) target_semaphore(%arg19 : memref<!tpu.dma_semaphore, #tpu.memory_space<semaphore_mem>>)
    %add3A_40 = arith.constant 32 : i32
    %add3A_41 = arith.addi %add3A, %add3A_40 : i32
    %mul3A_42 = arith.constant 96 : i32
    %mul3A_43 = arith.muli %add3A_41, %mul3A_42 : i32
    %dma_start3A_44 = tpu.memref_slice %arg5[%mul3A_43] : memref<325632xi32, #tpu.memory_space<hbm>> -> memref<96xi32, #tpu.memory_space<hbm>>
    %dma_start3A_45 = tpu.memref_slice %arg5[%mul3A_43] : memref<325632xi32, #tpu.memory_space<hbm>> -> memref<96xi32, #tpu.memory_space<hbm>>
    tpu.enqueue_dma source(%dma_start3A_45 : memref<96xi32, #tpu.memory_space<hbm>>) target(%arg13 : memref<96xi32, #tpu.memory_space<vmem>>) target_semaphore(%arg19 : memref<!tpu.dma_semaphore, #tpu.memory_space<semaphore_mem>>)
    %scan3A = arith.constant 0 : i32
    %scan3A_46 = arith.constant 53 : i32
    %scan3A_47 = arith.addi %scan3A, %scan3A_46 : i32
    %scan3A_48 = arith.constant 1 : i32
    scf.for %scan3A_53 = %scan3A to %scan3A_47 step %scan3A_48  : i32 {
      %mul3A_54 = arith.constant 2 : i32
      %mul3A_55 = arith.muli %scan3A_53, %mul3A_54 : i32
      %add3A_56 = arith.constant 0 : i32
      %add3A_57 = arith.addi %add3A_56, %mul3A_55 : i32
      %dma_wait3A = arith.constant 0 : i32
      %dma_wait3A_58 = arith.constant 0 : i32
      %dma_wait3A_59 = tpu.memref_slice %arg10[%dma_wait3A, %dma_wait3A_58] : memref<96x128xf32, #tpu.memory_space<vmem>> -> memref<48x128xf32, #tpu.memory_space<vmem>>
      %dma_wait3A_60 = arith.constant 0 : i32
      %dma_wait3A_61 = tpu.memref_slice %arg8[%dma_wait3A_60] : memref<96xi32, #tpu.memory_space<vmem>> -> memref<48xi32, #tpu.memory_space<vmem>>
      %dma_wait3A_62 = arith.constant 0 : i32
      %dma_wait3A_63 = arith.constant 0 : i32
      %dma_wait3A_64 = tpu.memref_slice %arg2[%dma_wait3A_62, %dma_wait3A_63] : memref<10000x128xf32, #tpu.memory_space<hbm>> -> memref<10000x128xf32, #tpu.memory_space<hbm>>
      tpu.wait_indirect_dma semaphore(%arg17 : memref<!tpu.dma_semaphore, #tpu.memory_space<semaphore_mem>>) src(%dma_wait3A_64 : memref<10000x128xf32, #tpu.memory_space<hbm>>) dst(%dma_wait3A_59 : memref<48x128xf32, #tpu.memory_space<vmem>>)
      %dma_wait3A_65 = arith.constant 48 : i32
      %dma_wait3A_66 = arith.constant 0 : i32
      %dma_wait3A_67 = tpu.memref_slice %arg10[%dma_wait3A_65, %dma_wait3A_66] : memref<96x128xf32, #tpu.memory_space<vmem>> -> memref<48x128xf32, #tpu.memory_space<vmem>>
      %dma_wait3A_68 = arith.constant 48 : i32
      %dma_wait3A_69 = tpu.memref_slice %arg8[%dma_wait3A_68] : memref<96xi32, #tpu.memory_space<vmem>> -> memref<48xi32, #tpu.memory_space<vmem>>
      %dma_wait3A_70 = arith.constant 0 : i32
      %dma_wait3A_71 = arith.constant 0 : i32
      %dma_wait3A_72 = tpu.memref_slice %arg2[%dma_wait3A_70, %dma_wait3A_71] : memref<10000x128xf32, #tpu.memory_space<hbm>> -> memref<10000x128xf32, #tpu.memory_space<hbm>>
      tpu.wait_indirect_dma semaphore(%arg17 : memref<!tpu.dma_semaphore, #tpu.memory_space<semaphore_mem>>) src(%dma_wait3A_72 : memref<10000x128xf32, #tpu.memory_space<hbm>>) dst(%dma_wait3A_67 : memref<48x128xf32, #tpu.memory_space<vmem>>)
      %mul3A_73 = arith.constant 32 : i32
      %mul3A_74 = arith.muli %mul3A_73, %add3A_57 : i32
      %add3A_75 = arith.addi %add3A, %mul3A_74 : i32
      %mul3A_76 = arith.constant 96 : i32
      %mul3A_77 = arith.muli %add3A_75, %mul3A_76 : i32
      %dma_wait3A_78 = arith.constant 0 : i32
      %dma_wait3A_79 = tpu.memref_slice %arg3[%mul3A_77, %dma_wait3A_78] : memref<325632x128xf32, #tpu.memory_space<hbm>> -> memref<96x128xf32, #tpu.memory_space<hbm>>
      %dma_wait3A_80 = arith.constant 0 : i32
      %dma_wait3A_81 = tpu.memref_slice %arg3[%mul3A_77, %dma_wait3A_80] : memref<325632x128xf32, #tpu.memory_space<hbm>> -> memref<96x128xf32, #tpu.memory_space<hbm>>
      tpu.wait_dma2 semaphore(%arg18 : memref<!tpu.dma_semaphore, #tpu.memory_space<semaphore_mem>>) src(%dma_wait3A_81 : memref<96x128xf32, #tpu.memory_space<hbm>>) dst(%arg11 : memref<96x128xf32, #tpu.memory_space<vmem>>)
      %add3A_82 = arith.constant 1 : i32
      %add3A_83 = arith.addi %add3A_57, %add3A_82 : i32
      %lt3A = arith.constant 106 : i32
      %lt3A_84 = arith.cmpi slt, %add3A_83, %lt3A : i32
      %convert_element_type3A = arith.extui %lt3A_84 : i1 to i32
      %cond3A = arith.constant 0 : i32
      %cond3A_85 = arith.cmpi ne, %convert_element_type3A, %cond3A : i32
      scf.if %cond3A_85 {
        %add3A_144 = arith.constant 1 : i32
        %add3A_145 = arith.addi %add3A_57, %add3A_144 : i32
        %mul3A_146 = arith.constant 32 : i32
        %mul3A_147 = arith.muli %mul3A_146, %add3A_145 : i32
        %add3A_148 = arith.addi %add3A, %mul3A_147 : i32
        %mul3A_149 = arith.constant 96 : i32
        %mul3A_150 = arith.muli %add3A_148, %mul3A_149 : i32
        %dma_wait3A_151 = tpu.memref_slice %arg4[%mul3A_150] : memref<325632xi32, #tpu.memory_space<hbm>> -> memref<96xi32, #tpu.memory_space<hbm>>
        %dma_wait3A_152 = tpu.memref_slice %arg4[%mul3A_150] : memref<325632xi32, #tpu.memory_space<hbm>> -> memref<96xi32, #tpu.memory_space<hbm>>
        tpu.wait_dma2 semaphore(%arg19 : memref<!tpu.dma_semaphore, #tpu.memory_space<semaphore_mem>>) src(%dma_wait3A_152 : memref<96xi32, #tpu.memory_space<hbm>>) dst(%arg12 : memref<96xi32, #tpu.memory_space<vmem>>)
        %add3A_153 = arith.constant 1 : i32
        %add3A_154 = arith.addi %add3A_57, %add3A_153 : i32
        %mul3A_155 = arith.constant 32 : i32
        %mul3A_156 = arith.muli %mul3A_155, %add3A_154 : i32
        %add3A_157 = arith.addi %add3A, %mul3A_156 : i32
        %mul3A_158 = arith.constant 96 : i32
        %mul3A_159 = arith.muli %add3A_157, %mul3A_158 : i32
        %dma_wait3A_160 = tpu.memref_slice %arg5[%mul3A_159] : memref<325632xi32, #tpu.memory_space<hbm>> -> memref<96xi32, #tpu.memory_space<hbm>>
        %dma_wait3A_161 = tpu.memref_slice %arg5[%mul3A_159] : memref<325632xi32, #tpu.memory_space<hbm>> -> memref<96xi32, #tpu.memory_space<hbm>>
        tpu.wait_dma2 semaphore(%arg19 : memref<!tpu.dma_semaphore, #tpu.memory_space<semaphore_mem>>) src(%dma_wait3A_161 : memref<96xi32, #tpu.memory_space<hbm>>) dst(%arg13 : memref<96xi32, #tpu.memory_space<vmem>>)
        %dma_start3A_162 = arith.constant 0 : i32
        %dma_start3A_163 = arith.constant 0 : i32
        %dma_start3A_164 = tpu.memref_slice %arg14[%dma_start3A_162, %dma_start3A_163] : memref<96x128xf32, #tpu.memory_space<vmem>> -> memref<48x128xf32, #tpu.memory_space<vmem>>
        %dma_start3A_165 = arith.constant 0 : i32
        %dma_start3A_166 = tpu.memref_slice %arg12[%dma_start3A_165] : memref<96xi32, #tpu.memory_space<vmem>> -> memref<48xi32, #tpu.memory_space<vmem>>
        %dma_start3A_167 = arith.constant 0 : i32
        %dma_start3A_168 = arith.constant 0 : i32
        %dma_start3A_169 = tpu.memref_slice %arg2[%dma_start3A_167, %dma_start3A_168] : memref<10000x128xf32, #tpu.memory_space<hbm>> -> memref<10000x128xf32, #tpu.memory_space<hbm>>
        tpu.enqueue_indirect_dma source(%dma_start3A_169 : memref<10000x128xf32, #tpu.memory_space<hbm>>) target(%dma_start3A_164 : memref<48x128xf32, #tpu.memory_space<vmem>>) offsets(%dma_start3A_166 : memref<48xi32, #tpu.memory_space<vmem>>) semaphore(%arg17 : memref<!tpu.dma_semaphore, #tpu.memory_space<semaphore_mem>>)
        %dma_start3A_170 = arith.constant 48 : i32
        %dma_start3A_171 = arith.constant 0 : i32
        %dma_start3A_172 = tpu.memref_slice %arg14[%dma_start3A_170, %dma_start3A_171] : memref<96x128xf32, #tpu.memory_space<vmem>> -> memref<48x128xf32, #tpu.memory_space<vmem>>
        %dma_start3A_173 = arith.constant 48 : i32
        %dma_start3A_174 = tpu.memref_slice %arg12[%dma_start3A_173] : memref<96xi32, #tpu.memory_space<vmem>> -> memref<48xi32, #tpu.memory_space<vmem>>
        %dma_start3A_175 = arith.constant 0 : i32
        %dma_start3A_176 = arith.constant 0 : i32
        %dma_start3A_177 = tpu.memref_slice %arg2[%dma_start3A_175, %dma_start3A_176] : memref<10000x128xf32, #tpu.memory_space<hbm>> -> memref<10000x128xf32, #tpu.memory_space<hbm>>
        tpu.enqueue_indirect_dma source(%dma_start3A_177 : memref<10000x128xf32, #tpu.memory_space<hbm>>) target(%dma_start3A_172 : memref<48x128xf32, #tpu.memory_space<vmem>>) offsets(%dma_start3A_174 : memref<48xi32, #tpu.memory_space<vmem>>) semaphore(%arg17 : memref<!tpu.dma_semaphore, #tpu.memory_space<semaphore_mem>>)
        %add3A_178 = arith.constant 1 : i32
        %add3A_179 = arith.addi %add3A_57, %add3A_178 : i32
        %mul3A_180 = arith.constant 32 : i32
        %mul3A_181 = arith.muli %mul3A_180, %add3A_179 : i32
        %add3A_182 = arith.addi %add3A, %mul3A_181 : i32
        %mul3A_183 = arith.constant 96 : i32
        %mul3A_184 = arith.muli %add3A_182, %mul3A_183 : i32
        %dma_start3A_185 = arith.constant 0 : i32
        %dma_start3A_186 = tpu.memref_slice %arg3[%mul3A_184, %dma_start3A_185] : memref<325632x128xf32, #tpu.memory_space<hbm>> -> memref<96x128xf32, #tpu.memory_space<hbm>>
        %dma_start3A_187 = arith.constant 0 : i32
        %dma_start3A_188 = tpu.memref_slice %arg3[%mul3A_184, %dma_start3A_187] : memref<325632x128xf32, #tpu.memory_space<hbm>> -> memref<96x128xf32, #tpu.memory_space<hbm>>
        tpu.enqueue_dma source(%dma_start3A_188 : memref<96x128xf32, #tpu.memory_space<hbm>>) target(%arg15 : memref<96x128xf32, #tpu.memory_space<vmem>>) target_semaphore(%arg18 : memref<!tpu.dma_semaphore, #tpu.memory_space<semaphore_mem>>)
      } else {
      }
      %scan3A_86 = arith.constant 0 : i32
      %scan3A_87 = arith.constant 96 : i32
      %scan3A_88 = arith.addi %scan3A_86, %scan3A_87 : i32
      %scan3A_89 = arith.constant 1 : i32
      scf.for %scan3A_144 = %scan3A_86 to %scan3A_88 step %scan3A_89  : i32 {
        %mul3A_145 = arith.constant 1 : i32
        %mul3A_146 = arith.muli %scan3A_144, %mul3A_145 : i32
        %add3A_147 = arith.constant 0 : i32
        %add3A_148 = arith.addi %add3A_147, %mul3A_146 : i32
        %get3A = arith.index_cast %add3A_148 : i32 to index
        %get3A_149 = arith.constant 0 : index
        %get3A_150 = tpu.vector_load %arg10[%get3A, %get3A_149] {strides = array<i32>} : memref<96x128xf32, #tpu.memory_space<vmem>>, vector<1x16xf32>,
        %get3A_151 = vector.shape_cast %get3A_150 : vector<1x16xf32> to vector<16xf32>
        %get3A_152 = arith.index_cast %add3A_148 : i32 to index
        %get3A_153 = arith.constant 0 : index
        %get3A_154 = tpu.vector_load %arg11[%get3A_152, %get3A_153] {strides = array<i32>} : memref<96x128xf32, #tpu.memory_space<vmem>>, vector<1x16xf32>,
        %get3A_155 = vector.shape_cast %get3A_154 : vector<1x16xf32> to vector<16xf32>
        %add3A_156 = arith.addf %get3A_151, %get3A_155 : vector<16xf32>
        %max3A = arith.constant 0.000000e+00 : f32
        %max3A_157 = vector.broadcast %max3A : f32 to vector<16xf32>
        %max3A_158 = arith.maximumf %add3A_156, %max3A_157 : vector<16xf32>
        %swap3A = arith.index_cast %add3A_148 : i32 to index
        %swap3A_159 = arith.constant 0 : index
        %swap3A_160 = tpu.vector_load %arg10[%swap3A, %swap3A_159] {strides = array<i32>} : memref<96x128xf32, #tpu.memory_space<vmem>>, vector<1x16xf32>,
        %swap3A_161 = vector.shape_cast %swap3A_160 : vector<1x16xf32> to vector<16xf32>
        %swap3A_162 = vector.shape_cast %max3A_158 : vector<16xf32> to vector<1x16xf32>
        tpu.vector_store %arg10[%swap3A, %swap3A_159], %swap3A_162 {strides = array<i32>} : memref<96x128xf32, #tpu.memory_space<vmem>>, vector<1x16xf32>,
        %get3A_163 = arith.index_cast %add3A_148 : i32 to index
        %get3A_164 = arith.constant 16 : index
        %get3A_165 = tpu.vector_load %arg10[%get3A_163, %get3A_164] {strides = array<i32>} : memref<96x128xf32, #tpu.memory_space<vmem>>, vector<1x16xf32>,
        %get3A_166 = vector.shape_cast %get3A_165 : vector<1x16xf32> to vector<16xf32>
        %get3A_167 = arith.index_cast %add3A_148 : i32 to index
        %get3A_168 = arith.constant 16 : index
        %get3A_169 = tpu.vector_load %arg11[%get3A_167, %get3A_168] {strides = array<i32>} : memref<96x128xf32, #tpu.memory_space<vmem>>, vector<1x16xf32>,
        %get3A_170 = vector.shape_cast %get3A_169 : vector<1x16xf32> to vector<16xf32>
        %add3A_171 = arith.addf %get3A_166, %get3A_170 : vector<16xf32>
        %max3A_172 = arith.constant 0.000000e+00 : f32
        %max3A_173 = vector.broadcast %max3A_172 : f32 to vector<16xf32>
        %max3A_174 = arith.maximumf %add3A_171, %max3A_173 : vector<16xf32>
        %swap3A_175 = arith.index_cast %add3A_148 : i32 to index
        %swap3A_176 = arith.constant 16 : index
        %swap3A_177 = tpu.vector_load %arg10[%swap3A_175, %swap3A_176] {strides = array<i32>} : memref<96x128xf32, #tpu.memory_space<vmem>>, vector<1x16xf32>,
        %swap3A_178 = vector.shape_cast %swap3A_177 : vector<1x16xf32> to vector<16xf32>
        %swap3A_179 = vector.shape_cast %max3A_174 : vector<16xf32> to vector<1x16xf32>
        tpu.vector_store %arg10[%swap3A_175, %swap3A_176], %swap3A_179 {strides = array<i32>} : memref<96x128xf32, #tpu.memory_space<vmem>>, vector<1x16xf32>,
        %get3A_180 = arith.index_cast %add3A_148 : i32 to index
        %get3A_181 = arith.constant 32 : index
        %get3A_182 = tpu.vector_load %arg10[%get3A_180, %get3A_181] {strides = array<i32>} : memref<96x128xf32, #tpu.memory_space<vmem>>, vector<1x16xf32>,
        %get3A_183 = vector.shape_cast %get3A_182 : vector<1x16xf32> to vector<16xf32>
        %get3A_184 = arith.index_cast %add3A_148 : i32 to index
        %get3A_185 = arith.constant 32 : index
        %get3A_186 = tpu.vector_load %arg11[%get3A_184, %get3A_185] {strides = array<i32>} : memref<96x128xf32, #tpu.memory_space<vmem>>, vector<1x16xf32>,
        %get3A_187 = vector.shape_cast %get3A_186 : vector<1x16xf32> to vector<16xf32>
        %add3A_188 = arith.addf %get3A_183, %get3A_187 : vector<16xf32>
        %max3A_189 = arith.constant 0.000000e+00 : f32
        %max3A_190 = vector.broadcast %max3A_189 : f32 to vector<16xf32>
        %max3A_191 = arith.maximumf %add3A_188, %max3A_190 : vector<16xf32>
        %swap3A_192 = arith.index_cast %add3A_148 : i32 to index
        %swap3A_193 = arith.constant 32 : index
        %swap3A_194 = tpu.vector_load %arg10[%swap3A_192, %swap3A_193] {strides = array<i32>} : memref<96x128xf32, #tpu.memory_space<vmem>>, vector<1x16xf32>,
        %swap3A_195 = vector.shape_cast %swap3A_194 : vector<1x16xf32> to vector<16xf32>
        %swap3A_196 = vector.shape_cast %max3A_191 : vector<16xf32> to vector<1x16xf32>
        tpu.vector_store %arg10[%swap3A_192, %swap3A_193], %swap3A_196 {strides = array<i32>} : memref<96x128xf32, #tpu.memory_space<vmem>>, vector<1x16xf32>,
        %get3A_197 = arith.index_cast %add3A_148 : i32 to index
        %get3A_198 = arith.constant 48 : index
        %get3A_199 = tpu.vector_load %arg10[%get3A_197, %get3A_198] {strides = array<i32>} : memref<96x128xf32, #tpu.memory_space<vmem>>, vector<1x16xf32>,
        %get3A_200 = vector.shape_cast %get3A_199 : vector<1x16xf32> to vector<16xf32>
        %get3A_201 = arith.index_cast %add3A_148 : i32 to index
        %get3A_202 = arith.constant 48 : index
        %get3A_203 = tpu.vector_load %arg11[%get3A_201, %get3A_202] {strides = array<i32>} : memref<96x128xf32, #tpu.memory_space<vmem>>, vector<1x16xf32>,
        %get3A_204 = vector.shape_cast %get3A_203 : vector<1x16xf32> to vector<16xf32>
        %add3A_205 = arith.addf %get3A_200, %get3A_204 : vector<16xf32>
        %max3A_206 = arith.constant 0.000000e+00 : f32
        %max3A_207 = vector.broadcast %max3A_206 : f32 to vector<16xf32>
        %max3A_208 = arith.maximumf %add3A_205, %max3A_207 : vector<16xf32>
        %swap3A_209 = arith.index_cast %add3A_148 : i32 to index
        %swap3A_210 = arith.constant 48 : index
        %swap3A_211 = tpu.vector_load %arg10[%swap3A_209, %swap3A_210] {strides = array<i32>} : memref<96x128xf32, #tpu.memory_space<vmem>>, vector<1x16xf32>,
        %swap3A_212 = vector.shape_cast %swap3A_211 : vector<1x16xf32> to vector<16xf32>
        %swap3A_213 = vector.shape_cast %max3A_208 : vector<16xf32> to vector<1x16xf32>
        tpu.vector_store %arg10[%swap3A_209, %swap3A_210], %swap3A_213 {strides = array<i32>} : memref<96x128xf32, #tpu.memory_space<vmem>>, vector<1x16xf32>,
        %get3A_214 = arith.index_cast %add3A_148 : i32 to index
        %get3A_215 = arith.constant 64 : index
        %get3A_216 = tpu.vector_load %arg10[%get3A_214, %get3A_215] {strides = array<i32>} : memref<96x128xf32, #tpu.memory_space<vmem>>, vector<1x16xf32>,
        %get3A_217 = vector.shape_cast %get3A_216 : vector<1x16xf32> to vector<16xf32>
        %get3A_218 = arith.index_cast %add3A_148 : i32 to index
        %get3A_219 = arith.constant 64 : index
        %get3A_220 = tpu.vector_load %arg11[%get3A_218, %get3A_219] {strides = array<i32>} : memref<96x128xf32, #tpu.memory_space<vmem>>, vector<1x16xf32>,
        %get3A_221 = vector.shape_cast %get3A_220 : vector<1x16xf32> to vector<16xf32>
        %add3A_222 = arith.addf %get3A_217, %get3A_221 : vector<16xf32>
        %max3A_223 = arith.constant 0.000000e+00 : f32
        %max3A_224 = vector.broadcast %max3A_223 : f32 to vector<16xf32>
        %max3A_225 = arith.maximumf %add3A_222, %max3A_224 : vector<16xf32>
        %swap3A_226 = arith.index_cast %add3A_148 : i32 to index
        %swap3A_227 = arith.constant 64 : index
        %swap3A_228 = tpu.vector_load %arg10[%swap3A_226, %swap3A_227] {strides = array<i32>} : memref<96x128xf32, #tpu.memory_space<vmem>>, vector<1x16xf32>,
        %swap3A_229 = vector.shape_cast %swap3A_228 : vector<1x16xf32> to vector<16xf32>
        %swap3A_230 = vector.shape_cast %max3A_225 : vector<16xf32> to vector<1x16xf32>
        tpu.vector_store %arg10[%swap3A_226, %swap3A_227], %swap3A_230 {strides = array<i32>} : memref<96x128xf32, #tpu.memory_space<vmem>>, vector<1x16xf32>,
        %get3A_231 = arith.index_cast %add3A_148 : i32 to index
        %get3A_232 = arith.constant 80 : index
        %get3A_233 = tpu.vector_load %arg10[%get3A_231, %get3A_232] {strides = array<i32>} : memref<96x128xf32, #tpu.memory_space<vmem>>, vector<1x16xf32>,
        %get3A_234 = vector.shape_cast %get3A_233 : vector<1x16xf32> to vector<16xf32>
        %get3A_235 = arith.index_cast %add3A_148 : i32 to index
        %get3A_236 = arith.constant 80 : index
        %get3A_237 = tpu.vector_load %arg11[%get3A_235, %get3A_236] {strides = array<i32>} : memref<96x128xf32, #tpu.memory_space<vmem>>, vector<1x16xf32>,
        %get3A_238 = vector.shape_cast %get3A_237 : vector<1x16xf32> to vector<16xf32>
        %add3A_239 = arith.addf %get3A_234, %get3A_238 : vector<16xf32>
        %max3A_240 = arith.constant 0.000000e+00 : f32
        %max3A_241 = vector.broadcast %max3A_240 : f32 to vector<16xf32>
        %max3A_242 = arith.maximumf %add3A_239, %max3A_241 : vector<16xf32>
        %swap3A_243 = arith.index_cast %add3A_148 : i32 to index
        %swap3A_244 = arith.constant 80 : index
        %swap3A_245 = tpu.vector_load %arg10[%swap3A_243, %swap3A_244] {strides = array<i32>} : memref<96x128xf32, #tpu.memory_space<vmem>>, vector<1x16xf32>,
        %swap3A_246 = vector.shape_cast %swap3A_245 : vector<1x16xf32> to vector<16xf32>
        %swap3A_247 = vector.shape_cast %max3A_242 : vector<16xf32> to vector<1x16xf32>
        tpu.vector_store %arg10[%swap3A_243, %swap3A_244], %swap3A_247 {strides = array<i32>} : memref<96x128xf32, #tpu.memory_space<vmem>>, vector<1x16xf32>,
        %get3A_248 = arith.index_cast %add3A_148 : i32 to index
        %get3A_249 = arith.constant 96 : index
        %get3A_250 = tpu.vector_load %arg10[%get3A_248, %get3A_249] {strides = array<i32>} : memref<96x128xf32, #tpu.memory_space<vmem>>, vector<1x16xf32>,
        %get3A_251 = vector.shape_cast %get3A_250 : vector<1x16xf32> to vector<16xf32>
        %get3A_252 = arith.index_cast %add3A_148 : i32 to index
        %get3A_253 = arith.constant 96 : index
        %get3A_254 = tpu.vector_load %arg11[%get3A_252, %get3A_253] {strides = array<i32>} : memref<96x128xf32, #tpu.memory_space<vmem>>, vector<1x16xf32>,
        %get3A_255 = vector.shape_cast %get3A_254 : vector<1x16xf32> to vector<16xf32>
        %add3A_256 = arith.addf %get3A_251, %get3A_255 : vector<16xf32>
        %max3A_257 = arith.constant 0.000000e+00 : f32
        %max3A_258 = vector.broadcast %max3A_257 : f32 to vector<16xf32>
        %max3A_259 = arith.maximumf %add3A_256, %max3A_258 : vector<16xf32>
        %swap3A_260 = arith.index_cast %add3A_148 : i32 to index
        %swap3A_261 = arith.constant 96 : index
        %swap3A_262 = tpu.vector_load %arg10[%swap3A_260, %swap3A_261] {strides = array<i32>} : memref<96x128xf32, #tpu.memory_space<vmem>>, vector<1x16xf32>,
        %swap3A_263 = vector.shape_cast %swap3A_262 : vector<1x16xf32> to vector<16xf32>
        %swap3A_264 = vector.shape_cast %max3A_259 : vector<16xf32> to vector<1x16xf32>
        tpu.vector_store %arg10[%swap3A_260, %swap3A_261], %swap3A_264 {strides = array<i32>} : memref<96x128xf32, #tpu.memory_space<vmem>>, vector<1x16xf32>,
        %get3A_265 = arith.index_cast %add3A_148 : i32 to index
        %get3A_266 = arith.constant 112 : index
        %get3A_267 = tpu.vector_load %arg10[%get3A_265, %get3A_266] {strides = array<i32>} : memref<96x128xf32, #tpu.memory_space<vmem>>, vector<1x16xf32>,
        %get3A_268 = vector.shape_cast %get3A_267 : vector<1x16xf32> to vector<16xf32>
        %get3A_269 = arith.index_cast %add3A_148 : i32 to index
        %get3A_270 = arith.constant 112 : index
        %get3A_271 = tpu.vector_load %arg11[%get3A_269, %get3A_270] {strides = array<i32>} : memref<96x128xf32, #tpu.memory_space<vmem>>, vector<1x16xf32>,
        %get3A_272 = vector.shape_cast %get3A_271 : vector<1x16xf32> to vector<16xf32>
        %add3A_273 = arith.addf %get3A_268, %get3A_272 : vector<16xf32>
        %max3A_274 = arith.constant 0.000000e+00 : f32
        %max3A_275 = vector.broadcast %max3A_274 : f32 to vector<16xf32>
        %max3A_276 = arith.maximumf %add3A_273, %max3A_275 : vector<16xf32>
        %swap3A_277 = arith.index_cast %add3A_148 : i32 to index
        %swap3A_278 = arith.constant 112 : index
        %swap3A_279 = tpu.vector_load %arg10[%swap3A_277, %swap3A_278] {strides = array<i32>} : memref<96x128xf32, #tpu.memory_space<vmem>>, vector<1x16xf32>,
        %swap3A_280 = vector.shape_cast %swap3A_279 : vector<1x16xf32> to vector<16xf32>
        %swap3A_281 = vector.shape_cast %max3A_276 : vector<16xf32> to vector<1x16xf32>
        tpu.vector_store %arg10[%swap3A_277, %swap3A_278], %swap3A_281 {strides = array<i32>} : memref<96x128xf32, #tpu.memory_space<vmem>>, vector<1x16xf32>,
      }
      %scan3A_90 = arith.constant 96 : i32
      "tpu.region"() ({
        %run_scoped3A = tpu.sem_alloc : memref<!tpu.dma_semaphore, #tpu.memory_space<semaphore_mem>>
        %dma_start3A_144 = arith.constant 0 : i32
        %dma_start3A_145 = arith.constant 0 : i32
        %dma_start3A_146 = tpu.memref_slice %arg16[%dma_start3A_144, %dma_start3A_145] : memref<10112x128xf32, #tpu.memory_space<vmem_shared>> -> memref<10112x128xf32, #tpu.memory_space<vmem_shared>>
        tpu.enqueue_indirect_dma source(%arg10 : memref<96x128xf32, #tpu.memory_space<vmem>>) target(%dma_start3A_146 : memref<10112x128xf32, #tpu.memory_space<vmem_shared>>) offsets(%arg9 : memref<96xi32, #tpu.memory_space<vmem>>) semaphore(%run_scoped3A : memref<!tpu.dma_semaphore, #tpu.memory_space<semaphore_mem>>) {add = true}
        %dma_wait3A_147 = arith.constant 0 : i32
        %dma_wait3A_148 = arith.constant 0 : i32
        %dma_wait3A_149 = tpu.memref_slice %arg16[%dma_wait3A_147, %dma_wait3A_148] : memref<10112x128xf32, #tpu.memory_space<vmem_shared>> -> memref<10112x128xf32, #tpu.memory_space<vmem_shared>>
        tpu.wait_indirect_dma semaphore(%run_scoped3A : memref<!tpu.dma_semaphore, #tpu.memory_space<semaphore_mem>>) src(%arg10 : memref<96x128xf32, #tpu.memory_space<vmem>>) dst(%dma_wait3A_149 : memref<10112x128xf32, #tpu.memory_space<vmem_shared>>)
        tpu.yield
      }) : () -> ()
      %add3A_91 = arith.constant 2 : i32
      %add3A_92 = arith.addi %add3A_57, %add3A_91 : i32
      %lt3A_93 = arith.constant 106 : i32
      %lt3A_94 = arith.cmpi slt, %add3A_92, %lt3A_93 : i32
      %convert_element_type3A_95 = arith.extui %lt3A_94 : i1 to i32
      %cond3A_96 = arith.constant 0 : i32
      %cond3A_97 = arith.cmpi ne, %convert_element_type3A_95, %cond3A_96 : i32
      scf.if %cond3A_97 {
        %add3A_144 = arith.constant 2 : i32
        %add3A_145 = arith.addi %add3A_57, %add3A_144 : i32
        %mul3A_146 = arith.constant 32 : i32
        %mul3A_147 = arith.muli %mul3A_146, %add3A_145 : i32
        %add3A_148 = arith.addi %add3A, %mul3A_147 : i32
        %mul3A_149 = arith.constant 96 : i32
        %mul3A_150 = arith.muli %add3A_148, %mul3A_149 : i32
        %dma_start3A_151 = tpu.memref_slice %arg4[%mul3A_150] : memref<325632xi32, #tpu.memory_space<hbm>> -> memref<96xi32, #tpu.memory_space<hbm>>
        %dma_start3A_152 = tpu.memref_slice %arg4[%mul3A_150] : memref<325632xi32, #tpu.memory_space<hbm>> -> memref<96xi32, #tpu.memory_space<hbm>>
        tpu.enqueue_dma source(%dma_start3A_152 : memref<96xi32, #tpu.memory_space<hbm>>) target(%arg8 : memref<96xi32, #tpu.memory_space<vmem>>) target_semaphore(%arg19 : memref<!tpu.dma_semaphore, #tpu.memory_space<semaphore_mem>>)
        %add3A_153 = arith.constant 2 : i32
        %add3A_154 = arith.addi %add3A_57, %add3A_153 : i32
        %mul3A_155 = arith.constant 32 : i32
        %mul3A_156 = arith.muli %mul3A_155, %add3A_154 : i32
        %add3A_157 = arith.addi %add3A, %mul3A_156 : i32
        %mul3A_158 = arith.constant 96 : i32
        %mul3A_159 = arith.muli %add3A_157, %mul3A_158 : i32
        %dma_start3A_160 = tpu.memref_slice %arg5[%mul3A_159] : memref<325632xi32, #tpu.memory_space<hbm>> -> memref<96xi32, #tpu.memory_space<hbm>>
        %dma_start3A_161 = tpu.memref_slice %arg5[%mul3A_159] : memref<325632xi32, #tpu.memory_space<hbm>> -> memref<96xi32, #tpu.memory_space<hbm>>
        tpu.enqueue_dma source(%dma_start3A_161 : memref<96xi32, #tpu.memory_space<hbm>>) target(%arg9 : memref<96xi32, #tpu.memory_space<vmem>>) target_semaphore(%arg19 : memref<!tpu.dma_semaphore, #tpu.memory_space<semaphore_mem>>)
      } else {
      }
      %add3A_98 = arith.constant 1 : i32
      %add3A_99 = arith.addi %add3A_57, %add3A_98 : i32
      %dma_wait3A_100 = arith.constant 0 : i32
      %dma_wait3A_101 = arith.constant 0 : i32
      %dma_wait3A_102 = tpu.memref_slice %arg14[%dma_wait3A_100, %dma_wait3A_101] : memref<96x128xf32, #tpu.memory_space<vmem>> -> memref<48x128xf32, #tpu.memory_space<vmem>>
      %dma_wait3A_103 = arith.constant 0 : i32
      %dma_wait3A_104 = tpu.memref_slice %arg12[%dma_wait3A_103] : memref<96xi32, #tpu.memory_space<vmem>> -> memref<48xi32, #tpu.memory_space<vmem>>
      %dma_wait3A_105 = arith.constant 0 : i32
      %dma_wait3A_106 = arith.constant 0 : i32
      %dma_wait3A_107 = tpu.memref_slice %arg2[%dma_wait3A_105, %dma_wait3A_106] : memref<10000x128xf32, #tpu.memory_space<hbm>> -> memref<10000x128xf32, #tpu.memory_space<hbm>>
      tpu.wait_indirect_dma semaphore(%arg17 : memref<!tpu.dma_semaphore, #tpu.memory_space<semaphore_mem>>) src(%dma_wait3A_107 : memref<10000x128xf32, #tpu.memory_space<hbm>>) dst(%dma_wait3A_102 : memref<48x128xf32, #tpu.memory_space<vmem>>)
      %dma_wait3A_108 = arith.constant 48 : i32
      %dma_wait3A_109 = arith.constant 0 : i32
      %dma_wait3A_110 = tpu.memref_slice %arg14[%dma_wait3A_108, %dma_wait3A_109] : memref<96x128xf32, #tpu.memory_space<vmem>> -> memref<48x128xf32, #tpu.memory_space<vmem>>
      %dma_wait3A_111 = arith.constant 48 : i32
      %dma_wait3A_112 = tpu.memref_slice %arg12[%dma_wait3A_111] : memref<96xi32, #tpu.memory_space<vmem>> -> memref<48xi32, #tpu.memory_space<vmem>>
      %dma_wait3A_113 = arith.constant 0 : i32
      %dma_wait3A_114 = arith.constant 0 : i32
      %dma_wait3A_115 = tpu.memref_slice %arg2[%dma_wait3A_113, %dma_wait3A_114] : memref<10000x128xf32, #tpu.memory_space<hbm>> -> memref<10000x128xf32, #tpu.memory_space<hbm>>
      tpu.wait_indirect_dma semaphore(%arg17 : memref<!tpu.dma_semaphore, #tpu.memory_space<semaphore_mem>>) src(%dma_wait3A_115 : memref<10000x128xf32, #tpu.memory_space<hbm>>) dst(%dma_wait3A_110 : memref<48x128xf32, #tpu.memory_space<vmem>>)
      %mul3A_116 = arith.constant 32 : i32
      %mul3A_117 = arith.muli %mul3A_116, %add3A_99 : i32
      %add3A_118 = arith.addi %add3A, %mul3A_117 : i32
      %mul3A_119 = arith.constant 96 : i32
      %mul3A_120 = arith.muli %add3A_118, %mul3A_119 : i32
      %dma_wait3A_121 = arith.constant 0 : i32
      %dma_wait3A_122 = tpu.memref_slice %arg3[%mul3A_120, %dma_wait3A_121] : memref<325632x128xf32, #tpu.memory_space<hbm>> -> memref<96x128xf32, #tpu.memory_space<hbm>>
      %dma_wait3A_123 = arith.constant 0 : i32
      %dma_wait3A_124 = tpu.memref_slice %arg3[%mul3A_120, %dma_wait3A_123] : memref<325632x128xf32, #tpu.memory_space<hbm>> -> memref<96x128xf32, #tpu.memory_space<hbm>>
      tpu.wait_dma2 semaphore(%arg18 : memref<!tpu.dma_semaphore, #tpu.memory_space<semaphore_mem>>) src(%dma_wait3A_124 : memref<96x128xf32, #tpu.memory_space<hbm>>) dst(%arg15 : memref<96x128xf32, #tpu.memory_space<vmem>>)
      %add3A_125 = arith.constant 1 : i32
      %add3A_126 = arith.addi %add3A_99, %add3A_125 : i32
      %lt3A_127 = arith.constant 106 : i32
      %lt3A_128 = arith.cmpi slt, %add3A_126, %lt3A_127 : i32
      %convert_element_type3A_129 = arith.extui %lt3A_128 : i1 to i32
      %cond3A_130 = arith.constant 0 : i32
      %cond3A_131 = arith.cmpi ne, %convert_element_type3A_129, %cond3A_130 : i32
      scf.if %cond3A_131 {
        %add3A_144 = arith.constant 1 : i32
        %add3A_145 = arith.addi %add3A_99, %add3A_144 : i32
        %mul3A_146 = arith.constant 32 : i32
        %mul3A_147 = arith.muli %mul3A_146, %add3A_145 : i32
        %add3A_148 = arith.addi %add3A, %mul3A_147 : i32
        %mul3A_149 = arith.constant 96 : i32
        %mul3A_150 = arith.muli %add3A_148, %mul3A_149 : i32
        %dma_wait3A_151 = tpu.memref_slice %arg4[%mul3A_150] : memref<325632xi32, #tpu.memory_space<hbm>> -> memref<96xi32, #tpu.memory_space<hbm>>
        %dma_wait3A_152 = tpu.memref_slice %arg4[%mul3A_150] : memref<325632xi32, #tpu.memory_space<hbm>> -> memref<96xi32, #tpu.memory_space<hbm>>
        tpu.wait_dma2 semaphore(%arg19 : memref<!tpu.dma_semaphore, #tpu.memory_space<semaphore_mem>>) src(%dma_wait3A_152 : memref<96xi32, #tpu.memory_space<hbm>>) dst(%arg8 : memref<96xi32, #tpu.memory_space<vmem>>)
        %add3A_153 = arith.constant 1 : i32
        %add3A_154 = arith.addi %add3A_99, %add3A_153 : i32
        %mul3A_155 = arith.constant 32 : i32
        %mul3A_156 = arith.muli %mul3A_155, %add3A_154 : i32
        %add3A_157 = arith.addi %add3A, %mul3A_156 : i32
        %mul3A_158 = arith.constant 96 : i32
        %mul3A_159 = arith.muli %add3A_157, %mul3A_158 : i32
        %dma_wait3A_160 = tpu.memref_slice %arg5[%mul3A_159] : memref<325632xi32, #tpu.memory_space<hbm>> -> memref<96xi32, #tpu.memory_space<hbm>>
        %dma_wait3A_161 = tpu.memref_slice %arg5[%mul3A_159] : memref<325632xi32, #tpu.memory_space<hbm>> -> memref<96xi32, #tpu.memory_space<hbm>>
        tpu.wait_dma2 semaphore(%arg19 : memref<!tpu.dma_semaphore, #tpu.memory_space<semaphore_mem>>) src(%dma_wait3A_161 : memref<96xi32, #tpu.memory_space<hbm>>) dst(%arg9 : memref<96xi32, #tpu.memory_space<vmem>>)
        %dma_start3A_162 = arith.constant 0 : i32
        %dma_start3A_163 = arith.constant 0 : i32
        %dma_start3A_164 = tpu.memref_slice %arg10[%dma_start3A_162, %dma_start3A_163] : memref<96x128xf32, #tpu.memory_space<vmem>> -> memref<48x128xf32, #tpu.memory_space<vmem>>
        %dma_start3A_165 = arith.constant 0 : i32
        %dma_start3A_166 = tpu.memref_slice %arg8[%dma_start3A_165] : memref<96xi32, #tpu.memory_space<vmem>> -> memref<48xi32, #tpu.memory_space<vmem>>
        %dma_start3A_167 = arith.constant 0 : i32
        %dma_start3A_168 = arith.constant 0 : i32
        %dma_start3A_169 = tpu.memref_slice %arg2[%dma_start3A_167, %dma_start3A_168] : memref<10000x128xf32, #tpu.memory_space<hbm>> -> memref<10000x128xf32, #tpu.memory_space<hbm>>
        tpu.enqueue_indirect_dma source(%dma_start3A_169 : memref<10000x128xf32, #tpu.memory_space<hbm>>) target(%dma_start3A_164 : memref<48x128xf32, #tpu.memory_space<vmem>>) offsets(%dma_start3A_166 : memref<48xi32, #tpu.memory_space<vmem>>) semaphore(%arg17 : memref<!tpu.dma_semaphore, #tpu.memory_space<semaphore_mem>>)
        %dma_start3A_170 = arith.constant 48 : i32
        %dma_start3A_171 = arith.constant 0 : i32
        %dma_start3A_172 = tpu.memref_slice %arg10[%dma_start3A_170, %dma_start3A_171] : memref<96x128xf32, #tpu.memory_space<vmem>> -> memref<48x128xf32, #tpu.memory_space<vmem>>
        %dma_start3A_173 = arith.constant 48 : i32
        %dma_start3A_174 = tpu.memref_slice %arg8[%dma_start3A_173] : memref<96xi32, #tpu.memory_space<vmem>> -> memref<48xi32, #tpu.memory_space<vmem>>
        %dma_start3A_175 = arith.constant 0 : i32
        %dma_start3A_176 = arith.constant 0 : i32
        %dma_start3A_177 = tpu.memref_slice %arg2[%dma_start3A_175, %dma_start3A_176] : memref<10000x128xf32, #tpu.memory_space<hbm>> -> memref<10000x128xf32, #tpu.memory_space<hbm>>
        tpu.enqueue_indirect_dma source(%dma_start3A_177 : memref<10000x128xf32, #tpu.memory_space<hbm>>) target(%dma_start3A_172 : memref<48x128xf32, #tpu.memory_space<vmem>>) offsets(%dma_start3A_174 : memref<48xi32, #tpu.memory_space<vmem>>) semaphore(%arg17 : memref<!tpu.dma_semaphore, #tpu.memory_space<semaphore_mem>>)
        %add3A_178 = arith.constant 1 : i32
        %add3A_179 = arith.addi %add3A_99, %add3A_178 : i32
        %mul3A_180 = arith.constant 32 : i32
        %mul3A_181 = arith.muli %mul3A_180, %add3A_179 : i32
        %add3A_182 = arith.addi %add3A, %mul3A_181 : i32
        %mul3A_183 = arith.constant 96 : i32
        %mul3A_184 = arith.muli %add3A_182, %mul3A_183 : i32
        %dma_start3A_185 = arith.constant 0 : i32
        %dma_start3A_186 = tpu.memref_slice %arg3[%mul3A_184, %dma_start3A_185] : memref<325632x128xf32, #tpu.memory_space<hbm>> -> memref<96x128xf32, #tpu.memory_space<hbm>>
        %dma_start3A_187 = arith.constant 0 : i32
        %dma_start3A_188 = tpu.memref_slice %arg3[%mul3A_184, %dma_start3A_187] : memref<325632x128xf32, #tpu.memory_space<hbm>> -> memref<96x128xf32, #tpu.memory_space<hbm>>
        tpu.enqueue_dma source(%dma_start3A_188 : memref<96x128xf32, #tpu.memory_space<hbm>>) target(%arg11 : memref<96x128xf32, #tpu.memory_space<vmem>>) target_semaphore(%arg18 : memref<!tpu.dma_semaphore, #tpu.memory_space<semaphore_mem>>)
      } else {
      }
      %scan3A_132 = arith.constant 0 : i32
      %scan3A_133 = arith.constant 96 : i32
      %scan3A_134 = arith.addi %scan3A_132, %scan3A_133 : i32
      %scan3A_135 = arith.constant 1 : i32
      scf.for %scan3A_144 = %scan3A_132 to %scan3A_134 step %scan3A_135  : i32 {
        %mul3A_145 = arith.constant 1 : i32
        %mul3A_146 = arith.muli %scan3A_144, %mul3A_145 : i32
        %add3A_147 = arith.constant 0 : i32
        %add3A_148 = arith.addi %add3A_147, %mul3A_146 : i32
        %get3A = arith.index_cast %add3A_148 : i32 to index
        %get3A_149 = arith.constant 0 : index
        %get3A_150 = tpu.vector_load %arg14[%get3A, %get3A_149] {strides = array<i32>} : memref<96x128xf32, #tpu.memory_space<vmem>>, vector<1x16xf32>,
        %get3A_151 = vector.shape_cast %get3A_150 : vector<1x16xf32> to vector<16xf32>
        %get3A_152 = arith.index_cast %add3A_148 : i32 to index
        %get3A_153 = arith.constant 0 : index
        %get3A_154 = tpu.vector_load %arg15[%get3A_152, %get3A_153] {strides = array<i32>} : memref<96x128xf32, #tpu.memory_space<vmem>>, vector<1x16xf32>,
        %get3A_155 = vector.shape_cast %get3A_154 : vector<1x16xf32> to vector<16xf32>
        %add3A_156 = arith.addf %get3A_151, %get3A_155 : vector<16xf32>
        %max3A = arith.constant 0.000000e+00 : f32
        %max3A_157 = vector.broadcast %max3A : f32 to vector<16xf32>
        %max3A_158 = arith.maximumf %add3A_156, %max3A_157 : vector<16xf32>
        %swap3A = arith.index_cast %add3A_148 : i32 to index
        %swap3A_159 = arith.constant 0 : index
        %swap3A_160 = tpu.vector_load %arg14[%swap3A, %swap3A_159] {strides = array<i32>} : memref<96x128xf32, #tpu.memory_space<vmem>>, vector<1x16xf32>,
        %swap3A_161 = vector.shape_cast %swap3A_160 : vector<1x16xf32> to vector<16xf32>
        %swap3A_162 = vector.shape_cast %max3A_158 : vector<16xf32> to vector<1x16xf32>
        tpu.vector_store %arg14[%swap3A, %swap3A_159], %swap3A_162 {strides = array<i32>} : memref<96x128xf32, #tpu.memory_space<vmem>>, vector<1x16xf32>,
        %get3A_163 = arith.index_cast %add3A_148 : i32 to index
        %get3A_164 = arith.constant 16 : index
        %get3A_165 = tpu.vector_load %arg14[%get3A_163, %get3A_164] {strides = array<i32>} : memref<96x128xf32, #tpu.memory_space<vmem>>, vector<1x16xf32>,
        %get3A_166 = vector.shape_cast %get3A_165 : vector<1x16xf32> to vector<16xf32>
        %get3A_167 = arith.index_cast %add3A_148 : i32 to index
        %get3A_168 = arith.constant 16 : index
        %get3A_169 = tpu.vector_load %arg15[%get3A_167, %get3A_168] {strides = array<i32>} : memref<96x128xf32, #tpu.memory_space<vmem>>, vector<1x16xf32>,
        %get3A_170 = vector.shape_cast %get3A_169 : vector<1x16xf32> to vector<16xf32>
        %add3A_171 = arith.addf %get3A_166, %get3A_170 : vector<16xf32>
        %max3A_172 = arith.constant 0.000000e+00 : f32
        %max3A_173 = vector.broadcast %max3A_172 : f32 to vector<16xf32>
        %max3A_174 = arith.maximumf %add3A_171, %max3A_173 : vector<16xf32>
        %swap3A_175 = arith.index_cast %add3A_148 : i32 to index
        %swap3A_176 = arith.constant 16 : index
        %swap3A_177 = tpu.vector_load %arg14[%swap3A_175, %swap3A_176] {strides = array<i32>} : memref<96x128xf32, #tpu.memory_space<vmem>>, vector<1x16xf32>,
        %swap3A_178 = vector.shape_cast %swap3A_177 : vector<1x16xf32> to vector<16xf32>
        %swap3A_179 = vector.shape_cast %max3A_174 : vector<16xf32> to vector<1x16xf32>
        tpu.vector_store %arg14[%swap3A_175, %swap3A_176], %swap3A_179 {strides = array<i32>} : memref<96x128xf32, #tpu.memory_space<vmem>>, vector<1x16xf32>,
        %get3A_180 = arith.index_cast %add3A_148 : i32 to index
        %get3A_181 = arith.constant 32 : index
        %get3A_182 = tpu.vector_load %arg14[%get3A_180, %get3A_181] {strides = array<i32>} : memref<96x128xf32, #tpu.memory_space<vmem>>, vector<1x16xf32>,
        %get3A_183 = vector.shape_cast %get3A_182 : vector<1x16xf32> to vector<16xf32>
        %get3A_184 = arith.index_cast %add3A_148 : i32 to index
        %get3A_185 = arith.constant 32 : index
        %get3A_186 = tpu.vector_load %arg15[%get3A_184, %get3A_185] {strides = array<i32>} : memref<96x128xf32, #tpu.memory_space<vmem>>, vector<1x16xf32>,
        %get3A_187 = vector.shape_cast %get3A_186 : vector<1x16xf32> to vector<16xf32>
        %add3A_188 = arith.addf %get3A_183, %get3A_187 : vector<16xf32>
        %max3A_189 = arith.constant 0.000000e+00 : f32
        %max3A_190 = vector.broadcast %max3A_189 : f32 to vector<16xf32>
        %max3A_191 = arith.maximumf %add3A_188, %max3A_190 : vector<16xf32>
        %swap3A_192 = arith.index_cast %add3A_148 : i32 to index
        %swap3A_193 = arith.constant 32 : index
        %swap3A_194 = tpu.vector_load %arg14[%swap3A_192, %swap3A_193] {strides = array<i32>} : memref<96x128xf32, #tpu.memory_space<vmem>>, vector<1x16xf32>,
        %swap3A_195 = vector.shape_cast %swap3A_194 : vector<1x16xf32> to vector<16xf32>
        %swap3A_196 = vector.shape_cast %max3A_191 : vector<16xf32> to vector<1x16xf32>
        tpu.vector_store %arg14[%swap3A_192, %swap3A_193], %swap3A_196 {strides = array<i32>} : memref<96x128xf32, #tpu.memory_space<vmem>>, vector<1x16xf32>,
        %get3A_197 = arith.index_cast %add3A_148 : i32 to index
        %get3A_198 = arith.constant 48 : index
        %get3A_199 = tpu.vector_load %arg14[%get3A_197, %get3A_198] {strides = array<i32>} : memref<96x128xf32, #tpu.memory_space<vmem>>, vector<1x16xf32>,
        %get3A_200 = vector.shape_cast %get3A_199 : vector<1x16xf32> to vector<16xf32>
        %get3A_201 = arith.index_cast %add3A_148 : i32 to index
        %get3A_202 = arith.constant 48 : index
        %get3A_203 = tpu.vector_load %arg15[%get3A_201, %get3A_202] {strides = array<i32>} : memref<96x128xf32, #tpu.memory_space<vmem>>, vector<1x16xf32>,
        %get3A_204 = vector.shape_cast %get3A_203 : vector<1x16xf32> to vector<16xf32>
        %add3A_205 = arith.addf %get3A_200, %get3A_204 : vector<16xf32>
        %max3A_206 = arith.constant 0.000000e+00 : f32
        %max3A_207 = vector.broadcast %max3A_206 : f32 to vector<16xf32>
        %max3A_208 = arith.maximumf %add3A_205, %max3A_207 : vector<16xf32>
        %swap3A_209 = arith.index_cast %add3A_148 : i32 to index
        %swap3A_210 = arith.constant 48 : index
        %swap3A_211 = tpu.vector_load %arg14[%swap3A_209, %swap3A_210] {strides = array<i32>} : memref<96x128xf32, #tpu.memory_space<vmem>>, vector<1x16xf32>,
        %swap3A_212 = vector.shape_cast %swap3A_211 : vector<1x16xf32> to vector<16xf32>
        %swap3A_213 = vector.shape_cast %max3A_208 : vector<16xf32> to vector<1x16xf32>
        tpu.vector_store %arg14[%swap3A_209, %swap3A_210], %swap3A_213 {strides = array<i32>} : memref<96x128xf32, #tpu.memory_space<vmem>>, vector<1x16xf32>,
        %get3A_214 = arith.index_cast %add3A_148 : i32 to index
        %get3A_215 = arith.constant 64 : index
        %get3A_216 = tpu.vector_load %arg14[%get3A_214, %get3A_215] {strides = array<i32>} : memref<96x128xf32, #tpu.memory_space<vmem>>, vector<1x16xf32>,
        %get3A_217 = vector.shape_cast %get3A_216 : vector<1x16xf32> to vector<16xf32>
        %get3A_218 = arith.index_cast %add3A_148 : i32 to index
        %get3A_219 = arith.constant 64 : index
        %get3A_220 = tpu.vector_load %arg15[%get3A_218, %get3A_219] {strides = array<i32>} : memref<96x128xf32, #tpu.memory_space<vmem>>, vector<1x16xf32>,
        %get3A_221 = vector.shape_cast %get3A_220 : vector<1x16xf32> to vector<16xf32>
        %add3A_222 = arith.addf %get3A_217, %get3A_221 : vector<16xf32>
        %max3A_223 = arith.constant 0.000000e+00 : f32
        %max3A_224 = vector.broadcast %max3A_223 : f32 to vector<16xf32>
        %max3A_225 = arith.maximumf %add3A_222, %max3A_224 : vector<16xf32>
        %swap3A_226 = arith.index_cast %add3A_148 : i32 to index
        %swap3A_227 = arith.constant 64 : index
        %swap3A_228 = tpu.vector_load %arg14[%swap3A_226, %swap3A_227] {strides = array<i32>} : memref<96x128xf32, #tpu.memory_space<vmem>>, vector<1x16xf32>,
        %swap3A_229 = vector.shape_cast %swap3A_228 : vector<1x16xf32> to vector<16xf32>
        %swap3A_230 = vector.shape_cast %max3A_225 : vector<16xf32> to vector<1x16xf32>
        tpu.vector_store %arg14[%swap3A_226, %swap3A_227], %swap3A_230 {strides = array<i32>} : memref<96x128xf32, #tpu.memory_space<vmem>>, vector<1x16xf32>,
        %get3A_231 = arith.index_cast %add3A_148 : i32 to index
        %get3A_232 = arith.constant 80 : index
        %get3A_233 = tpu.vector_load %arg14[%get3A_231, %get3A_232] {strides = array<i32>} : memref<96x128xf32, #tpu.memory_space<vmem>>, vector<1x16xf32>,
        %get3A_234 = vector.shape_cast %get3A_233 : vector<1x16xf32> to vector<16xf32>
        %get3A_235 = arith.index_cast %add3A_148 : i32 to index
        %get3A_236 = arith.constant 80 : index
        %get3A_237 = tpu.vector_load %arg15[%get3A_235, %get3A_236] {strides = array<i32>} : memref<96x128xf32, #tpu.memory_space<vmem>>, vector<1x16xf32>,
        %get3A_238 = vector.shape_cast %get3A_237 : vector<1x16xf32> to vector<16xf32>
        %add3A_239 = arith.addf %get3A_234, %get3A_238 : vector<16xf32>
        %max3A_240 = arith.constant 0.000000e+00 : f32
        %max3A_241 = vector.broadcast %max3A_240 : f32 to vector<16xf32>
        %max3A_242 = arith.maximumf %add3A_239, %max3A_241 : vector<16xf32>
        %swap3A_243 = arith.index_cast %add3A_148 : i32 to index
        %swap3A_244 = arith.constant 80 : index
        %swap3A_245 = tpu.vector_load %arg14[%swap3A_243, %swap3A_244] {strides = array<i32>} : memref<96x128xf32, #tpu.memory_space<vmem>>, vector<1x16xf32>,
        %swap3A_246 = vector.shape_cast %swap3A_245 : vector<1x16xf32> to vector<16xf32>
        %swap3A_247 = vector.shape_cast %max3A_242 : vector<16xf32> to vector<1x16xf32>
        tpu.vector_store %arg14[%swap3A_243, %swap3A_244], %swap3A_247 {strides = array<i32>} : memref<96x128xf32, #tpu.memory_space<vmem>>, vector<1x16xf32>,
        %get3A_248 = arith.index_cast %add3A_148 : i32 to index
        %get3A_249 = arith.constant 96 : index
        %get3A_250 = tpu.vector_load %arg14[%get3A_248, %get3A_249] {strides = array<i32>} : memref<96x128xf32, #tpu.memory_space<vmem>>, vector<1x16xf32>,
        %get3A_251 = vector.shape_cast %get3A_250 : vector<1x16xf32> to vector<16xf32>
        %get3A_252 = arith.index_cast %add3A_148 : i32 to index
        %get3A_253 = arith.constant 96 : index
        %get3A_254 = tpu.vector_load %arg15[%get3A_252, %get3A_253] {strides = array<i32>} : memref<96x128xf32, #tpu.memory_space<vmem>>, vector<1x16xf32>,
        %get3A_255 = vector.shape_cast %get3A_254 : vector<1x16xf32> to vector<16xf32>
        %add3A_256 = arith.addf %get3A_251, %get3A_255 : vector<16xf32>
        %max3A_257 = arith.constant 0.000000e+00 : f32
        %max3A_258 = vector.broadcast %max3A_257 : f32 to vector<16xf32>
        %max3A_259 = arith.maximumf %add3A_256, %max3A_258 : vector<16xf32>
        %swap3A_260 = arith.index_cast %add3A_148 : i32 to index
        %swap3A_261 = arith.constant 96 : index
        %swap3A_262 = tpu.vector_load %arg14[%swap3A_260, %swap3A_261] {strides = array<i32>} : memref<96x128xf32, #tpu.memory_space<vmem>>, vector<1x16xf32>,
        %swap3A_263 = vector.shape_cast %swap3A_262 : vector<1x16xf32> to vector<16xf32>
        %swap3A_264 = vector.shape_cast %max3A_259 : vector<16xf32> to vector<1x16xf32>
        tpu.vector_store %arg14[%swap3A_260, %swap3A_261], %swap3A_264 {strides = array<i32>} : memref<96x128xf32, #tpu.memory_space<vmem>>, vector<1x16xf32>,
        %get3A_265 = arith.index_cast %add3A_148 : i32 to index
        %get3A_266 = arith.constant 112 : index
        %get3A_267 = tpu.vector_load %arg14[%get3A_265, %get3A_266] {strides = array<i32>} : memref<96x128xf32, #tpu.memory_space<vmem>>, vector<1x16xf32>,
        %get3A_268 = vector.shape_cast %get3A_267 : vector<1x16xf32> to vector<16xf32>
        %get3A_269 = arith.index_cast %add3A_148 : i32 to index
        %get3A_270 = arith.constant 112 : index
        %get3A_271 = tpu.vector_load %arg15[%get3A_269, %get3A_270] {strides = array<i32>} : memref<96x128xf32, #tpu.memory_space<vmem>>, vector<1x16xf32>,
        %get3A_272 = vector.shape_cast %get3A_271 : vector<1x16xf32> to vector<16xf32>
        %add3A_273 = arith.addf %get3A_268, %get3A_272 : vector<16xf32>
        %max3A_274 = arith.constant 0.000000e+00 : f32
        %max3A_275 = vector.broadcast %max3A_274 : f32 to vector<16xf32>
        %max3A_276 = arith.maximumf %add3A_273, %max3A_275 : vector<16xf32>
        %swap3A_277 = arith.index_cast %add3A_148 : i32 to index
        %swap3A_278 = arith.constant 112 : index
        %swap3A_279 = tpu.vector_load %arg14[%swap3A_277, %swap3A_278] {strides = array<i32>} : memref<96x128xf32, #tpu.memory_space<vmem>>, vector<1x16xf32>,
        %swap3A_280 = vector.shape_cast %swap3A_279 : vector<1x16xf32> to vector<16xf32>
        %swap3A_281 = vector.shape_cast %max3A_276 : vector<16xf32> to vector<1x16xf32>
        tpu.vector_store %arg14[%swap3A_277, %swap3A_278], %swap3A_281 {strides = array<i32>} : memref<96x128xf32, #tpu.memory_space<vmem>>, vector<1x16xf32>,
      }
      %scan3A_136 = arith.constant 96 : i32
      "tpu.region"() ({
        %run_scoped3A = tpu.sem_alloc : memref<!tpu.dma_semaphore, #tpu.memory_space<semaphore_mem>>
        %dma_start3A_144 = arith.constant 0 : i32
        %dma_start3A_145 = arith.constant 0 : i32
        %dma_start3A_146 = tpu.memref_slice %arg16[%dma_start3A_144, %dma_start3A_145] : memref<10112x128xf32, #tpu.memory_space<vmem_shared>> -> memref<10112x128xf32, #tpu.memory_space<vmem_shared>>
        tpu.enqueue_indirect_dma source(%arg14 : memref<96x128xf32, #tpu.memory_space<vmem>>) target(%dma_start3A_146 : memref<10112x128xf32, #tpu.memory_space<vmem_shared>>) offsets(%arg13 : memref<96xi32, #tpu.memory_space<vmem>>) semaphore(%run_scoped3A : memref<!tpu.dma_semaphore, #tpu.memory_space<semaphore_mem>>) {add = true}
        %dma_wait3A_147 = arith.constant 0 : i32
        %dma_wait3A_148 = arith.constant 0 : i32
        %dma_wait3A_149 = tpu.memref_slice %arg16[%dma_wait3A_147, %dma_wait3A_148] : memref<10112x128xf32, #tpu.memory_space<vmem_shared>> -> memref<10112x128xf32, #tpu.memory_space<vmem_shared>>
        tpu.wait_indirect_dma semaphore(%run_scoped3A : memref<!tpu.dma_semaphore, #tpu.memory_space<semaphore_mem>>) src(%arg14 : memref<96x128xf32, #tpu.memory_space<vmem>>) dst(%dma_wait3A_149 : memref<10112x128xf32, #tpu.memory_space<vmem_shared>>)
        tpu.yield
      }) : () -> ()
      %add3A_137 = arith.constant 2 : i32
      %add3A_138 = arith.addi %add3A_99, %add3A_137 : i32
      %lt3A_139 = arith.constant 106 : i32
      %lt3A_140 = arith.cmpi slt, %add3A_138, %lt3A_139 : i32
      %convert_element_type3A_141 = arith.extui %lt3A_140 : i1 to i32
      %cond3A_142 = arith.constant 0 : i32
      %cond3A_143 = arith.cmpi ne, %convert_element_type3A_141, %cond3A_142 : i32
      scf.if %cond3A_143 {
        %add3A_144 = arith.constant 2 : i32
        %add3A_145 = arith.addi %add3A_99, %add3A_144 : i32
        %mul3A_146 = arith.constant 32 : i32
        %mul3A_147 = arith.muli %mul3A_146, %add3A_145 : i32
        %add3A_148 = arith.addi %add3A, %mul3A_147 : i32
        %mul3A_149 = arith.constant 96 : i32
        %mul3A_150 = arith.muli %add3A_148, %mul3A_149 : i32
        %dma_start3A_151 = tpu.memref_slice %arg4[%mul3A_150] : memref<325632xi32, #tpu.memory_space<hbm>> -> memref<96xi32, #tpu.memory_space<hbm>>
        %dma_start3A_152 = tpu.memref_slice %arg4[%mul3A_150] : memref<325632xi32, #tpu.memory_space<hbm>> -> memref<96xi32, #tpu.memory_space<hbm>>
        tpu.enqueue_dma source(%dma_start3A_152 : memref<96xi32, #tpu.memory_space<hbm>>) target(%arg12 : memref<96xi32, #tpu.memory_space<vmem>>) target_semaphore(%arg19 : memref<!tpu.dma_semaphore, #tpu.memory_space<semaphore_mem>>)
        %add3A_153 = arith.constant 2 : i32
        %add3A_154 = arith.addi %add3A_99, %add3A_153 : i32
        %mul3A_155 = arith.constant 32 : i32
        %mul3A_156 = arith.muli %mul3A_155, %add3A_154 : i32
        %add3A_157 = arith.addi %add3A, %mul3A_156 : i32
        %mul3A_158 = arith.constant 96 : i32
        %mul3A_159 = arith.muli %add3A_157, %mul3A_158 : i32
        %dma_start3A_160 = tpu.memref_slice %arg5[%mul3A_159] : memref<325632xi32, #tpu.memory_space<hbm>> -> memref<96xi32, #tpu.memory_space<hbm>>
        %dma_start3A_161 = tpu.memref_slice %arg5[%mul3A_159] : memref<325632xi32, #tpu.memory_space<hbm>> -> memref<96xi32, #tpu.memory_space<hbm>>
        tpu.enqueue_dma source(%dma_start3A_161 : memref<96xi32, #tpu.memory_space<hbm>>) target(%arg13 : memref<96xi32, #tpu.memory_space<vmem>>) target_semaphore(%arg19 : memref<!tpu.dma_semaphore, #tpu.memory_space<semaphore_mem>>)
      } else {
      }
    }
    %scan3A_49 = arith.constant 53 : i32
    %barrier3A_50 = arith.constant 0 : index
    tpu.barrier barrier_id(%barrier3A_50)
    %mul3A_51 = arith.constant 632 : i32
    %mul3A_52 = arith.muli %arg1, %mul3A_51 : i32
    "tpu.region"() ({
      %run_scoped3A = tpu.sem_alloc : memref<!tpu.dma_semaphore, #tpu.memory_space<semaphore_mem>>
      %dma_start3A_53 = arith.constant 0 : i32
      %dma_start3A_54 = tpu.memref_slice %arg7[%arg0, %mul3A_52, %dma_start3A_53] : memref<2x10112x128xf32, #tpu.memory_space<hbm>> -> memref<1x632x128xf32, #tpu.memory_space<hbm>>
      %dma_start3A_55 = tpu.memref_squeeze %dma_start3A_54 : memref<1x632x128xf32, #tpu.memory_space<hbm>> -> memref<632x128xf32, #tpu.memory_space<hbm>>
      %dma_start3A_56 = arith.constant 0 : i32
      %dma_start3A_57 = tpu.memref_slice %arg16[%mul3A_52, %dma_start3A_56] : memref<10112x128xf32, #tpu.memory_space<vmem_shared>> -> memref<632x128xf32, #tpu.memory_space<vmem_shared>>
      tpu.enqueue_dma source(%dma_start3A_57 : memref<632x128xf32, #tpu.memory_space<vmem_shared>>) target(%dma_start3A_55 : memref<632x128xf32, #tpu.memory_space<hbm>>) target_semaphore(%run_scoped3A : memref<!tpu.dma_semaphore, #tpu.memory_space<semaphore_mem>>)
      %dma_wait3A = arith.constant 0 : i32
      %dma_wait3A_58 = tpu.memref_slice %arg7[%arg0, %mul3A_52, %dma_wait3A] : memref<2x10112x128xf32, #tpu.memory_space<hbm>> -> memref<1x632x128xf32, #tpu.memory_space<hbm>>
      %dma_wait3A_59 = tpu.memref_squeeze %dma_wait3A_58 : memref<1x632x128xf32, #tpu.memory_space<hbm>> -> memref<632x128xf32, #tpu.memory_space<hbm>>
      %dma_wait3A_60 = arith.constant 0 : i32
      %dma_wait3A_61 = tpu.memref_slice %arg16[%mul3A_52, %dma_wait3A_60] : memref<10112x128xf32, #tpu.memory_space<vmem_shared>> -> memref<632x128xf32, #tpu.memory_space<vmem_shared>>
      tpu.wait_dma2 semaphore(%run_scoped3A : memref<!tpu.dma_semaphore, #tpu.memory_space<semaphore_mem>>) src(%dma_wait3A_61 : memref<632x128xf32, #tpu.memory_space<vmem_shared>>) dst(%dma_wait3A_59 : memref<632x128xf32, #tpu.memory_space<hbm>>)
      tpu.yield
    }) : () -> ()
    return
  }
}

#map = affine_map<(d0, d1) -> (0, 0)>
#map1 = affine_map<(d0, d1) -> (0)>
#map2 = affine_map<(d0, d1) -> (0, 0, 0)>
module attributes {stable_mosaic.version = 14 : i64} {
  func.func @_sc_edge_body(%arg0: i32, %arg1: i32, %arg2: memref<10000x128xf32, #tpu.memory_space<hbm>>, %arg3: memref<325632x128xf32, #tpu.memory_space<hbm>>, %arg4: memref<325632xi32, #tpu.memory_space<hbm>>, %arg5: memref<325632xi32, #tpu.memory_space<hbm>>, %arg6: memref<632x128xf32, #tpu.memory_space<hbm>>, %arg7: memref<2x10112x128xf32, #tpu.memory_space<hbm>>, %arg8: memref<96xi32, #tpu.memory_space<vmem>>, %arg9: memref<96xi32, #tpu.memory_space<vmem>>, %arg10: memref<96x128xf32, #tpu.memory_space<vmem>>, %arg11: memref<96x128xf32, #tpu.memory_space<vmem>>, %arg12: memref<96xi32, #tpu.memory_space<vmem>>, %arg13: memref<96xi32, #tpu.memory_space<vmem>>, %arg14: memref<96x128xf32, #tpu.memory_space<vmem>>, %arg15: memref<96x128xf32, #tpu.memory_space<vmem>>, %arg16: memref<10112x128xf32, #tpu.memory_space<vmem_shared>>, %arg17: memref<!tpu.dma_semaphore, #tpu.memory_space<semaphore_mem>>, %arg18: memref<!tpu.dma_semaphore, #tpu.memory_space<semaphore_mem>>, %arg19: memref<!tpu.dma_semaphore, #tpu.memory_space<semaphore_mem>>) attributes {dimension_semantics = [#tpu.dimension_semantics<core_parallel>, #tpu.dimension_semantics<subcore_parallel>], iteration_bounds = array<i64: 2, 16>, scalar_prefetch = 0 : i64, scratch_operands = 12 : i64, tpu.core_type = #tpu.core_type<sc_vector_subcore>, window_params = [{transform_indices = #map}, {transform_indices = #map}, {transform_indices = #map1}, {transform_indices = #map1}, {transform_indices = #map}, {transform_indices = #map2}]} {
    %mul3A = arith.constant 16 : i32
    %mul3A_0 = arith.muli %arg0, %mul3A : i32
    %add3A = arith.addi %mul3A_0, %arg1 : i32
    %mul3A_1 = arith.constant 632 : i32
    %mul3A_2 = arith.muli %arg1, %mul3A_1 : i32
    "tpu.region"() ({
      %run_scoped3A = tpu.sem_alloc : memref<!tpu.dma_semaphore, #tpu.memory_space<semaphore_mem>>
      %dma_start3A_53 = arith.constant 0 : i32
      %dma_start3A_54 = tpu.memref_slice %arg16[%mul3A_2, %dma_start3A_53] : memref<10112x128xf32, #tpu.memory_space<vmem_shared>> -> memref<632x128xf32, #tpu.memory_space<vmem_shared>>
      tpu.enqueue_dma source(%arg6 : memref<632x128xf32, #tpu.memory_space<hbm>>) target(%dma_start3A_54 : memref<632x128xf32, #tpu.memory_space<vmem_shared>>) target_semaphore(%run_scoped3A : memref<!tpu.dma_semaphore, #tpu.memory_space<semaphore_mem>>)
      %dma_wait3A = arith.constant 0 : i32
      %dma_wait3A_55 = tpu.memref_slice %arg16[%mul3A_2, %dma_wait3A] : memref<10112x128xf32, #tpu.memory_space<vmem_shared>> -> memref<632x128xf32, #tpu.memory_space<vmem_shared>>
      tpu.wait_dma2 semaphore(%run_scoped3A : memref<!tpu.dma_semaphore, #tpu.memory_space<semaphore_mem>>) src(%arg6 : memref<632x128xf32, #tpu.memory_space<hbm>>) dst(%dma_wait3A_55 : memref<632x128xf32, #tpu.memory_space<vmem_shared>>)
      tpu.yield
    }) : () -> ()
    %barrier3A = arith.constant 0 : index
    tpu.barrier barrier_id(%barrier3A)
    %add3A_3 = arith.constant 0 : i32
    %add3A_4 = arith.addi %add3A, %add3A_3 : i32
    %mul3A_5 = arith.constant 96 : i32
    %mul3A_6 = arith.muli %add3A_4, %mul3A_5 : i32
    "tpu.region"() ({
      %run_scoped3A = tpu.sem_alloc : memref<!tpu.dma_semaphore, #tpu.memory_space<semaphore_mem>>
      %dma_start3A_53 = tpu.memref_slice %arg4[%mul3A_6] : memref<325632xi32, #tpu.memory_space<hbm>> -> memref<96xi32, #tpu.memory_space<hbm>>
      %dma_start3A_54 = tpu.memref_slice %arg4[%mul3A_6] : memref<325632xi32, #tpu.memory_space<hbm>> -> memref<96xi32, #tpu.memory_space<hbm>>
      tpu.enqueue_dma source(%dma_start3A_54 : memref<96xi32, #tpu.memory_space<hbm>>) target(%arg8 : memref<96xi32, #tpu.memory_space<vmem>>) target_semaphore(%run_scoped3A : memref<!tpu.dma_semaphore, #tpu.memory_space<semaphore_mem>>)
      %dma_wait3A = tpu.memref_slice %arg4[%mul3A_6] : memref<325632xi32, #tpu.memory_space<hbm>> -> memref<96xi32, #tpu.memory_space<hbm>>
      %dma_wait3A_55 = tpu.memref_slice %arg4[%mul3A_6] : memref<325632xi32, #tpu.memory_space<hbm>> -> memref<96xi32, #tpu.memory_space<hbm>>
      tpu.wait_dma2 semaphore(%run_scoped3A : memref<!tpu.dma_semaphore, #tpu.memory_space<semaphore_mem>>) src(%dma_wait3A_55 : memref<96xi32, #tpu.memory_space<hbm>>) dst(%arg8 : memref<96xi32, #tpu.memory_space<vmem>>)
      tpu.yield
    }) : () -> ()
    %add3A_7 = arith.constant 0 : i32
    %add3A_8 = arith.addi %add3A, %add3A_7 : i32
    %mul3A_9 = arith.constant 96 : i32
    %mul3A_10 = arith.muli %add3A_8, %mul3A_9 : i32
    "tpu.region"() ({
      %run_scoped3A = tpu.sem_alloc : memref<!tpu.dma_semaphore, #tpu.memory_space<semaphore_mem>>
      %dma_start3A_53 = tpu.memref_slice %arg5[%mul3A_10] : memref<325632xi32, #tpu.memory_space<hbm>> -> memref<96xi32, #tpu.memory_space<hbm>>
      %dma_start3A_54 = tpu.memref_slice %arg5[%mul3A_10] : memref<325632xi32, #tpu.memory_space<hbm>> -> memref<96xi32, #tpu.memory_space<hbm>>
      tpu.enqueue_dma source(%dma_start3A_54 : memref<96xi32, #tpu.memory_space<hbm>>) target(%arg9 : memref<96xi32, #tpu.memory_space<vmem>>) target_semaphore(%run_scoped3A : memref<!tpu.dma_semaphore, #tpu.memory_space<semaphore_mem>>)
      %dma_wait3A = tpu.memref_slice %arg5[%mul3A_10] : memref<325632xi32, #tpu.memory_space<hbm>> -> memref<96xi32, #tpu.memory_space<hbm>>
      %dma_wait3A_55 = tpu.memref_slice %arg5[%mul3A_10] : memref<325632xi32, #tpu.memory_space<hbm>> -> memref<96xi32, #tpu.memory_space<hbm>>
      tpu.wait_dma2 semaphore(%run_scoped3A : memref<!tpu.dma_semaphore, #tpu.memory_space<semaphore_mem>>) src(%dma_wait3A_55 : memref<96xi32, #tpu.memory_space<hbm>>) dst(%arg9 : memref<96xi32, #tpu.memory_space<vmem>>)
      tpu.yield
    }) : () -> ()
    %dma_start3A = arith.constant 0 : i32
    %dma_start3A_11 = arith.constant 0 : i32
    %dma_start3A_12 = tpu.memref_slice %arg10[%dma_start3A, %dma_start3A_11] : memref<96x128xf32, #tpu.memory_space<vmem>> -> memref<48x128xf32, #tpu.memory_space<vmem>>
    %dma_start3A_13 = arith.constant 0 : i32
    %dma_start3A_14 = tpu.memref_slice %arg8[%dma_start3A_13] : memref<96xi32, #tpu.memory_space<vmem>> -> memref<48xi32, #tpu.memory_space<vmem>>
    %dma_start3A_15 = arith.constant 0 : i32
    %dma_start3A_16 = arith.constant 0 : i32
    %dma_start3A_17 = tpu.memref_slice %arg2[%dma_start3A_15, %dma_start3A_16] : memref<10000x128xf32, #tpu.memory_space<hbm>> -> memref<10000x128xf32, #tpu.memory_space<hbm>>
    tpu.enqueue_indirect_dma source(%dma_start3A_17 : memref<10000x128xf32, #tpu.memory_space<hbm>>) target(%dma_start3A_12 : memref<48x128xf32, #tpu.memory_space<vmem>>) offsets(%dma_start3A_14 : memref<48xi32, #tpu.memory_space<vmem>>) semaphore(%arg17 : memref<!tpu.dma_semaphore, #tpu.memory_space<semaphore_mem>>)
    %dma_start3A_18 = arith.constant 48 : i32
    %dma_start3A_19 = arith.constant 0 : i32
    %dma_start3A_20 = tpu.memref_slice %arg10[%dma_start3A_18, %dma_start3A_19] : memref<96x128xf32, #tpu.memory_space<vmem>> -> memref<48x128xf32, #tpu.memory_space<vmem>>
    %dma_start3A_21 = arith.constant 48 : i32
    %dma_start3A_22 = tpu.memref_slice %arg8[%dma_start3A_21] : memref<96xi32, #tpu.memory_space<vmem>> -> memref<48xi32, #tpu.memory_space<vmem>>
    %dma_start3A_23 = arith.constant 0 : i32
    %dma_start3A_24 = arith.constant 0 : i32
    %dma_start3A_25 = tpu.memref_slice %arg2[%dma_start3A_23, %dma_start3A_24] : memref<10000x128xf32, #tpu.memory_space<hbm>> -> memref<10000x128xf32, #tpu.memory_space<hbm>>
    tpu.enqueue_indirect_dma source(%dma_start3A_25 : memref<10000x128xf32, #tpu.memory_space<hbm>>) target(%dma_start3A_20 : memref<48x128xf32, #tpu.memory_space<vmem>>) offsets(%dma_start3A_22 : memref<48xi32, #tpu.memory_space<vmem>>) semaphore(%arg17 : memref<!tpu.dma_semaphore, #tpu.memory_space<semaphore_mem>>)
    %add3A_26 = arith.constant 0 : i32
    %add3A_27 = arith.addi %add3A, %add3A_26 : i32
    %mul3A_28 = arith.constant 96 : i32
    %mul3A_29 = arith.muli %add3A_27, %mul3A_28 : i32
    %dma_start3A_30 = arith.constant 0 : i32
    %dma_start3A_31 = tpu.memref_slice %arg3[%mul3A_29, %dma_start3A_30] : memref<325632x128xf32, #tpu.memory_space<hbm>> -> memref<96x128xf32, #tpu.memory_space<hbm>>
    %dma_start3A_32 = arith.constant 0 : i32
    %dma_start3A_33 = tpu.memref_slice %arg3[%mul3A_29, %dma_start3A_32] : memref<325632x128xf32, #tpu.memory_space<hbm>> -> memref<96x128xf32, #tpu.memory_space<hbm>>
    tpu.enqueue_dma source(%dma_start3A_33 : memref<96x128xf32, #tpu.memory_space<hbm>>) target(%arg11 : memref<96x128xf32, #tpu.memory_space<vmem>>) target_semaphore(%arg18 : memref<!tpu.dma_semaphore, #tpu.memory_space<semaphore_mem>>)
    %add3A_34 = arith.constant 32 : i32
    %add3A_35 = arith.addi %add3A, %add3A_34 : i32
    %mul3A_36 = arith.constant 96 : i32
    %mul3A_37 = arith.muli %add3A_35, %mul3A_36 : i32
    %dma_start3A_38 = tpu.memref_slice %arg4[%mul3A_37] : memref<325632xi32, #tpu.memory_space<hbm>> -> memref<96xi32, #tpu.memory_space<hbm>>
    %dma_start3A_39 = tpu.memref_slice %arg4[%mul3A_37] : memref<325632xi32, #tpu.memory_space<hbm>> -> memref<96xi32, #tpu.memory_space<hbm>>
    tpu.enqueue_dma source(%dma_start3A_39 : memref<96xi32, #tpu.memory_space<hbm>>) target(%arg12 : memref<96xi32, #tpu.memory_space<vmem>>) target_semaphore(%arg19 : memref<!tpu.dma_semaphore, #tpu.memory_space<semaphore_mem>>)
    %add3A_40 = arith.constant 32 : i32
    %add3A_41 = arith.addi %add3A, %add3A_40 : i32
    %mul3A_42 = arith.constant 96 : i32
    %mul3A_43 = arith.muli %add3A_41, %mul3A_42 : i32
    %dma_start3A_44 = tpu.memref_slice %arg5[%mul3A_43] : memref<325632xi32, #tpu.memory_space<hbm>> -> memref<96xi32, #tpu.memory_space<hbm>>
    %dma_start3A_45 = tpu.memref_slice %arg5[%mul3A_43] : memref<325632xi32, #tpu.memory_space<hbm>> -> memref<96xi32, #tpu.memory_space<hbm>>
    tpu.enqueue_dma source(%dma_start3A_45 : memref<96xi32, #tpu.memory_space<hbm>>) target(%arg13 : memref<96xi32, #tpu.memory_space<vmem>>) target_semaphore(%arg19 : memref<!tpu.dma_semaphore, #tpu.memory_space<semaphore_mem>>)
    %scan3A = arith.constant 0 : i32
    %scan3A_46 = arith.constant 53 : i32
    %scan3A_47 = arith.addi %scan3A, %scan3A_46 : i32
    %scan3A_48 = arith.constant 1 : i32
    scf.for %scan3A_53 = %scan3A to %scan3A_47 step %scan3A_48  : i32 {
      %mul3A_54 = arith.constant 2 : i32
      %mul3A_55 = arith.muli %scan3A_53, %mul3A_54 : i32
      %add3A_56 = arith.constant 0 : i32
      %add3A_57 = arith.addi %add3A_56, %mul3A_55 : i32
      %dma_wait3A = arith.constant 0 : i32
      %dma_wait3A_58 = arith.constant 0 : i32
      %dma_wait3A_59 = tpu.memref_slice %arg10[%dma_wait3A, %dma_wait3A_58] : memref<96x128xf32, #tpu.memory_space<vmem>> -> memref<48x128xf32, #tpu.memory_space<vmem>>
      %dma_wait3A_60 = arith.constant 0 : i32
      %dma_wait3A_61 = tpu.memref_slice %arg8[%dma_wait3A_60] : memref<96xi32, #tpu.memory_space<vmem>> -> memref<48xi32, #tpu.memory_space<vmem>>
      %dma_wait3A_62 = arith.constant 0 : i32
      %dma_wait3A_63 = arith.constant 0 : i32
      %dma_wait3A_64 = tpu.memref_slice %arg2[%dma_wait3A_62, %dma_wait3A_63] : memref<10000x128xf32, #tpu.memory_space<hbm>> -> memref<10000x128xf32, #tpu.memory_space<hbm>>
      tpu.wait_indirect_dma semaphore(%arg17 : memref<!tpu.dma_semaphore, #tpu.memory_space<semaphore_mem>>) src(%dma_wait3A_64 : memref<10000x128xf32, #tpu.memory_space<hbm>>) dst(%dma_wait3A_59 : memref<48x128xf32, #tpu.memory_space<vmem>>)
      %dma_wait3A_65 = arith.constant 48 : i32
      %dma_wait3A_66 = arith.constant 0 : i32
      %dma_wait3A_67 = tpu.memref_slice %arg10[%dma_wait3A_65, %dma_wait3A_66] : memref<96x128xf32, #tpu.memory_space<vmem>> -> memref<48x128xf32, #tpu.memory_space<vmem>>
      %dma_wait3A_68 = arith.constant 48 : i32
      %dma_wait3A_69 = tpu.memref_slice %arg8[%dma_wait3A_68] : memref<96xi32, #tpu.memory_space<vmem>> -> memref<48xi32, #tpu.memory_space<vmem>>
      %dma_wait3A_70 = arith.constant 0 : i32
      %dma_wait3A_71 = arith.constant 0 : i32
      %dma_wait3A_72 = tpu.memref_slice %arg2[%dma_wait3A_70, %dma_wait3A_71] : memref<10000x128xf32, #tpu.memory_space<hbm>> -> memref<10000x128xf32, #tpu.memory_space<hbm>>
      tpu.wait_indirect_dma semaphore(%arg17 : memref<!tpu.dma_semaphore, #tpu.memory_space<semaphore_mem>>) src(%dma_wait3A_72 : memref<10000x128xf32, #tpu.memory_space<hbm>>) dst(%dma_wait3A_67 : memref<48x128xf32, #tpu.memory_space<vmem>>)
      %mul3A_73 = arith.constant 32 : i32
      %mul3A_74 = arith.muli %mul3A_73, %add3A_57 : i32
      %add3A_75 = arith.addi %add3A, %mul3A_74 : i32
      %mul3A_76 = arith.constant 96 : i32
      %mul3A_77 = arith.muli %add3A_75, %mul3A_76 : i32
      %dma_wait3A_78 = arith.constant 0 : i32
      %dma_wait3A_79 = tpu.memref_slice %arg3[%mul3A_77, %dma_wait3A_78] : memref<325632x128xf32, #tpu.memory_space<hbm>> -> memref<96x128xf32, #tpu.memory_space<hbm>>
      %dma_wait3A_80 = arith.constant 0 : i32
      %dma_wait3A_81 = tpu.memref_slice %arg3[%mul3A_77, %dma_wait3A_80] : memref<325632x128xf32, #tpu.memory_space<hbm>> -> memref<96x128xf32, #tpu.memory_space<hbm>>
      tpu.wait_dma2 semaphore(%arg18 : memref<!tpu.dma_semaphore, #tpu.memory_space<semaphore_mem>>) src(%dma_wait3A_81 : memref<96x128xf32, #tpu.memory_space<hbm>>) dst(%arg11 : memref<96x128xf32, #tpu.memory_space<vmem>>)
      %add3A_82 = arith.constant 1 : i32
      %add3A_83 = arith.addi %add3A_57, %add3A_82 : i32
      %lt3A = arith.constant 106 : i32
      %lt3A_84 = arith.cmpi slt, %add3A_83, %lt3A : i32
      %convert_element_type3A = arith.extui %lt3A_84 : i1 to i32
      %cond3A = arith.constant 0 : i32
      %cond3A_85 = arith.cmpi ne, %convert_element_type3A, %cond3A : i32
      scf.if %cond3A_85 {
        %add3A_144 = arith.constant 1 : i32
        %add3A_145 = arith.addi %add3A_57, %add3A_144 : i32
        %mul3A_146 = arith.constant 32 : i32
        %mul3A_147 = arith.muli %mul3A_146, %add3A_145 : i32
        %add3A_148 = arith.addi %add3A, %mul3A_147 : i32
        %mul3A_149 = arith.constant 96 : i32
        %mul3A_150 = arith.muli %add3A_148, %mul3A_149 : i32
        %dma_wait3A_151 = tpu.memref_slice %arg4[%mul3A_150] : memref<325632xi32, #tpu.memory_space<hbm>> -> memref<96xi32, #tpu.memory_space<hbm>>
        %dma_wait3A_152 = tpu.memref_slice %arg4[%mul3A_150] : memref<325632xi32, #tpu.memory_space<hbm>> -> memref<96xi32, #tpu.memory_space<hbm>>
        tpu.wait_dma2 semaphore(%arg19 : memref<!tpu.dma_semaphore, #tpu.memory_space<semaphore_mem>>) src(%dma_wait3A_152 : memref<96xi32, #tpu.memory_space<hbm>>) dst(%arg12 : memref<96xi32, #tpu.memory_space<vmem>>)
        %add3A_153 = arith.constant 1 : i32
        %add3A_154 = arith.addi %add3A_57, %add3A_153 : i32
        %mul3A_155 = arith.constant 32 : i32
        %mul3A_156 = arith.muli %mul3A_155, %add3A_154 : i32
        %add3A_157 = arith.addi %add3A, %mul3A_156 : i32
        %mul3A_158 = arith.constant 96 : i32
        %mul3A_159 = arith.muli %add3A_157, %mul3A_158 : i32
        %dma_wait3A_160 = tpu.memref_slice %arg5[%mul3A_159] : memref<325632xi32, #tpu.memory_space<hbm>> -> memref<96xi32, #tpu.memory_space<hbm>>
        %dma_wait3A_161 = tpu.memref_slice %arg5[%mul3A_159] : memref<325632xi32, #tpu.memory_space<hbm>> -> memref<96xi32, #tpu.memory_space<hbm>>
        tpu.wait_dma2 semaphore(%arg19 : memref<!tpu.dma_semaphore, #tpu.memory_space<semaphore_mem>>) src(%dma_wait3A_161 : memref<96xi32, #tpu.memory_space<hbm>>) dst(%arg13 : memref<96xi32, #tpu.memory_space<vmem>>)
        %dma_start3A_162 = arith.constant 0 : i32
        %dma_start3A_163 = arith.constant 0 : i32
        %dma_start3A_164 = tpu.memref_slice %arg14[%dma_start3A_162, %dma_start3A_163] : memref<96x128xf32, #tpu.memory_space<vmem>> -> memref<48x128xf32, #tpu.memory_space<vmem>>
        %dma_start3A_165 = arith.constant 0 : i32
        %dma_start3A_166 = tpu.memref_slice %arg12[%dma_start3A_165] : memref<96xi32, #tpu.memory_space<vmem>> -> memref<48xi32, #tpu.memory_space<vmem>>
        %dma_start3A_167 = arith.constant 0 : i32
        %dma_start3A_168 = arith.constant 0 : i32
        %dma_start3A_169 = tpu.memref_slice %arg2[%dma_start3A_167, %dma_start3A_168] : memref<10000x128xf32, #tpu.memory_space<hbm>> -> memref<10000x128xf32, #tpu.memory_space<hbm>>
        tpu.enqueue_indirect_dma source(%dma_start3A_169 : memref<10000x128xf32, #tpu.memory_space<hbm>>) target(%dma_start3A_164 : memref<48x128xf32, #tpu.memory_space<vmem>>) offsets(%dma_start3A_166 : memref<48xi32, #tpu.memory_space<vmem>>) semaphore(%arg17 : memref<!tpu.dma_semaphore, #tpu.memory_space<semaphore_mem>>)
        %dma_start3A_170 = arith.constant 48 : i32
        %dma_start3A_171 = arith.constant 0 : i32
        %dma_start3A_172 = tpu.memref_slice %arg14[%dma_start3A_170, %dma_start3A_171] : memref<96x128xf32, #tpu.memory_space<vmem>> -> memref<48x128xf32, #tpu.memory_space<vmem>>
        %dma_start3A_173 = arith.constant 48 : i32
        %dma_start3A_174 = tpu.memref_slice %arg12[%dma_start3A_173] : memref<96xi32, #tpu.memory_space<vmem>> -> memref<48xi32, #tpu.memory_space<vmem>>
        %dma_start3A_175 = arith.constant 0 : i32
        %dma_start3A_176 = arith.constant 0 : i32
        %dma_start3A_177 = tpu.memref_slice %arg2[%dma_start3A_175, %dma_start3A_176] : memref<10000x128xf32, #tpu.memory_space<hbm>> -> memref<10000x128xf32, #tpu.memory_space<hbm>>
        tpu.enqueue_indirect_dma source(%dma_start3A_177 : memref<10000x128xf32, #tpu.memory_space<hbm>>) target(%dma_start3A_172 : memref<48x128xf32, #tpu.memory_space<vmem>>) offsets(%dma_start3A_174 : memref<48xi32, #tpu.memory_space<vmem>>) semaphore(%arg17 : memref<!tpu.dma_semaphore, #tpu.memory_space<semaphore_mem>>)
        %add3A_178 = arith.constant 1 : i32
        %add3A_179 = arith.addi %add3A_57, %add3A_178 : i32
        %mul3A_180 = arith.constant 32 : i32
        %mul3A_181 = arith.muli %mul3A_180, %add3A_179 : i32
        %add3A_182 = arith.addi %add3A, %mul3A_181 : i32
        %mul3A_183 = arith.constant 96 : i32
        %mul3A_184 = arith.muli %add3A_182, %mul3A_183 : i32
        %dma_start3A_185 = arith.constant 0 : i32
        %dma_start3A_186 = tpu.memref_slice %arg3[%mul3A_184, %dma_start3A_185] : memref<325632x128xf32, #tpu.memory_space<hbm>> -> memref<96x128xf32, #tpu.memory_space<hbm>>
        %dma_start3A_187 = arith.constant 0 : i32
        %dma_start3A_188 = tpu.memref_slice %arg3[%mul3A_184, %dma_start3A_187] : memref<325632x128xf32, #tpu.memory_space<hbm>> -> memref<96x128xf32, #tpu.memory_space<hbm>>
        tpu.enqueue_dma source(%dma_start3A_188 : memref<96x128xf32, #tpu.memory_space<hbm>>) target(%arg15 : memref<96x128xf32, #tpu.memory_space<vmem>>) target_semaphore(%arg18 : memref<!tpu.dma_semaphore, #tpu.memory_space<semaphore_mem>>)
      } else {
      }
      %scan3A_86 = arith.constant 0 : i32
      %scan3A_87 = arith.constant 96 : i32
      %scan3A_88 = arith.addi %scan3A_86, %scan3A_87 : i32
      %scan3A_89 = arith.constant 1 : i32
      scf.for %scan3A_144 = %scan3A_86 to %scan3A_88 step %scan3A_89  : i32 {
        %mul3A_145 = arith.constant 1 : i32
        %mul3A_146 = arith.muli %scan3A_144, %mul3A_145 : i32
        %add3A_147 = arith.constant 0 : i32
        %add3A_148 = arith.addi %add3A_147, %mul3A_146 : i32
        %get3A = arith.index_cast %add3A_148 : i32 to index
        %get3A_149 = arith.constant 0 : index
        %get3A_150 = tpu.vector_load %arg10[%get3A, %get3A_149] {strides = array<i32>} : memref<96x128xf32, #tpu.memory_space<vmem>>, vector<1x16xf32>,
        %get3A_151 = vector.shape_cast %get3A_150 : vector<1x16xf32> to vector<16xf32>
        %get3A_152 = arith.index_cast %add3A_148 : i32 to index
        %get3A_153 = arith.constant 0 : index
        %get3A_154 = tpu.vector_load %arg11[%get3A_152, %get3A_153] {strides = array<i32>} : memref<96x128xf32, #tpu.memory_space<vmem>>, vector<1x16xf32>,
        %get3A_155 = vector.shape_cast %get3A_154 : vector<1x16xf32> to vector<16xf32>
        %add3A_156 = arith.addf %get3A_151, %get3A_155 : vector<16xf32>
        %max3A = arith.constant 0.000000e+00 : f32
        %max3A_157 = vector.broadcast %max3A : f32 to vector<16xf32>
        %max3A_158 = arith.maximumf %add3A_156, %max3A_157 : vector<16xf32>
        %swap3A = arith.index_cast %add3A_148 : i32 to index
        %swap3A_159 = arith.constant 0 : index
        %swap3A_160 = tpu.vector_load %arg10[%swap3A, %swap3A_159] {strides = array<i32>} : memref<96x128xf32, #tpu.memory_space<vmem>>, vector<1x16xf32>,
        %swap3A_161 = vector.shape_cast %swap3A_160 : vector<1x16xf32> to vector<16xf32>
        %swap3A_162 = vector.shape_cast %max3A_158 : vector<16xf32> to vector<1x16xf32>
        tpu.vector_store %arg10[%swap3A, %swap3A_159], %swap3A_162 {strides = array<i32>} : memref<96x128xf32, #tpu.memory_space<vmem>>, vector<1x16xf32>,
        %get3A_163 = arith.index_cast %add3A_148 : i32 to index
        %get3A_164 = arith.constant 16 : index
        %get3A_165 = tpu.vector_load %arg10[%get3A_163, %get3A_164] {strides = array<i32>} : memref<96x128xf32, #tpu.memory_space<vmem>>, vector<1x16xf32>,
        %get3A_166 = vector.shape_cast %get3A_165 : vector<1x16xf32> to vector<16xf32>
        %get3A_167 = arith.index_cast %add3A_148 : i32 to index
        %get3A_168 = arith.constant 16 : index
        %get3A_169 = tpu.vector_load %arg11[%get3A_167, %get3A_168] {strides = array<i32>} : memref<96x128xf32, #tpu.memory_space<vmem>>, vector<1x16xf32>,
        %get3A_170 = vector.shape_cast %get3A_169 : vector<1x16xf32> to vector<16xf32>
        %add3A_171 = arith.addf %get3A_166, %get3A_170 : vector<16xf32>
        %max3A_172 = arith.constant 0.000000e+00 : f32
        %max3A_173 = vector.broadcast %max3A_172 : f32 to vector<16xf32>
        %max3A_174 = arith.maximumf %add3A_171, %max3A_173 : vector<16xf32>
        %swap3A_175 = arith.index_cast %add3A_148 : i32 to index
        %swap3A_176 = arith.constant 16 : index
        %swap3A_177 = tpu.vector_load %arg10[%swap3A_175, %swap3A_176] {strides = array<i32>} : memref<96x128xf32, #tpu.memory_space<vmem>>, vector<1x16xf32>,
        %swap3A_178 = vector.shape_cast %swap3A_177 : vector<1x16xf32> to vector<16xf32>
        %swap3A_179 = vector.shape_cast %max3A_174 : vector<16xf32> to vector<1x16xf32>
        tpu.vector_store %arg10[%swap3A_175, %swap3A_176], %swap3A_179 {strides = array<i32>} : memref<96x128xf32, #tpu.memory_space<vmem>>, vector<1x16xf32>,
        %get3A_180 = arith.index_cast %add3A_148 : i32 to index
        %get3A_181 = arith.constant 32 : index
        %get3A_182 = tpu.vector_load %arg10[%get3A_180, %get3A_181] {strides = array<i32>} : memref<96x128xf32, #tpu.memory_space<vmem>>, vector<1x16xf32>,
        %get3A_183 = vector.shape_cast %get3A_182 : vector<1x16xf32> to vector<16xf32>
        %get3A_184 = arith.index_cast %add3A_148 : i32 to index
        %get3A_185 = arith.constant 32 : index
        %get3A_186 = tpu.vector_load %arg11[%get3A_184, %get3A_185] {strides = array<i32>} : memref<96x128xf32, #tpu.memory_space<vmem>>, vector<1x16xf32>,
        %get3A_187 = vector.shape_cast %get3A_186 : vector<1x16xf32> to vector<16xf32>
        %add3A_188 = arith.addf %get3A_183, %get3A_187 : vector<16xf32>
        %max3A_189 = arith.constant 0.000000e+00 : f32
        %max3A_190 = vector.broadcast %max3A_189 : f32 to vector<16xf32>
        %max3A_191 = arith.maximumf %add3A_188, %max3A_190 : vector<16xf32>
        %swap3A_192 = arith.index_cast %add3A_148 : i32 to index
        %swap3A_193 = arith.constant 32 : index
        %swap3A_194 = tpu.vector_load %arg10[%swap3A_192, %swap3A_193] {strides = array<i32>} : memref<96x128xf32, #tpu.memory_space<vmem>>, vector<1x16xf32>,
        %swap3A_195 = vector.shape_cast %swap3A_194 : vector<1x16xf32> to vector<16xf32>
        %swap3A_196 = vector.shape_cast %max3A_191 : vector<16xf32> to vector<1x16xf32>
        tpu.vector_store %arg10[%swap3A_192, %swap3A_193], %swap3A_196 {strides = array<i32>} : memref<96x128xf32, #tpu.memory_space<vmem>>, vector<1x16xf32>,
        %get3A_197 = arith.index_cast %add3A_148 : i32 to index
        %get3A_198 = arith.constant 48 : index
        %get3A_199 = tpu.vector_load %arg10[%get3A_197, %get3A_198] {strides = array<i32>} : memref<96x128xf32, #tpu.memory_space<vmem>>, vector<1x16xf32>,
        %get3A_200 = vector.shape_cast %get3A_199 : vector<1x16xf32> to vector<16xf32>
        %get3A_201 = arith.index_cast %add3A_148 : i32 to index
        %get3A_202 = arith.constant 48 : index
        %get3A_203 = tpu.vector_load %arg11[%get3A_201, %get3A_202] {strides = array<i32>} : memref<96x128xf32, #tpu.memory_space<vmem>>, vector<1x16xf32>,
        %get3A_204 = vector.shape_cast %get3A_203 : vector<1x16xf32> to vector<16xf32>
        %add3A_205 = arith.addf %get3A_200, %get3A_204 : vector<16xf32>
        %max3A_206 = arith.constant 0.000000e+00 : f32
        %max3A_207 = vector.broadcast %max3A_206 : f32 to vector<16xf32>
        %max3A_208 = arith.maximumf %add3A_205, %max3A_207 : vector<16xf32>
        %swap3A_209 = arith.index_cast %add3A_148 : i32 to index
        %swap3A_210 = arith.constant 48 : index
        %swap3A_211 = tpu.vector_load %arg10[%swap3A_209, %swap3A_210] {strides = array<i32>} : memref<96x128xf32, #tpu.memory_space<vmem>>, vector<1x16xf32>,
        %swap3A_212 = vector.shape_cast %swap3A_211 : vector<1x16xf32> to vector<16xf32>
        %swap3A_213 = vector.shape_cast %max3A_208 : vector<16xf32> to vector<1x16xf32>
        tpu.vector_store %arg10[%swap3A_209, %swap3A_210], %swap3A_213 {strides = array<i32>} : memref<96x128xf32, #tpu.memory_space<vmem>>, vector<1x16xf32>,
        %get3A_214 = arith.index_cast %add3A_148 : i32 to index
        %get3A_215 = arith.constant 64 : index
        %get3A_216 = tpu.vector_load %arg10[%get3A_214, %get3A_215] {strides = array<i32>} : memref<96x128xf32, #tpu.memory_space<vmem>>, vector<1x16xf32>,
        %get3A_217 = vector.shape_cast %get3A_216 : vector<1x16xf32> to vector<16xf32>
        %get3A_218 = arith.index_cast %add3A_148 : i32 to index
        %get3A_219 = arith.constant 64 : index
        %get3A_220 = tpu.vector_load %arg11[%get3A_218, %get3A_219] {strides = array<i32>} : memref<96x128xf32, #tpu.memory_space<vmem>>, vector<1x16xf32>,
        %get3A_221 = vector.shape_cast %get3A_220 : vector<1x16xf32> to vector<16xf32>
        %add3A_222 = arith.addf %get3A_217, %get3A_221 : vector<16xf32>
        %max3A_223 = arith.constant 0.000000e+00 : f32
        %max3A_224 = vector.broadcast %max3A_223 : f32 to vector<16xf32>
        %max3A_225 = arith.maximumf %add3A_222, %max3A_224 : vector<16xf32>
        %swap3A_226 = arith.index_cast %add3A_148 : i32 to index
        %swap3A_227 = arith.constant 64 : index
        %swap3A_228 = tpu.vector_load %arg10[%swap3A_226, %swap3A_227] {strides = array<i32>} : memref<96x128xf32, #tpu.memory_space<vmem>>, vector<1x16xf32>,
        %swap3A_229 = vector.shape_cast %swap3A_228 : vector<1x16xf32> to vector<16xf32>
        %swap3A_230 = vector.shape_cast %max3A_225 : vector<16xf32> to vector<1x16xf32>
        tpu.vector_store %arg10[%swap3A_226, %swap3A_227], %swap3A_230 {strides = array<i32>} : memref<96x128xf32, #tpu.memory_space<vmem>>, vector<1x16xf32>,
        %get3A_231 = arith.index_cast %add3A_148 : i32 to index
        %get3A_232 = arith.constant 80 : index
        %get3A_233 = tpu.vector_load %arg10[%get3A_231, %get3A_232] {strides = array<i32>} : memref<96x128xf32, #tpu.memory_space<vmem>>, vector<1x16xf32>,
        %get3A_234 = vector.shape_cast %get3A_233 : vector<1x16xf32> to vector<16xf32>
        %get3A_235 = arith.index_cast %add3A_148 : i32 to index
        %get3A_236 = arith.constant 80 : index
        %get3A_237 = tpu.vector_load %arg11[%get3A_235, %get3A_236] {strides = array<i32>} : memref<96x128xf32, #tpu.memory_space<vmem>>, vector<1x16xf32>,
        %get3A_238 = vector.shape_cast %get3A_237 : vector<1x16xf32> to vector<16xf32>
        %add3A_239 = arith.addf %get3A_234, %get3A_238 : vector<16xf32>
        %max3A_240 = arith.constant 0.000000e+00 : f32
        %max3A_241 = vector.broadcast %max3A_240 : f32 to vector<16xf32>
        %max3A_242 = arith.maximumf %add3A_239, %max3A_241 : vector<16xf32>
        %swap3A_243 = arith.index_cast %add3A_148 : i32 to index
        %swap3A_244 = arith.constant 80 : index
        %swap3A_245 = tpu.vector_load %arg10[%swap3A_243, %swap3A_244] {strides = array<i32>} : memref<96x128xf32, #tpu.memory_space<vmem>>, vector<1x16xf32>,
        %swap3A_246 = vector.shape_cast %swap3A_245 : vector<1x16xf32> to vector<16xf32>
        %swap3A_247 = vector.shape_cast %max3A_242 : vector<16xf32> to vector<1x16xf32>
        tpu.vector_store %arg10[%swap3A_243, %swap3A_244], %swap3A_247 {strides = array<i32>} : memref<96x128xf32, #tpu.memory_space<vmem>>, vector<1x16xf32>,
        %get3A_248 = arith.index_cast %add3A_148 : i32 to index
        %get3A_249 = arith.constant 96 : index
        %get3A_250 = tpu.vector_load %arg10[%get3A_248, %get3A_249] {strides = array<i32>} : memref<96x128xf32, #tpu.memory_space<vmem>>, vector<1x16xf32>,
        %get3A_251 = vector.shape_cast %get3A_250 : vector<1x16xf32> to vector<16xf32>
        %get3A_252 = arith.index_cast %add3A_148 : i32 to index
        %get3A_253 = arith.constant 96 : index
        %get3A_254 = tpu.vector_load %arg11[%get3A_252, %get3A_253] {strides = array<i32>} : memref<96x128xf32, #tpu.memory_space<vmem>>, vector<1x16xf32>,
        %get3A_255 = vector.shape_cast %get3A_254 : vector<1x16xf32> to vector<16xf32>
        %add3A_256 = arith.addf %get3A_251, %get3A_255 : vector<16xf32>
        %max3A_257 = arith.constant 0.000000e+00 : f32
        %max3A_258 = vector.broadcast %max3A_257 : f32 to vector<16xf32>
        %max3A_259 = arith.maximumf %add3A_256, %max3A_258 : vector<16xf32>
        %swap3A_260 = arith.index_cast %add3A_148 : i32 to index
        %swap3A_261 = arith.constant 96 : index
        %swap3A_262 = tpu.vector_load %arg10[%swap3A_260, %swap3A_261] {strides = array<i32>} : memref<96x128xf32, #tpu.memory_space<vmem>>, vector<1x16xf32>,
        %swap3A_263 = vector.shape_cast %swap3A_262 : vector<1x16xf32> to vector<16xf32>
        %swap3A_264 = vector.shape_cast %max3A_259 : vector<16xf32> to vector<1x16xf32>
        tpu.vector_store %arg10[%swap3A_260, %swap3A_261], %swap3A_264 {strides = array<i32>} : memref<96x128xf32, #tpu.memory_space<vmem>>, vector<1x16xf32>,
        %get3A_265 = arith.index_cast %add3A_148 : i32 to index
        %get3A_266 = arith.constant 112 : index
        %get3A_267 = tpu.vector_load %arg10[%get3A_265, %get3A_266] {strides = array<i32>} : memref<96x128xf32, #tpu.memory_space<vmem>>, vector<1x16xf32>,
        %get3A_268 = vector.shape_cast %get3A_267 : vector<1x16xf32> to vector<16xf32>
        %get3A_269 = arith.index_cast %add3A_148 : i32 to index
        %get3A_270 = arith.constant 112 : index
        %get3A_271 = tpu.vector_load %arg11[%get3A_269, %get3A_270] {strides = array<i32>} : memref<96x128xf32, #tpu.memory_space<vmem>>, vector<1x16xf32>,
        %get3A_272 = vector.shape_cast %get3A_271 : vector<1x16xf32> to vector<16xf32>
        %add3A_273 = arith.addf %get3A_268, %get3A_272 : vector<16xf32>
        %max3A_274 = arith.constant 0.000000e+00 : f32
        %max3A_275 = vector.broadcast %max3A_274 : f32 to vector<16xf32>
        %max3A_276 = arith.maximumf %add3A_273, %max3A_275 : vector<16xf32>
        %swap3A_277 = arith.index_cast %add3A_148 : i32 to index
        %swap3A_278 = arith.constant 112 : index
        %swap3A_279 = tpu.vector_load %arg10[%swap3A_277, %swap3A_278] {strides = array<i32>} : memref<96x128xf32, #tpu.memory_space<vmem>>, vector<1x16xf32>,
        %swap3A_280 = vector.shape_cast %swap3A_279 : vector<1x16xf32> to vector<16xf32>
        %swap3A_281 = vector.shape_cast %max3A_276 : vector<16xf32> to vector<1x16xf32>
        tpu.vector_store %arg10[%swap3A_277, %swap3A_278], %swap3A_281 {strides = array<i32>} : memref<96x128xf32, #tpu.memory_space<vmem>>, vector<1x16xf32>,
      }
      %scan3A_90 = arith.constant 96 : i32
      "tpu.region"() ({
        %run_scoped3A = tpu.sem_alloc : memref<!tpu.dma_semaphore, #tpu.memory_space<semaphore_mem>>
        %dma_start3A_144 = arith.constant 0 : i32
        %dma_start3A_145 = arith.constant 0 : i32
        %dma_start3A_146 = tpu.memref_slice %arg16[%dma_start3A_144, %dma_start3A_145] : memref<10112x128xf32, #tpu.memory_space<vmem_shared>> -> memref<10112x128xf32, #tpu.memory_space<vmem_shared>>
        tpu.enqueue_indirect_dma source(%arg10 : memref<96x128xf32, #tpu.memory_space<vmem>>) target(%dma_start3A_146 : memref<10112x128xf32, #tpu.memory_space<vmem_shared>>) offsets(%arg9 : memref<96xi32, #tpu.memory_space<vmem>>) semaphore(%run_scoped3A : memref<!tpu.dma_semaphore, #tpu.memory_space<semaphore_mem>>) {add = true}
        %dma_wait3A_147 = arith.constant 0 : i32
        %dma_wait3A_148 = arith.constant 0 : i32
        %dma_wait3A_149 = tpu.memref_slice %arg16[%dma_wait3A_147, %dma_wait3A_148] : memref<10112x128xf32, #tpu.memory_space<vmem_shared>> -> memref<10112x128xf32, #tpu.memory_space<vmem_shared>>
        tpu.wait_indirect_dma semaphore(%run_scoped3A : memref<!tpu.dma_semaphore, #tpu.memory_space<semaphore_mem>>) src(%arg10 : memref<96x128xf32, #tpu.memory_space<vmem>>) dst(%dma_wait3A_149 : memref<10112x128xf32, #tpu.memory_space<vmem_shared>>)
        tpu.yield
      }) : () -> ()
      %add3A_91 = arith.constant 2 : i32
      %add3A_92 = arith.addi %add3A_57, %add3A_91 : i32
      %lt3A_93 = arith.constant 106 : i32
      %lt3A_94 = arith.cmpi slt, %add3A_92, %lt3A_93 : i32
      %convert_element_type3A_95 = arith.extui %lt3A_94 : i1 to i32
      %cond3A_96 = arith.constant 0 : i32
      %cond3A_97 = arith.cmpi ne, %convert_element_type3A_95, %cond3A_96 : i32
      scf.if %cond3A_97 {
        %add3A_144 = arith.constant 2 : i32
        %add3A_145 = arith.addi %add3A_57, %add3A_144 : i32
        %mul3A_146 = arith.constant 32 : i32
        %mul3A_147 = arith.muli %mul3A_146, %add3A_145 : i32
        %add3A_148 = arith.addi %add3A, %mul3A_147 : i32
        %mul3A_149 = arith.constant 96 : i32
        %mul3A_150 = arith.muli %add3A_148, %mul3A_149 : i32
        %dma_start3A_151 = tpu.memref_slice %arg4[%mul3A_150] : memref<325632xi32, #tpu.memory_space<hbm>> -> memref<96xi32, #tpu.memory_space<hbm>>
        %dma_start3A_152 = tpu.memref_slice %arg4[%mul3A_150] : memref<325632xi32, #tpu.memory_space<hbm>> -> memref<96xi32, #tpu.memory_space<hbm>>
        tpu.enqueue_dma source(%dma_start3A_152 : memref<96xi32, #tpu.memory_space<hbm>>) target(%arg8 : memref<96xi32, #tpu.memory_space<vmem>>) target_semaphore(%arg19 : memref<!tpu.dma_semaphore, #tpu.memory_space<semaphore_mem>>)
        %add3A_153 = arith.constant 2 : i32
        %add3A_154 = arith.addi %add3A_57, %add3A_153 : i32
        %mul3A_155 = arith.constant 32 : i32
        %mul3A_156 = arith.muli %mul3A_155, %add3A_154 : i32
        %add3A_157 = arith.addi %add3A, %mul3A_156 : i32
        %mul3A_158 = arith.constant 96 : i32
        %mul3A_159 = arith.muli %add3A_157, %mul3A_158 : i32
        %dma_start3A_160 = tpu.memref_slice %arg5[%mul3A_159] : memref<325632xi32, #tpu.memory_space<hbm>> -> memref<96xi32, #tpu.memory_space<hbm>>
        %dma_start3A_161 = tpu.memref_slice %arg5[%mul3A_159] : memref<325632xi32, #tpu.memory_space<hbm>> -> memref<96xi32, #tpu.memory_space<hbm>>
        tpu.enqueue_dma source(%dma_start3A_161 : memref<96xi32, #tpu.memory_space<hbm>>) target(%arg9 : memref<96xi32, #tpu.memory_space<vmem>>) target_semaphore(%arg19 : memref<!tpu.dma_semaphore, #tpu.memory_space<semaphore_mem>>)
      } else {
      }
      %add3A_98 = arith.constant 1 : i32
      %add3A_99 = arith.addi %add3A_57, %add3A_98 : i32
      %dma_wait3A_100 = arith.constant 0 : i32
      %dma_wait3A_101 = arith.constant 0 : i32
      %dma_wait3A_102 = tpu.memref_slice %arg14[%dma_wait3A_100, %dma_wait3A_101] : memref<96x128xf32, #tpu.memory_space<vmem>> -> memref<48x128xf32, #tpu.memory_space<vmem>>
      %dma_wait3A_103 = arith.constant 0 : i32
      %dma_wait3A_104 = tpu.memref_slice %arg12[%dma_wait3A_103] : memref<96xi32, #tpu.memory_space<vmem>> -> memref<48xi32, #tpu.memory_space<vmem>>
      %dma_wait3A_105 = arith.constant 0 : i32
      %dma_wait3A_106 = arith.constant 0 : i32
      %dma_wait3A_107 = tpu.memref_slice %arg2[%dma_wait3A_105, %dma_wait3A_106] : memref<10000x128xf32, #tpu.memory_space<hbm>> -> memref<10000x128xf32, #tpu.memory_space<hbm>>
      tpu.wait_indirect_dma semaphore(%arg17 : memref<!tpu.dma_semaphore, #tpu.memory_space<semaphore_mem>>) src(%dma_wait3A_107 : memref<10000x128xf32, #tpu.memory_space<hbm>>) dst(%dma_wait3A_102 : memref<48x128xf32, #tpu.memory_space<vmem>>)
      %dma_wait3A_108 = arith.constant 48 : i32
      %dma_wait3A_109 = arith.constant 0 : i32
      %dma_wait3A_110 = tpu.memref_slice %arg14[%dma_wait3A_108, %dma_wait3A_109] : memref<96x128xf32, #tpu.memory_space<vmem>> -> memref<48x128xf32, #tpu.memory_space<vmem>>
      %dma_wait3A_111 = arith.constant 48 : i32
      %dma_wait3A_112 = tpu.memref_slice %arg12[%dma_wait3A_111] : memref<96xi32, #tpu.memory_space<vmem>> -> memref<48xi32, #tpu.memory_space<vmem>>
      %dma_wait3A_113 = arith.constant 0 : i32
      %dma_wait3A_114 = arith.constant 0 : i32
      %dma_wait3A_115 = tpu.memref_slice %arg2[%dma_wait3A_113, %dma_wait3A_114] : memref<10000x128xf32, #tpu.memory_space<hbm>> -> memref<10000x128xf32, #tpu.memory_space<hbm>>
      tpu.wait_indirect_dma semaphore(%arg17 : memref<!tpu.dma_semaphore, #tpu.memory_space<semaphore_mem>>) src(%dma_wait3A_115 : memref<10000x128xf32, #tpu.memory_space<hbm>>) dst(%dma_wait3A_110 : memref<48x128xf32, #tpu.memory_space<vmem>>)
      %mul3A_116 = arith.constant 32 : i32
      %mul3A_117 = arith.muli %mul3A_116, %add3A_99 : i32
      %add3A_118 = arith.addi %add3A, %mul3A_117 : i32
      %mul3A_119 = arith.constant 96 : i32
      %mul3A_120 = arith.muli %add3A_118, %mul3A_119 : i32
      %dma_wait3A_121 = arith.constant 0 : i32
      %dma_wait3A_122 = tpu.memref_slice %arg3[%mul3A_120, %dma_wait3A_121] : memref<325632x128xf32, #tpu.memory_space<hbm>> -> memref<96x128xf32, #tpu.memory_space<hbm>>
      %dma_wait3A_123 = arith.constant 0 : i32
      %dma_wait3A_124 = tpu.memref_slice %arg3[%mul3A_120, %dma_wait3A_123] : memref<325632x128xf32, #tpu.memory_space<hbm>> -> memref<96x128xf32, #tpu.memory_space<hbm>>
      tpu.wait_dma2 semaphore(%arg18 : memref<!tpu.dma_semaphore, #tpu.memory_space<semaphore_mem>>) src(%dma_wait3A_124 : memref<96x128xf32, #tpu.memory_space<hbm>>) dst(%arg15 : memref<96x128xf32, #tpu.memory_space<vmem>>)
      %add3A_125 = arith.constant 1 : i32
      %add3A_126 = arith.addi %add3A_99, %add3A_125 : i32
      %lt3A_127 = arith.constant 106 : i32
      %lt3A_128 = arith.cmpi slt, %add3A_126, %lt3A_127 : i32
      %convert_element_type3A_129 = arith.extui %lt3A_128 : i1 to i32
      %cond3A_130 = arith.constant 0 : i32
      %cond3A_131 = arith.cmpi ne, %convert_element_type3A_129, %cond3A_130 : i32
      scf.if %cond3A_131 {
        %add3A_144 = arith.constant 1 : i32
        %add3A_145 = arith.addi %add3A_99, %add3A_144 : i32
        %mul3A_146 = arith.constant 32 : i32
        %mul3A_147 = arith.muli %mul3A_146, %add3A_145 : i32
        %add3A_148 = arith.addi %add3A, %mul3A_147 : i32
        %mul3A_149 = arith.constant 96 : i32
        %mul3A_150 = arith.muli %add3A_148, %mul3A_149 : i32
        %dma_wait3A_151 = tpu.memref_slice %arg4[%mul3A_150] : memref<325632xi32, #tpu.memory_space<hbm>> -> memref<96xi32, #tpu.memory_space<hbm>>
        %dma_wait3A_152 = tpu.memref_slice %arg4[%mul3A_150] : memref<325632xi32, #tpu.memory_space<hbm>> -> memref<96xi32, #tpu.memory_space<hbm>>
        tpu.wait_dma2 semaphore(%arg19 : memref<!tpu.dma_semaphore, #tpu.memory_space<semaphore_mem>>) src(%dma_wait3A_152 : memref<96xi32, #tpu.memory_space<hbm>>) dst(%arg8 : memref<96xi32, #tpu.memory_space<vmem>>)
        %add3A_153 = arith.constant 1 : i32
        %add3A_154 = arith.addi %add3A_99, %add3A_153 : i32
        %mul3A_155 = arith.constant 32 : i32
        %mul3A_156 = arith.muli %mul3A_155, %add3A_154 : i32
        %add3A_157 = arith.addi %add3A, %mul3A_156 : i32
        %mul3A_158 = arith.constant 96 : i32
        %mul3A_159 = arith.muli %add3A_157, %mul3A_158 : i32
        %dma_wait3A_160 = tpu.memref_slice %arg5[%mul3A_159] : memref<325632xi32, #tpu.memory_space<hbm>> -> memref<96xi32, #tpu.memory_space<hbm>>
        %dma_wait3A_161 = tpu.memref_slice %arg5[%mul3A_159] : memref<325632xi32, #tpu.memory_space<hbm>> -> memref<96xi32, #tpu.memory_space<hbm>>
        tpu.wait_dma2 semaphore(%arg19 : memref<!tpu.dma_semaphore, #tpu.memory_space<semaphore_mem>>) src(%dma_wait3A_161 : memref<96xi32, #tpu.memory_space<hbm>>) dst(%arg9 : memref<96xi32, #tpu.memory_space<vmem>>)
        %dma_start3A_162 = arith.constant 0 : i32
        %dma_start3A_163 = arith.constant 0 : i32
        %dma_start3A_164 = tpu.memref_slice %arg10[%dma_start3A_162, %dma_start3A_163] : memref<96x128xf32, #tpu.memory_space<vmem>> -> memref<48x128xf32, #tpu.memory_space<vmem>>
        %dma_start3A_165 = arith.constant 0 : i32
        %dma_start3A_166 = tpu.memref_slice %arg8[%dma_start3A_165] : memref<96xi32, #tpu.memory_space<vmem>> -> memref<48xi32, #tpu.memory_space<vmem>>
        %dma_start3A_167 = arith.constant 0 : i32
        %dma_start3A_168 = arith.constant 0 : i32
        %dma_start3A_169 = tpu.memref_slice %arg2[%dma_start3A_167, %dma_start3A_168] : memref<10000x128xf32, #tpu.memory_space<hbm>> -> memref<10000x128xf32, #tpu.memory_space<hbm>>
        tpu.enqueue_indirect_dma source(%dma_start3A_169 : memref<10000x128xf32, #tpu.memory_space<hbm>>) target(%dma_start3A_164 : memref<48x128xf32, #tpu.memory_space<vmem>>) offsets(%dma_start3A_166 : memref<48xi32, #tpu.memory_space<vmem>>) semaphore(%arg17 : memref<!tpu.dma_semaphore, #tpu.memory_space<semaphore_mem>>)
        %dma_start3A_170 = arith.constant 48 : i32
        %dma_start3A_171 = arith.constant 0 : i32
        %dma_start3A_172 = tpu.memref_slice %arg10[%dma_start3A_170, %dma_start3A_171] : memref<96x128xf32, #tpu.memory_space<vmem>> -> memref<48x128xf32, #tpu.memory_space<vmem>>
        %dma_start3A_173 = arith.constant 48 : i32
        %dma_start3A_174 = tpu.memref_slice %arg8[%dma_start3A_173] : memref<96xi32, #tpu.memory_space<vmem>> -> memref<48xi32, #tpu.memory_space<vmem>>
        %dma_start3A_175 = arith.constant 0 : i32
        %dma_start3A_176 = arith.constant 0 : i32
        %dma_start3A_177 = tpu.memref_slice %arg2[%dma_start3A_175, %dma_start3A_176] : memref<10000x128xf32, #tpu.memory_space<hbm>> -> memref<10000x128xf32, #tpu.memory_space<hbm>>
        tpu.enqueue_indirect_dma source(%dma_start3A_177 : memref<10000x128xf32, #tpu.memory_space<hbm>>) target(%dma_start3A_172 : memref<48x128xf32, #tpu.memory_space<vmem>>) offsets(%dma_start3A_174 : memref<48xi32, #tpu.memory_space<vmem>>) semaphore(%arg17 : memref<!tpu.dma_semaphore, #tpu.memory_space<semaphore_mem>>)
        %add3A_178 = arith.constant 1 : i32
        %add3A_179 = arith.addi %add3A_99, %add3A_178 : i32
        %mul3A_180 = arith.constant 32 : i32
        %mul3A_181 = arith.muli %mul3A_180, %add3A_179 : i32
        %add3A_182 = arith.addi %add3A, %mul3A_181 : i32
        %mul3A_183 = arith.constant 96 : i32
        %mul3A_184 = arith.muli %add3A_182, %mul3A_183 : i32
        %dma_start3A_185 = arith.constant 0 : i32
        %dma_start3A_186 = tpu.memref_slice %arg3[%mul3A_184, %dma_start3A_185] : memref<325632x128xf32, #tpu.memory_space<hbm>> -> memref<96x128xf32, #tpu.memory_space<hbm>>
        %dma_start3A_187 = arith.constant 0 : i32
        %dma_start3A_188 = tpu.memref_slice %arg3[%mul3A_184, %dma_start3A_187] : memref<325632x128xf32, #tpu.memory_space<hbm>> -> memref<96x128xf32, #tpu.memory_space<hbm>>
        tpu.enqueue_dma source(%dma_start3A_188 : memref<96x128xf32, #tpu.memory_space<hbm>>) target(%arg11 : memref<96x128xf32, #tpu.memory_space<vmem>>) target_semaphore(%arg18 : memref<!tpu.dma_semaphore, #tpu.memory_space<semaphore_mem>>)
      } else {
      }
      %scan3A_132 = arith.constant 0 : i32
      %scan3A_133 = arith.constant 96 : i32
      %scan3A_134 = arith.addi %scan3A_132, %scan3A_133 : i32
      %scan3A_135 = arith.constant 1 : i32
      scf.for %scan3A_144 = %scan3A_132 to %scan3A_134 step %scan3A_135  : i32 {
        %mul3A_145 = arith.constant 1 : i32
        %mul3A_146 = arith.muli %scan3A_144, %mul3A_145 : i32
        %add3A_147 = arith.constant 0 : i32
        %add3A_148 = arith.addi %add3A_147, %mul3A_146 : i32
        %get3A = arith.index_cast %add3A_148 : i32 to index
        %get3A_149 = arith.constant 0 : index
        %get3A_150 = tpu.vector_load %arg14[%get3A, %get3A_149] {strides = array<i32>} : memref<96x128xf32, #tpu.memory_space<vmem>>, vector<1x16xf32>,
        %get3A_151 = vector.shape_cast %get3A_150 : vector<1x16xf32> to vector<16xf32>
        %get3A_152 = arith.index_cast %add3A_148 : i32 to index
        %get3A_153 = arith.constant 0 : index
        %get3A_154 = tpu.vector_load %arg15[%get3A_152, %get3A_153] {strides = array<i32>} : memref<96x128xf32, #tpu.memory_space<vmem>>, vector<1x16xf32>,
        %get3A_155 = vector.shape_cast %get3A_154 : vector<1x16xf32> to vector<16xf32>
        %add3A_156 = arith.addf %get3A_151, %get3A_155 : vector<16xf32>
        %max3A = arith.constant 0.000000e+00 : f32
        %max3A_157 = vector.broadcast %max3A : f32 to vector<16xf32>
        %max3A_158 = arith.maximumf %add3A_156, %max3A_157 : vector<16xf32>
        %swap3A = arith.index_cast %add3A_148 : i32 to index
        %swap3A_159 = arith.constant 0 : index
        %swap3A_160 = tpu.vector_load %arg14[%swap3A, %swap3A_159] {strides = array<i32>} : memref<96x128xf32, #tpu.memory_space<vmem>>, vector<1x16xf32>,
        %swap3A_161 = vector.shape_cast %swap3A_160 : vector<1x16xf32> to vector<16xf32>
        %swap3A_162 = vector.shape_cast %max3A_158 : vector<16xf32> to vector<1x16xf32>
        tpu.vector_store %arg14[%swap3A, %swap3A_159], %swap3A_162 {strides = array<i32>} : memref<96x128xf32, #tpu.memory_space<vmem>>, vector<1x16xf32>,
        %get3A_163 = arith.index_cast %add3A_148 : i32 to index
        %get3A_164 = arith.constant 16 : index
        %get3A_165 = tpu.vector_load %arg14[%get3A_163, %get3A_164] {strides = array<i32>} : memref<96x128xf32, #tpu.memory_space<vmem>>, vector<1x16xf32>,
        %get3A_166 = vector.shape_cast %get3A_165 : vector<1x16xf32> to vector<16xf32>
        %get3A_167 = arith.index_cast %add3A_148 : i32 to index
        %get3A_168 = arith.constant 16 : index
        %get3A_169 = tpu.vector_load %arg15[%get3A_167, %get3A_168] {strides = array<i32>} : memref<96x128xf32, #tpu.memory_space<vmem>>, vector<1x16xf32>,
        %get3A_170 = vector.shape_cast %get3A_169 : vector<1x16xf32> to vector<16xf32>
        %add3A_171 = arith.addf %get3A_166, %get3A_170 : vector<16xf32>
        %max3A_172 = arith.constant 0.000000e+00 : f32
        %max3A_173 = vector.broadcast %max3A_172 : f32 to vector<16xf32>
        %max3A_174 = arith.maximumf %add3A_171, %max3A_173 : vector<16xf32>
        %swap3A_175 = arith.index_cast %add3A_148 : i32 to index
        %swap3A_176 = arith.constant 16 : index
        %swap3A_177 = tpu.vector_load %arg14[%swap3A_175, %swap3A_176] {strides = array<i32>} : memref<96x128xf32, #tpu.memory_space<vmem>>, vector<1x16xf32>,
        %swap3A_178 = vector.shape_cast %swap3A_177 : vector<1x16xf32> to vector<16xf32>
        %swap3A_179 = vector.shape_cast %max3A_174 : vector<16xf32> to vector<1x16xf32>
        tpu.vector_store %arg14[%swap3A_175, %swap3A_176], %swap3A_179 {strides = array<i32>} : memref<96x128xf32, #tpu.memory_space<vmem>>, vector<1x16xf32>,
        %get3A_180 = arith.index_cast %add3A_148 : i32 to index
        %get3A_181 = arith.constant 32 : index
        %get3A_182 = tpu.vector_load %arg14[%get3A_180, %get3A_181] {strides = array<i32>} : memref<96x128xf32, #tpu.memory_space<vmem>>, vector<1x16xf32>,
        %get3A_183 = vector.shape_cast %get3A_182 : vector<1x16xf32> to vector<16xf32>
        %get3A_184 = arith.index_cast %add3A_148 : i32 to index
        %get3A_185 = arith.constant 32 : index
        %get3A_186 = tpu.vector_load %arg15[%get3A_184, %get3A_185] {strides = array<i32>} : memref<96x128xf32, #tpu.memory_space<vmem>>, vector<1x16xf32>,
        %get3A_187 = vector.shape_cast %get3A_186 : vector<1x16xf32> to vector<16xf32>
        %add3A_188 = arith.addf %get3A_183, %get3A_187 : vector<16xf32>
        %max3A_189 = arith.constant 0.000000e+00 : f32
        %max3A_190 = vector.broadcast %max3A_189 : f32 to vector<16xf32>
        %max3A_191 = arith.maximumf %add3A_188, %max3A_190 : vector<16xf32>
        %swap3A_192 = arith.index_cast %add3A_148 : i32 to index
        %swap3A_193 = arith.constant 32 : index
        %swap3A_194 = tpu.vector_load %arg14[%swap3A_192, %swap3A_193] {strides = array<i32>} : memref<96x128xf32, #tpu.memory_space<vmem>>, vector<1x16xf32>,
        %swap3A_195 = vector.shape_cast %swap3A_194 : vector<1x16xf32> to vector<16xf32>
        %swap3A_196 = vector.shape_cast %max3A_191 : vector<16xf32> to vector<1x16xf32>
        tpu.vector_store %arg14[%swap3A_192, %swap3A_193], %swap3A_196 {strides = array<i32>} : memref<96x128xf32, #tpu.memory_space<vmem>>, vector<1x16xf32>,
        %get3A_197 = arith.index_cast %add3A_148 : i32 to index
        %get3A_198 = arith.constant 48 : index
        %get3A_199 = tpu.vector_load %arg14[%get3A_197, %get3A_198] {strides = array<i32>} : memref<96x128xf32, #tpu.memory_space<vmem>>, vector<1x16xf32>,
        %get3A_200 = vector.shape_cast %get3A_199 : vector<1x16xf32> to vector<16xf32>
        %get3A_201 = arith.index_cast %add3A_148 : i32 to index
        %get3A_202 = arith.constant 48 : index
        %get3A_203 = tpu.vector_load %arg15[%get3A_201, %get3A_202] {strides = array<i32>} : memref<96x128xf32, #tpu.memory_space<vmem>>, vector<1x16xf32>,
        %get3A_204 = vector.shape_cast %get3A_203 : vector<1x16xf32> to vector<16xf32>
        %add3A_205 = arith.addf %get3A_200, %get3A_204 : vector<16xf32>
        %max3A_206 = arith.constant 0.000000e+00 : f32
        %max3A_207 = vector.broadcast %max3A_206 : f32 to vector<16xf32>
        %max3A_208 = arith.maximumf %add3A_205, %max3A_207 : vector<16xf32>
        %swap3A_209 = arith.index_cast %add3A_148 : i32 to index
        %swap3A_210 = arith.constant 48 : index
        %swap3A_211 = tpu.vector_load %arg14[%swap3A_209, %swap3A_210] {strides = array<i32>} : memref<96x128xf32, #tpu.memory_space<vmem>>, vector<1x16xf32>,
        %swap3A_212 = vector.shape_cast %swap3A_211 : vector<1x16xf32> to vector<16xf32>
        %swap3A_213 = vector.shape_cast %max3A_208 : vector<16xf32> to vector<1x16xf32>
        tpu.vector_store %arg14[%swap3A_209, %swap3A_210], %swap3A_213 {strides = array<i32>} : memref<96x128xf32, #tpu.memory_space<vmem>>, vector<1x16xf32>,
        %get3A_214 = arith.index_cast %add3A_148 : i32 to index
        %get3A_215 = arith.constant 64 : index
        %get3A_216 = tpu.vector_load %arg14[%get3A_214, %get3A_215] {strides = array<i32>} : memref<96x128xf32, #tpu.memory_space<vmem>>, vector<1x16xf32>,
        %get3A_217 = vector.shape_cast %get3A_216 : vector<1x16xf32> to vector<16xf32>
        %get3A_218 = arith.index_cast %add3A_148 : i32 to index
        %get3A_219 = arith.constant 64 : index
        %get3A_220 = tpu.vector_load %arg15[%get3A_218, %get3A_219] {strides = array<i32>} : memref<96x128xf32, #tpu.memory_space<vmem>>, vector<1x16xf32>,
        %get3A_221 = vector.shape_cast %get3A_220 : vector<1x16xf32> to vector<16xf32>
        %add3A_222 = arith.addf %get3A_217, %get3A_221 : vector<16xf32>
        %max3A_223 = arith.constant 0.000000e+00 : f32
        %max3A_224 = vector.broadcast %max3A_223 : f32 to vector<16xf32>
        %max3A_225 = arith.maximumf %add3A_222, %max3A_224 : vector<16xf32>
        %swap3A_226 = arith.index_cast %add3A_148 : i32 to index
        %swap3A_227 = arith.constant 64 : index
        %swap3A_228 = tpu.vector_load %arg14[%swap3A_226, %swap3A_227] {strides = array<i32>} : memref<96x128xf32, #tpu.memory_space<vmem>>, vector<1x16xf32>,
        %swap3A_229 = vector.shape_cast %swap3A_228 : vector<1x16xf32> to vector<16xf32>
        %swap3A_230 = vector.shape_cast %max3A_225 : vector<16xf32> to vector<1x16xf32>
        tpu.vector_store %arg14[%swap3A_226, %swap3A_227], %swap3A_230 {strides = array<i32>} : memref<96x128xf32, #tpu.memory_space<vmem>>, vector<1x16xf32>,
        %get3A_231 = arith.index_cast %add3A_148 : i32 to index
        %get3A_232 = arith.constant 80 : index
        %get3A_233 = tpu.vector_load %arg14[%get3A_231, %get3A_232] {strides = array<i32>} : memref<96x128xf32, #tpu.memory_space<vmem>>, vector<1x16xf32>,
        %get3A_234 = vector.shape_cast %get3A_233 : vector<1x16xf32> to vector<16xf32>
        %get3A_235 = arith.index_cast %add3A_148 : i32 to index
        %get3A_236 = arith.constant 80 : index
        %get3A_237 = tpu.vector_load %arg15[%get3A_235, %get3A_236] {strides = array<i32>} : memref<96x128xf32, #tpu.memory_space<vmem>>, vector<1x16xf32>,
        %get3A_238 = vector.shape_cast %get3A_237 : vector<1x16xf32> to vector<16xf32>
        %add3A_239 = arith.addf %get3A_234, %get3A_238 : vector<16xf32>
        %max3A_240 = arith.constant 0.000000e+00 : f32
        %max3A_241 = vector.broadcast %max3A_240 : f32 to vector<16xf32>
        %max3A_242 = arith.maximumf %add3A_239, %max3A_241 : vector<16xf32>
        %swap3A_243 = arith.index_cast %add3A_148 : i32 to index
        %swap3A_244 = arith.constant 80 : index
        %swap3A_245 = tpu.vector_load %arg14[%swap3A_243, %swap3A_244] {strides = array<i32>} : memref<96x128xf32, #tpu.memory_space<vmem>>, vector<1x16xf32>,
        %swap3A_246 = vector.shape_cast %swap3A_245 : vector<1x16xf32> to vector<16xf32>
        %swap3A_247 = vector.shape_cast %max3A_242 : vector<16xf32> to vector<1x16xf32>
        tpu.vector_store %arg14[%swap3A_243, %swap3A_244], %swap3A_247 {strides = array<i32>} : memref<96x128xf32, #tpu.memory_space<vmem>>, vector<1x16xf32>,
        %get3A_248 = arith.index_cast %add3A_148 : i32 to index
        %get3A_249 = arith.constant 96 : index
        %get3A_250 = tpu.vector_load %arg14[%get3A_248, %get3A_249] {strides = array<i32>} : memref<96x128xf32, #tpu.memory_space<vmem>>, vector<1x16xf32>,
        %get3A_251 = vector.shape_cast %get3A_250 : vector<1x16xf32> to vector<16xf32>
        %get3A_252 = arith.index_cast %add3A_148 : i32 to index
        %get3A_253 = arith.constant 96 : index
        %get3A_254 = tpu.vector_load %arg15[%get3A_252, %get3A_253] {strides = array<i32>} : memref<96x128xf32, #tpu.memory_space<vmem>>, vector<1x16xf32>,
        %get3A_255 = vector.shape_cast %get3A_254 : vector<1x16xf32> to vector<16xf32>
        %add3A_256 = arith.addf %get3A_251, %get3A_255 : vector<16xf32>
        %max3A_257 = arith.constant 0.000000e+00 : f32
        %max3A_258 = vector.broadcast %max3A_257 : f32 to vector<16xf32>
        %max3A_259 = arith.maximumf %add3A_256, %max3A_258 : vector<16xf32>
        %swap3A_260 = arith.index_cast %add3A_148 : i32 to index
        %swap3A_261 = arith.constant 96 : index
        %swap3A_262 = tpu.vector_load %arg14[%swap3A_260, %swap3A_261] {strides = array<i32>} : memref<96x128xf32, #tpu.memory_space<vmem>>, vector<1x16xf32>,
        %swap3A_263 = vector.shape_cast %swap3A_262 : vector<1x16xf32> to vector<16xf32>
        %swap3A_264 = vector.shape_cast %max3A_259 : vector<16xf32> to vector<1x16xf32>
        tpu.vector_store %arg14[%swap3A_260, %swap3A_261], %swap3A_264 {strides = array<i32>} : memref<96x128xf32, #tpu.memory_space<vmem>>, vector<1x16xf32>,
        %get3A_265 = arith.index_cast %add3A_148 : i32 to index
        %get3A_266 = arith.constant 112 : index
        %get3A_267 = tpu.vector_load %arg14[%get3A_265, %get3A_266] {strides = array<i32>} : memref<96x128xf32, #tpu.memory_space<vmem>>, vector<1x16xf32>,
        %get3A_268 = vector.shape_cast %get3A_267 : vector<1x16xf32> to vector<16xf32>
        %get3A_269 = arith.index_cast %add3A_148 : i32 to index
        %get3A_270 = arith.constant 112 : index
        %get3A_271 = tpu.vector_load %arg15[%get3A_269, %get3A_270] {strides = array<i32>} : memref<96x128xf32, #tpu.memory_space<vmem>>, vector<1x16xf32>,
        %get3A_272 = vector.shape_cast %get3A_271 : vector<1x16xf32> to vector<16xf32>
        %add3A_273 = arith.addf %get3A_268, %get3A_272 : vector<16xf32>
        %max3A_274 = arith.constant 0.000000e+00 : f32
        %max3A_275 = vector.broadcast %max3A_274 : f32 to vector<16xf32>
        %max3A_276 = arith.maximumf %add3A_273, %max3A_275 : vector<16xf32>
        %swap3A_277 = arith.index_cast %add3A_148 : i32 to index
        %swap3A_278 = arith.constant 112 : index
        %swap3A_279 = tpu.vector_load %arg14[%swap3A_277, %swap3A_278] {strides = array<i32>} : memref<96x128xf32, #tpu.memory_space<vmem>>, vector<1x16xf32>,
        %swap3A_280 = vector.shape_cast %swap3A_279 : vector<1x16xf32> to vector<16xf32>
        %swap3A_281 = vector.shape_cast %max3A_276 : vector<16xf32> to vector<1x16xf32>
        tpu.vector_store %arg14[%swap3A_277, %swap3A_278], %swap3A_281 {strides = array<i32>} : memref<96x128xf32, #tpu.memory_space<vmem>>, vector<1x16xf32>,
      }
      %scan3A_136 = arith.constant 96 : i32
      "tpu.region"() ({
        %run_scoped3A = tpu.sem_alloc : memref<!tpu.dma_semaphore, #tpu.memory_space<semaphore_mem>>
        %dma_start3A_144 = arith.constant 0 : i32
        %dma_start3A_145 = arith.constant 0 : i32
        %dma_start3A_146 = tpu.memref_slice %arg16[%dma_start3A_144, %dma_start3A_145] : memref<10112x128xf32, #tpu.memory_space<vmem_shared>> -> memref<10112x128xf32, #tpu.memory_space<vmem_shared>>
        tpu.enqueue_indirect_dma source(%arg14 : memref<96x128xf32, #tpu.memory_space<vmem>>) target(%dma_start3A_146 : memref<10112x128xf32, #tpu.memory_space<vmem_shared>>) offsets(%arg13 : memref<96xi32, #tpu.memory_space<vmem>>) semaphore(%run_scoped3A : memref<!tpu.dma_semaphore, #tpu.memory_space<semaphore_mem>>) {add = true}
        %dma_wait3A_147 = arith.constant 0 : i32
        %dma_wait3A_148 = arith.constant 0 : i32
        %dma_wait3A_149 = tpu.memref_slice %arg16[%dma_wait3A_147, %dma_wait3A_148] : memref<10112x128xf32, #tpu.memory_space<vmem_shared>> -> memref<10112x128xf32, #tpu.memory_space<vmem_shared>>
        tpu.wait_indirect_dma semaphore(%run_scoped3A : memref<!tpu.dma_semaphore, #tpu.memory_space<semaphore_mem>>) src(%arg14 : memref<96x128xf32, #tpu.memory_space<vmem>>) dst(%dma_wait3A_149 : memref<10112x128xf32, #tpu.memory_space<vmem_shared>>)
        tpu.yield
      }) : () -> ()
      %add3A_137 = arith.constant 2 : i32
      %add3A_138 = arith.addi %add3A_99, %add3A_137 : i32
      %lt3A_139 = arith.constant 106 : i32
      %lt3A_140 = arith.cmpi slt, %add3A_138, %lt3A_139 : i32
      %convert_element_type3A_141 = arith.extui %lt3A_140 : i1 to i32
      %cond3A_142 = arith.constant 0 : i32
      %cond3A_143 = arith.cmpi ne, %convert_element_type3A_141, %cond3A_142 : i32
      scf.if %cond3A_143 {
        %add3A_144 = arith.constant 2 : i32
        %add3A_145 = arith.addi %add3A_99, %add3A_144 : i32
        %mul3A_146 = arith.constant 32 : i32
        %mul3A_147 = arith.muli %mul3A_146, %add3A_145 : i32
        %add3A_148 = arith.addi %add3A, %mul3A_147 : i32
        %mul3A_149 = arith.constant 96 : i32
        %mul3A_150 = arith.muli %add3A_148, %mul3A_149 : i32
        %dma_start3A_151 = tpu.memref_slice %arg4[%mul3A_150] : memref<325632xi32, #tpu.memory_space<hbm>> -> memref<96xi32, #tpu.memory_space<hbm>>
        %dma_start3A_152 = tpu.memref_slice %arg4[%mul3A_150] : memref<325632xi32, #tpu.memory_space<hbm>> -> memref<96xi32, #tpu.memory_space<hbm>>
        tpu.enqueue_dma source(%dma_start3A_152 : memref<96xi32, #tpu.memory_space<hbm>>) target(%arg12 : memref<96xi32, #tpu.memory_space<vmem>>) target_semaphore(%arg19 : memref<!tpu.dma_semaphore, #tpu.memory_space<semaphore_mem>>)
        %add3A_153 = arith.constant 2 : i32
        %add3A_154 = arith.addi %add3A_99, %add3A_153 : i32
        %mul3A_155 = arith.constant 32 : i32
        %mul3A_156 = arith.muli %mul3A_155, %add3A_154 : i32
        %add3A_157 = arith.addi %add3A, %mul3A_156 : i32
        %mul3A_158 = arith.constant 96 : i32
        %mul3A_159 = arith.muli %add3A_157, %mul3A_158 : i32
        %dma_start3A_160 = tpu.memref_slice %arg5[%mul3A_159] : memref<325632xi32, #tpu.memory_space<hbm>> -> memref<96xi32, #tpu.memory_space<hbm>>
        %dma_start3A_161 = tpu.memref_slice %arg5[%mul3A_159] : memref<325632xi32, #tpu.memory_space<hbm>> -> memref<96xi32, #tpu.memory_space<hbm>>
        tpu.enqueue_dma source(%dma_start3A_161 : memref<96xi32, #tpu.memory_space<hbm>>) target(%arg13 : memref<96xi32, #tpu.memory_space<vmem>>) target_semaphore(%arg19 : memref<!tpu.dma_semaphore, #tpu.memory_space<semaphore_mem>>)
      } else {
      }
    }
    %scan3A_49 = arith.constant 53 : i32
    %barrier3A_50 = arith.constant 0 : index
    tpu.barrier barrier_id(%barrier3A_50)
    %mul3A_51 = arith.constant 632 : i32
    %mul3A_52 = arith.muli %arg1, %mul3A_51 : i32
    "tpu.region"() ({
      %run_scoped3A = tpu.sem_alloc : memref<!tpu.dma_semaphore, #tpu.memory_space<semaphore_mem>>
      %dma_start3A_53 = arith.constant 0 : i32
      %dma_start3A_54 = tpu.memref_slice %arg7[%arg0, %mul3A_52, %dma_start3A_53] : memref<2x10112x128xf32, #tpu.memory_space<hbm>> -> memref<1x632x128xf32, #tpu.memory_space<hbm>>
      %dma_start3A_55 = tpu.memref_squeeze %dma_start3A_54 : memref<1x632x128xf32, #tpu.memory_space<hbm>> -> memref<632x128xf32, #tpu.memory_space<hbm>>
      %dma_start3A_56 = arith.constant 0 : i32
      %dma_start3A_57 = tpu.memref_slice %arg16[%mul3A_52, %dma_start3A_56] : memref<10112x128xf32, #tpu.memory_space<vmem_shared>> -> memref<632x128xf32, #tpu.memory_space<vmem_shared>>
      tpu.enqueue_dma source(%dma_start3A_57 : memref<632x128xf32, #tpu.memory_space<vmem_shared>>) target(%dma_start3A_55 : memref<632x128xf32, #tpu.memory_space<hbm>>) target_semaphore(%run_scoped3A : memref<!tpu.dma_semaphore, #tpu.memory_space<semaphore_mem>>)
      %dma_wait3A = arith.constant 0 : i32
      %dma_wait3A_58 = tpu.memref_slice %arg7[%arg0, %mul3A_52, %dma_wait3A] : memref<2x10112x128xf32, #tpu.memory_space<hbm>> -> memref<1x632x128xf32, #tpu.memory_space<hbm>>
      %dma_wait3A_59 = tpu.memref_squeeze %dma_wait3A_58 : memref<1x632x128xf32, #tpu.memory_space<hbm>> -> memref<632x128xf32, #tpu.memory_space<hbm>>
      %dma_wait3A_60 = arith.constant 0 : i32
      %dma_wait3A_61 = tpu.memref_slice %arg16[%mul3A_52, %dma_wait3A_60] : memref<10112x128xf32, #tpu.memory_space<vmem_shared>> -> memref<632x128xf32, #tpu.memory_space<vmem_shared>>
      tpu.wait_dma2 semaphore(%run_scoped3A : memref<!tpu.dma_semaphore, #tpu.memory_space<semaphore_mem>>) src(%dma_wait3A_61 : memref<632x128xf32, #tpu.memory_space<vmem_shared>>) dst(%dma_wait3A_59 : memref<632x128xf32, #tpu.memory_space<hbm>>)
      tpu.yield
    }) : () -> ()
    return
  }
}

module attributes {stable_mosaic.version = 14 : i64} {
  func.func @_proj_body(%arg0: i32, %arg1: memref<6144x16xf32, #tpu.memory_space<vmem>>, %arg2: memref<16x128xf32, #tpu.memory_space<vmem>>, %arg3: memref<6144x128xf32, #tpu.memory_space<vmem>>) attributes {dimension_semantics = [#tpu.dimension_semantics<arbitrary>], iteration_bounds = array<i64: 53>, scalar_prefetch = 0 : i64, scratch_operands = 0 : i64, tpu.core_type = #tpu.core_type<tc>, window_params = [{transform_indices = @transform_0, window_bounds = array<i64: 6144, 16>}, {pipeline_mode = #tpu.pipeline_mode<synchronous>, transform_indices = @transform_1, window_bounds = array<i64: 16, 128>}, {transform_indices = @transform_2, window_bounds = array<i64: 6144, 128>}]} {
    %get3A = arith.constant 0 : index
    %get3A_0 = arith.constant 0 : index
    %get3A_1 = vector.load %arg1[%get3A, %get3A_0] : memref<6144x16xf32, #tpu.memory_space<vmem>>, vector<6144x16xf32>
    %get3A_2 = arith.constant 0 : index
    %get3A_3 = arith.constant 0 : index
    %get3A_4 = vector.load %arg2[%get3A_2, %get3A_3] : memref<16x128xf32, #tpu.memory_space<vmem>>, vector<16x128xf32>
    %dot_general3A = arith.constant dense<0.000000e+00> : vector<6144x128xf32>
    %dot_general3A_5 = tpu.matmul %get3A_1, %get3A_4, %dot_general3A {dimension_numbers = #tpu.dot_dimension_numbers<[1], [0], [0], [1], [0, 0, 1, 1], [], []>, transpose_lhs_hint = false} : vector<6144x16xf32>, vector<16x128xf32>, vector<6144x128xf32> -> vector<6144x128xf32>
    %swap3A = arith.constant 0 : index
    %swap3A_6 = arith.constant 0 : index
    %swap3A_7 = vector.load %arg3[%swap3A, %swap3A_6] : memref<6144x128xf32, #tpu.memory_space<vmem>>, vector<6144x128xf32>
    tpu.vector_store %arg3[%swap3A, %swap3A_6], %dot_general3A_5 {strides = array<i32>} : memref<6144x128xf32, #tpu.memory_space<vmem>>, vector<6144x128xf32>,
    return
  }
  func.func @transform_0(%arg0: i32) -> (i32, i32) {
    %c0_i32 = arith.constant 0 : i32
    %c0_i32_0 = arith.constant 0 : i32
    return %arg0, %c0_i32 : i32, i32
  }
  func.func @transform_1(%arg0: i32) -> (i32, i32) {
    %c0_i32 = arith.constant 0 : i32
    %c0_i32_0 = arith.constant 0 : i32
    %c0_i32_1 = arith.constant 0 : i32
    return %c0_i32, %c0_i32_0 : i32, i32
  }
  func.func @transform_2(%arg0: i32) -> (i32, i32) {
    %c0_i32 = arith.constant 0 : i32
    %c0_i32_0 = arith.constant 0 : i32
    return %arg0, %c0_i32 : i32, i32
  }
}

module attributes {stable_mosaic.version = 14 : i64} {
  func.func @_update_body(%arg0: i32, %arg1: memref<2000x128xf32, #tpu.memory_space<vmem>>, %arg2: memref<2000x128xf32, #tpu.memory_space<vmem>>, %arg3: memref<2000x128xf32, #tpu.memory_space<vmem>>, %arg4: memref<128x128xf32, #tpu.memory_space<vmem>>, %arg5: memref<1x128xf32, #tpu.memory_space<vmem>>, %arg6: memref<2000x128xf32, #tpu.memory_space<vmem>>) attributes {dimension_semantics = [#tpu.dimension_semantics<arbitrary>], iteration_bounds = array<i64: 5>, scalar_prefetch = 0 : i64, scratch_operands = 0 : i64, tpu.core_type = #tpu.core_type<tc>, window_params = [{transform_indices = @transform_0, window_bounds = array<i64: 2000, 128>}, {transform_indices = @transform_1, window_bounds = array<i64: 2000, 128>}, {transform_indices = @transform_2, window_bounds = array<i64: 2000, 128>}, {pipeline_mode = #tpu.pipeline_mode<synchronous>, transform_indices = @transform_3, window_bounds = array<i64: 128, 128>}, {pipeline_mode = #tpu.pipeline_mode<synchronous>, transform_indices = @transform_4, window_bounds = array<i64: 1, 128>}, {transform_indices = @transform_5, window_bounds = array<i64: 2000, 128>}]} {
    %get3A = arith.constant 0 : index
    %get3A_0 = arith.constant 0 : index
    %get3A_1 = vector.load %arg1[%get3A, %get3A_0] : memref<2000x128xf32, #tpu.memory_space<vmem>>, vector<2000x128xf32>
    %get3A_2 = arith.constant 0 : index
    %get3A_3 = arith.constant 0 : index
    %get3A_4 = vector.load %arg2[%get3A_2, %get3A_3] : memref<2000x128xf32, #tpu.memory_space<vmem>>, vector<2000x128xf32>
    %add3A = arith.addf %get3A_1, %get3A_4 : vector<2000x128xf32>
    %get3A_5 = arith.constant 0 : index
    %get3A_6 = arith.constant 0 : index
    %get3A_7 = vector.load %arg3[%get3A_5, %get3A_6] : memref<2000x128xf32, #tpu.memory_space<vmem>>, vector<2000x128xf32>
    %add3A_8 = arith.addf %add3A, %get3A_7 : vector<2000x128xf32>
    %get3A_9 = arith.constant 0 : index
    %get3A_10 = arith.constant 0 : index
    %get3A_11 = vector.load %arg4[%get3A_9, %get3A_10] : memref<128x128xf32, #tpu.memory_space<vmem>>, vector<128x128xf32>
    %dot_general3A = arith.constant dense<0.000000e+00> : vector<2000x128xf32>
    %dot_general3A_12 = tpu.matmul %add3A_8, %get3A_11, %dot_general3A {dimension_numbers = #tpu.dot_dimension_numbers<[1], [0], [0], [1], [0, 0, 1, 1], [], []>, transpose_lhs_hint = false} : vector<2000x128xf32>, vector<128x128xf32>, vector<2000x128xf32> -> vector<2000x128xf32>
    %get3A_13 = arith.constant 0 : index
    %get3A_14 = arith.constant 0 : index
    %get3A_15 = vector.load %arg5[%get3A_13, %get3A_14] : memref<1x128xf32, #tpu.memory_space<vmem>>, vector<1x128xf32>
    %add3A_16 = vector.broadcast %get3A_15 : vector<1x128xf32> to vector<2000x128xf32>
    %add3A_17 = arith.addf %dot_general3A_12, %add3A_16 : vector<2000x128xf32>
    %max3A = arith.constant 0.000000e+00 : f32
    %max3A_18 = vector.broadcast %max3A : f32 to vector<2000x128xf32>
    %max3A_19 = arith.maximumf %add3A_17, %max3A_18 : vector<2000x128xf32>
    %swap3A = arith.constant 0 : index
    %swap3A_20 = arith.constant 0 : index
    %swap3A_21 = vector.load %arg6[%swap3A, %swap3A_20] : memref<2000x128xf32, #tpu.memory_space<vmem>>, vector<2000x128xf32>
    tpu.vector_store %arg6[%swap3A, %swap3A_20], %max3A_19 {strides = array<i32>} : memref<2000x128xf32, #tpu.memory_space<vmem>>, vector<2000x128xf32>,
    return
  }
  func.func @transform_0(%arg0: i32) -> (i32, i32) {
    %c0_i32 = arith.constant 0 : i32
    %c0_i32_0 = arith.constant 0 : i32
    return %arg0, %c0_i32 : i32, i32
  }
  func.func @transform_1(%arg0: i32) -> (i32, i32) {
    %c0_i32 = arith.constant 0 : i32
    %c0_i32_0 = arith.constant 0 : i32
    return %arg0, %c0_i32 : i32, i32
  }
  func.func @transform_2(%arg0: i32) -> (i32, i32) {
    %c0_i32 = arith.constant 0 : i32
    %c0_i32_0 = arith.constant 0 : i32
    return %arg0, %c0_i32 : i32, i32
  }
  func.func @transform_3(%arg0: i32) -> (i32, i32) {
    %c0_i32 = arith.constant 0 : i32
    %c0_i32_0 = arith.constant 0 : i32
    %c0_i32_1 = arith.constant 0 : i32
    return %c0_i32, %c0_i32_0 : i32, i32
  }
  func.func @transform_4(%arg0: i32) -> (i32, i32) {
    %c0_i32 = arith.constant 0 : i32
    %c0_i32_0 = arith.constant 0 : i32
    %c0_i32_1 = arith.constant 0 : i32
    return %c0_i32, %c0_i32_0 : i32, i32
  }
  func.func @transform_5(%arg0: i32) -> (i32, i32) {
    %c0_i32 = arith.constant 0 : i32
    %c0_i32_0 = arith.constant 0 : i32
    return %arg0, %c0_i32 : i32, i32
  }
}

module attributes {stable_mosaic.version = 14 : i64} {
  func.func @_update_body(%arg0: i32, %arg1: memref<2000x128xf32, #tpu.memory_space<vmem>>, %arg2: memref<2000x128xf32, #tpu.memory_space<vmem>>, %arg3: memref<2000x128xf32, #tpu.memory_space<vmem>>, %arg4: memref<128x128xf32, #tpu.memory_space<vmem>>, %arg5: memref<1x128xf32, #tpu.memory_space<vmem>>, %arg6: memref<2000x128xf32, #tpu.memory_space<vmem>>) attributes {dimension_semantics = [#tpu.dimension_semantics<arbitrary>], iteration_bounds = array<i64: 5>, scalar_prefetch = 0 : i64, scratch_operands = 0 : i64, tpu.core_type = #tpu.core_type<tc>, window_params = [{transform_indices = @transform_0, window_bounds = array<i64: 2000, 128>}, {transform_indices = @transform_1, window_bounds = array<i64: 2000, 128>}, {transform_indices = @transform_2, window_bounds = array<i64: 2000, 128>}, {pipeline_mode = #tpu.pipeline_mode<synchronous>, transform_indices = @transform_3, window_bounds = array<i64: 128, 128>}, {pipeline_mode = #tpu.pipeline_mode<synchronous>, transform_indices = @transform_4, window_bounds = array<i64: 1, 128>}, {transform_indices = @transform_5, window_bounds = array<i64: 2000, 128>}]} {
    %get3A = arith.constant 0 : index
    %get3A_0 = arith.constant 0 : index
    %get3A_1 = vector.load %arg1[%get3A, %get3A_0] : memref<2000x128xf32, #tpu.memory_space<vmem>>, vector<2000x128xf32>
    %get3A_2 = arith.constant 0 : index
    %get3A_3 = arith.constant 0 : index
    %get3A_4 = vector.load %arg2[%get3A_2, %get3A_3] : memref<2000x128xf32, #tpu.memory_space<vmem>>, vector<2000x128xf32>
    %add3A = arith.addf %get3A_1, %get3A_4 : vector<2000x128xf32>
    %get3A_5 = arith.constant 0 : index
    %get3A_6 = arith.constant 0 : index
    %get3A_7 = vector.load %arg3[%get3A_5, %get3A_6] : memref<2000x128xf32, #tpu.memory_space<vmem>>, vector<2000x128xf32>
    %add3A_8 = arith.addf %add3A, %get3A_7 : vector<2000x128xf32>
    %get3A_9 = arith.constant 0 : index
    %get3A_10 = arith.constant 0 : index
    %get3A_11 = vector.load %arg4[%get3A_9, %get3A_10] : memref<128x128xf32, #tpu.memory_space<vmem>>, vector<128x128xf32>
    %dot_general3A = arith.constant dense<0.000000e+00> : vector<2000x128xf32>
    %dot_general3A_12 = tpu.matmul %add3A_8, %get3A_11, %dot_general3A {dimension_numbers = #tpu.dot_dimension_numbers<[1], [0], [0], [1], [0, 0, 1, 1], [], []>, transpose_lhs_hint = false} : vector<2000x128xf32>, vector<128x128xf32>, vector<2000x128xf32> -> vector<2000x128xf32>
    %get3A_13 = arith.constant 0 : index
    %get3A_14 = arith.constant 0 : index
    %get3A_15 = vector.load %arg5[%get3A_13, %get3A_14] : memref<1x128xf32, #tpu.memory_space<vmem>>, vector<1x128xf32>
    %add3A_16 = vector.broadcast %get3A_15 : vector<1x128xf32> to vector<2000x128xf32>
    %add3A_17 = arith.addf %dot_general3A_12, %add3A_16 : vector<2000x128xf32>
    %max3A = arith.constant 0.000000e+00 : f32
    %max3A_18 = vector.broadcast %max3A : f32 to vector<2000x128xf32>
    %max3A_19 = arith.maximumf %add3A_17, %max3A_18 : vector<2000x128xf32>
    %swap3A = arith.constant 0 : index
    %swap3A_20 = arith.constant 0 : index
    %swap3A_21 = vector.load %arg6[%swap3A, %swap3A_20] : memref<2000x128xf32, #tpu.memory_space<vmem>>, vector<2000x128xf32>
    tpu.vector_store %arg6[%swap3A, %swap3A_20], %max3A_19 {strides = array<i32>} : memref<2000x128xf32, #tpu.memory_space<vmem>>, vector<2000x128xf32>,
    return
  }
  func.func @transform_0(%arg0: i32) -> (i32, i32) {
    %c0_i32 = arith.constant 0 : i32
    %c0_i32_0 = arith.constant 0 : i32
    return %arg0, %c0_i32 : i32, i32
  }
  func.func @transform_1(%arg0: i32) -> (i32, i32) {
    %c0_i32 = arith.constant 0 : i32
    %c0_i32_0 = arith.constant 0 : i32
    return %arg0, %c0_i32 : i32, i32
  }
  func.func @transform_2(%arg0: i32) -> (i32, i32) {
    %c0_i32 = arith.constant 0 : i32
    %c0_i32_0 = arith.constant 0 : i32
    return %arg0, %c0_i32 : i32, i32
  }
  func.func @transform_3(%arg0: i32) -> (i32, i32) {
    %c0_i32 = arith.constant 0 : i32
    %c0_i32_0 = arith.constant 0 : i32
    %c0_i32_1 = arith.constant 0 : i32
    return %c0_i32, %c0_i32_0 : i32, i32
  }
  func.func @transform_4(%arg0: i32) -> (i32, i32) {
    %c0_i32 = arith.constant 0 : i32
    %c0_i32_0 = arith.constant 0 : i32
    %c0_i32_1 = arith.constant 0 : i32
    return %c0_i32, %c0_i32_0 : i32, i32
  }
  func.func @transform_5(%arg0: i32) -> (i32, i32) {
    %c0_i32 = arith.constant 0 : i32
    %c0_i32_0 = arith.constant 0 : i32
    return %arg0, %c0_i32 : i32, i32
  }
}

</mosaic_0001>

<sc_bundles>
// kernel: kernel.11.cloned.1.call-start
scs
__scs_entry_jumppad:
0x0: {  	(pc) =	sbr.rel $0x88, $3  }
0x1: {  	(tag) =	ssettag $0x0;
	lr =	simm.s32 $0x1  }
0x2: {  	[smem:$0x3F9B] =	sst lr;
	_ =	strace $0xD0000000  }
0x3: {  	_ = 	snop  }
0x4: {  	_ = 	snop  }
0x5: {  	_ = 	snop  }
0x6: {  	_ = 	snop  }
0x7: {  	_ = 	snop  }
__scs_overlays_trampoline_lowered:
0x8: {  	[smem:$0x3FAA] =	sst s0  }
0x9: {  	[smem:$0x3FAB] =	sst s1  }
0xa: {  	[smem:$0x3FAC] =	sst s2  }
0xb: {  	[smem:$0x3FAD] =	sst s3  }
0xc: {  	[smem:$0x3FAE] =	sst s4  }
0xd: {  	[smem:$0x3FAF] =	sst s5  }
0xe: {  	[smem:$0x3FB0] =	sst s6  }
0xf: {  	[smem:$0x3FB1] =	sst s7  }
0x10: {  	[smem:$0x3FB2] =	sst s8  }
0x11: {  	[smem:$0x3FB3] =	sst s9;
	s0 =	simm.s32 @!p0 $0x0  }
0x12: {  	s1 =	sld [smem:$0x3F99];
	s0 =	simm.s32 @p0 $0x1  }
0x13: {  	[smem:$0x3FB4] =	sst s0;
	s0 =	simm.s32 @!p1 $0x0  }
0x14: {  	s2 =	sld [smem:$0x3F98];
	s0 =	simm.s32 @p1 $0x1  }
0x15: {  	[smem:$0x3FB5] =	sst s0;
	s0 =	simm.s32 @!p2 $0x0  }
0x16: {  	s3 =	sld [smem:$0x3FDB];
	s0 =	simm.s32 @p2 $0x1  }
0x17: {  	s4 =	simm.s32 $0x1BF5;
	[smem:$0x3FB7] =	sst s0  }
0x18: {  	s0 =	sld [smem:$0x3F9A];
	_ =	swait.ge [sflag:s4], $0x0  }
0x19: {  	s7 =	sld [smem:$0x3F9B]  }
0x1a: {  	s8 =	sadd.s32 $0xFFFFE003, lr  }
0x1b: {  	s9 =	sadd.s32 $0xFFFFFEF7, lr;
	s5 =	simm.s32 $0xFFFFFFFF;
	p2 =	slt.u32 s8, $0xFFFFF086  }
0x1c: {  	p1 =	slt.u32 s9, $0xF7A;
	s5 =	simm.s32 @!p2 $0x0  }
0x1d: {  	s5 =	simm.s32 @p1 $0x1;
	p0 =	seq.s32 s7, s2  }
0x1e: {  	s7 =	smul.u32 @!p0 $0xF7A, s2;
	p2 =	seq.s32 @!p0 s5, $0x0  }
0x1f: {  	s9 =	smul.u32 $0xF7A, s1;
	s8 =	simm.s32 @!p0 $0x1BF5;
	p2 =	por !p2, p0  }
0x20: {  	[sflag:s8] =	ssyncset.s32 @!p0 $0xFFFFF086;
	s6 =	sadd.s32 @!p0 s3, s7;
	s7 =	simm.s32 @!p0 $0x108  }
0x21: {  	s3 =	sadd.s32 s3, s9;
	s6 =	sadd.s32 @!p0 $0x88, s6;
	s7 =	simm.s32 @p2 $0x1082  }
0x22: {  	[simem:s7], [sflag:s8] =	dma.local @!p0 [hbm:s6], $0xF7A  }
0x23: {  	s9 =	sor.u32 $0xD0000000, s2;
	s6 =	simm.s32 $0x108;
	_ =	swait.ge @!p0 [sflag:s8], $0x0  }
0x24: {  	s3 =	sadd.s32 $0x88, s3;
	s6 =	simm.s32 @!p1 $0x1082;
	[sflag:s4] =	ssyncset.s32 $0xFFFFF086  }
0x25: {  	[simem:s6], [sflag:s4] =	dma.local [hbm:s3], $0xF7A  }
0x26: {  	[smem:$0x3F9B] =	sst s1;
	(tag) =	ssettag s2;
	_ =	strace s9  }
0x27: {  	s1 =	sld [smem:$0x3FAB]  }
0x28: {  	s2 =	sld [smem:$0x3FAC]  }
0x29: {  	s4 =	sld [smem:$0x3FAE]  }
0x2a: {  	p0 =	seq.s32 s5, $0x0;
	s5 =	sld [smem:$0x3FAF]  }
0x2b: {  	s6 =	sld [smem:$0x3FB0]  }
0x2c: {  	s7 =	sld [smem:$0x3FB1]  }
0x2d: {  	s3 =	simm.s32 $0x108;
	s8 =	sld [smem:$0x3FB2]  }
0x2e: {  	s3 =	simm.s32 @!p0 $0x1082;
	s9 =	sld [smem:$0x3FB3]  }
0x2f: {  	lr =	sadd.s32 s0, s3;
	s0 =	sld [smem:$0x3FAA]  }
0x30: {  	s3 =	sld [smem:$0x3FAD]  }
0x31: {  	[smem:$0x3FB6] =	sst s10  }
0x32: {  	s10 =	sld [smem:$0x3FB4];
	_ =	sdelay $0x3  }
0x33: {  	p0 =	seq.s32 s10, $0x1;
	s10 =	sld [smem:$0x3FB6];
	_ =	sdelay $0x3  }
0x34: {  	[smem:$0x3FB6] =	sst s10  }
0x35: {  	s10 =	sld [smem:$0x3FB5];
	_ =	sdelay $0x3  }
0x36: {  	p1 =	seq.s32 s10, $0x1;
	s10 =	sld [smem:$0x3FB6];
	_ =	sdelay $0x3  }
0x37: {  	[smem:$0x3FB6] =	sst s10  }
0x38: {  	s10 =	sld [smem:$0x3FB7]  }
0x39: {  	_ = 	snop;
	(pc) =	sbr.ind lr, $3  }
0x3a: {  	_ = 	snop  }
0x3b: {  	_ = 	snop  }
0x3c: {  	p2 =	seq.s32 s10, $0x1;
	s10 =	sld [smem:$0x3FB6]  }
0x3d: {  	_ =	shalt  }
0x3e: {  	_ =	shalt  }
0x3f: {  	_ =	shalt  }
0x40: {  	_ =	shalt  }
0x41: {  	_ =	shalt  }
0x42: {  	_ =	shalt  }
0x43: {  	_ =	shalt  }
0x44: {  	_ =	shalt  }
0x45: {  	_ =	shalt  }
0x46: {  	_ =	shalt  }
0x47: {  	_ =	shalt  }
0x48: {  	_ =	shalt  }
0x49: {  	_ =	shalt  }
0x4a: {  	_ =	shalt  }
0x4b: {  	_ =	shalt  }
0x4c: {  	_ =	shalt  }
0x4d: {  	_ =	shalt  }
0x4e: {  	_ =	shalt  }
0x4f: {  	_ =	shalt  }
0x50: {  	_ =	shalt  }
0x51: {  	_ =	shalt  }
0x52: {  	_ =	shalt  }
0x53: {  	_ =	shalt  }
0x54: {  	_ =	shalt  }
0x55: {  	_ =	shalt  }
0x56: {  	_ =	shalt  }
0x57: {  	_ =	shalt  }
0x58: {  	_ =	shalt  }
0x59: {  	_ =	shalt  }
0x5a: {  	_ =	shalt  }
0x5b: {  	_ =	shalt  }
0x5c: {  	_ =	shalt  }
0x5d: {  	_ =	shalt  }
0x5e: {  	_ =	shalt  }
0x5f: {  	_ =	shalt  }
0x60: {  	_ =	shalt  }
0x61: {  	_ =	shalt  }
0x62: {  	_ =	shalt  }
0x63: {  	_ =	shalt  }
0x64: {  	_ =	shalt  }
0x65: {  	_ =	shalt  }
0x66: {  	_ =	shalt  }
0x67: {  	_ =	shalt  }
0x68: {  	_ =	shalt  }
0x69: {  	_ =	shalt  }
0x6a: {  	_ =	shalt  }
0x6b: {  	_ =	shalt  }
0x6c: {  	_ =	shalt  }
0x6d: {  	_ =	shalt  }
0x6e: {  	_ =	shalt  }
0x6f: {  	_ =	shalt  }
0x70: {  	_ =	shalt  }
0x71: {  	_ =	shalt  }
0x72: {  	_ =	shalt  }
0x73: {  	_ =	shalt  }
0x74: {  	_ =	shalt  }
0x75: {  	_ =	shalt  }
0x76: {  	_ =	shalt  }
0x77: {  	_ =	shalt  }
0x78: {  	_ =	shalt  }
0x79: {  	_ =	shalt  }
0x7a: {  	_ =	shalt  }
0x7b: {  	_ =	shalt  }
0x7c: {  	_ =	shalt  }
0x7d: {  	_ =	shalt  }
0x7e: {  	_ =	shalt  }
0x7f: {  	_ =	shalt  }
0x80: {  	_ =	shalt  }
0x81: {  	_ =	shalt  }
0x82: {  	_ =	shalt  }
0x83: {  	_ =	shalt  }
0x84: {  	_ =	shalt  }
0x85: {  	_ =	shalt  }
0x86: {  	_ =	shalt  }
0x87: {  	_ =	shalt  }
.Lfunc_end0:
.L_simem_size_0:
called_computation_lowered:
.L_overlay_start_0:
0x88: {  	s2 =	sld [smem:$0x3FD9]  }
0x89: {  	s3 =	sld [smem:$0x3FFE];
	_ =	sdelay $0x1  }
0x8a: {  	s1 =	srdreg.scid  }
0x8b: {  	s0 =	sand.u32 $0x1, s1  }
0x8c: {  	s17 =	sshll.u32 s0, $0xA;
	s2 =	sadd.s32 s3, s2  }
0x8d: {  	s2 =	sadd.s32 s2, s17  }
0x8e: {  	[smem:$0x3FC2] =	sst s2  }
0x8f: {  	_ = 	snop  }
0x90: {  	s2 =	sld [smem:$0x3FC9];
	(tm) =	ssettm $0x1  }
0x91: {  	s18 =	sld [smem:$0x3FFB];
	_ =	sdelay $0x3  }
0x92: {  	_ =	strace s18  }
0x93: {  	s3 =	sld [smem:$0x3FFC];
	_ =	sdelay $0x3  }
0x94: {  	_ =	strace s3  }
0x95: {  	s3 =	sld [smem:$0x3FFD];
	_ =	sdelay $0x3  }
0x96: {  	_ =	strace s3  }
0x97: {  	_ =	strace $0x8FFFFFFF  }
0x98: {  	s19 =	sld [smem:$0x3FDB];
	_ =	sdelay $0x1  }
0x99: {  	s4 =	simm.s32 $_scs_section_size  }
0x9a: {  	s5 =	simm.s32 $_size__tile_overlayer_lowered;
	s6 =	simm.s32 $_tile_overlayer_lowered  }
0x9b: {  	s22 =	simm.s32 $0x1BFF;
	s21 =	sshll.u32 s6, $0x1;
	s3 =	sadd.s32 s4, s19  }
0x9c: {  	s7 =	simm.s32 $0x0;
	s20 =	sshll.u32 s5, $0x1;
	s5 =	sadd.s32 s21, s3  }
0x9d: {  	[timem:s7], [sflag:s22] =	dma.local [hbm:s5], s20  }
0x9e: {  	_ =	swait.ge [sflag:s22], s20  }
0x9f: {  	s4 =	ssub.s32 $0x0, s20;
	[sflag:s22] =	ssyncset.done $0x0  }
0xa0: {  	[sflag:s22] =	ssyncadd.s32 s4;
	_ =	sdelay $0x1  }
0xa1: {  	s23 =	simm.s32 $0x1B8B  }
0xa2: {  	_ =	swait.ge [sflag:s23], $0x1  }
0xa3: {  	[sflag:s23] =	ssyncset.done $0x0  }
0xa4: {  	s25 =	simm.s32 $0x1B8E;
	s24 =	sld [smem:$0x3FFE];
	[sflag:s23] =	ssyncadd.s32 $0xFFFFFFFF  }
0xa5: {  	s26 =	simm.s32 $execute0_lowered;
	[smem:$0x3FD2] =	sst s25  }
0xa6: {  	s5 =	sshll.u32 s26, $0x1;
	_ =	strace $0x80000046;
	[dreg:$0x1] =	wrdreg $0xFFFFFFFF  }
0xa7: {  	s28 =	simm.s32 $_size_execute0_lowered;
	s3 =	sadd.s32 s3, s5;
	[dreg:$0x0] =	wrdreg $0x0  }
0xa8: {  	s5 =	sshll.u32 s28, $0x1;
	[dreg:$0x2] =	wrdreg s3  }
0xa9: {  	[dreg:$0x3] =	wrdreg s5  }
0xaa: {  	[dreg:$0x4] =	wrdreg $0xC0  }
0xab: {  	_ =	task [dreg:s7], $0x5FFFF  }
0xac: {  	[dreg:$0x1] =	wrdreg $0xFFFFFFFF  }
0xad: {  	[dreg:$0x0] =	wrdreg $0x60  }
0xae: {  	[dreg:$0x2] =	wrdreg s2  }
0xaf: {  	[dreg:$0x3] =	wrdreg s24  }
0xb0: {  	[dreg:$0x4] =	wrdreg $0xC2000  }
0xb1: {  	[dreg:$0x5] =	wrdreg $0x9  }
0xb2: {  	_ =	task.clear_ibuf [dreg:s7], $0x6FFFF;
	_ =	strace $0x90000046  }
0xb3: {  	s29 =	simm.s32 $0x9;
	_ =	strace $0x80000048  }
0xb4: {  	_ =	swait.ge [sflag:s29], $0x1  }
0xb5: {  	[sflag:s29] =	ssyncadd.s32 $0xFFFFFFFF  }
0xb6: {  	_ =	strace $0x90000048  }
0xb7: {  	_ =	sfence  }
0xb8: {  	s30 =	sld [smem:$0x0];
	_ =	sdelay $0x2  }
0xb9: {  	s31 =	sshll.u32 s1, $0xD;
	s1 =	sshrl.u32 s1, $0x2  }
0xba: {  	s3 =	sand.u32 $0x4000, s31;
	s1 =	sadd.s32 s1, s30  }
0xbb: {  	s0 =	sor.u32 s3, s0;
	s1 =	sshll.u32 s1, $0x11  }
0xbc: {  	s0 =	sor.u32 s1, s0  }
0xbd: {  	s0 =	sadd.s32 $0x8F2B, s0  }
0xbe: {  	[sflag:s0] =	ssyncadd.remote.s32 $0x1  }
0xbf: {  	_ =	sfence.sel $0xFFFF  }
0xc0: {  	[dreg:$0x0] =	wrdreg $0xFFFFFFFF;
	(pc) =	sbr.abs _section_cstart, $3  }
0xc1: {  	[dreg:$0x1] =	wrdreg $0xFFFFFFFF  }
0xc2: {  	_ =	task.clear_ibuf [dreg:s7], $0x2FFFF;
	_ =	strace $0x9FFFFFFF  }
0xc3: {  	(tm) =	ssettm $0x7FFFFFFF  }
tec
execute0_lowered:
.L_overlay_start_1:
0x0: {  	(tag) =	ssettag $0x1  }
0x1: {  	s1 =	rddreg [dreg:$0x0]  }
0x2: {  	s0 =	rddreg [dreg:$0x1]  }
0x3: {  	s2 =	rddreg [dreg:$0x2];
	s4 =	simm.s32 $0x0  }
0x4: {  	s3 =	srdreg.scid;
	s14 =	stileid.u32;
	s29 =	simm.s32 $0x6100  }
0x5: {  	s30 =	simm.s32 $0x6180;
	s31 =	simm.s32 $0x1;
	s28 =	simm.s32 $0x6130  }
0x6: {  	[smem:$0x7FF] =	sst s4;
	s3 =	sand.u32 $0x1, s3;
	s9 =	smul.u32 $0x13C00, s14  }
0x7: {  	s5 =	sadd.s32 $0x9E7A00, s0;
	s6 =	sadd.s32 $0x3800, s0;
	s7 =	sadd.s32 $0xD800, s0  }
0x8: {  	s10 =	sadd.s32 $0x4E5C00, s0;
	s18 =	smul.u32 $0x4F000, s14;
	s20 =	sshll.u32 s14, $0x6  }
0x9: {  	s8 =	smul.u32 $0x13C000, s3;
	_ =	strace $0x80000047;
	[dreg:$0x4] =	wrdreg s10  }
0xa: {  	s17 =	sshll.u32 s3, $0x4;
	s3 =	ssub.s32 $0x2, s3;
	s15 =	sor.u32 $0x1C04, s20  }
0xb: {  	s20 =	sadd.s32 $0x9F3A00, s0;
	s11 =	sshrl.u32 s3, $0x1;
	s10 =	sshrl.u32 s18, $0x2  }
0xc: {  	[dreg:$0x5] =	wrdreg s15;
	s8 =	sadd.s32 s9, s8;
	s9 =	sor.u32 s14, s17  }
0xd: {  	s3 =	ssub.s32 s3, s11;
	s19 =	sadd.s32 s10, s2;
	s12 =	smul.u32 $0x60, s9  }
0xe: {  	s11 =	simm.s32 $0x9200;
	s8 =	sshrl.u32 s8, $0x3;
	s13 =	smul.u32 $0xC, s9  }
0xf: {  	s21 =	smul.u32 $0x600, s9;
	s16 =	sor.u32 $0x40, s9;
	s17 =	sor.u32 $0x60, s9  }
0x10: {  	s3 =	smax.u32 s3, $0x1;
	s14 =	sshrl.u32 s19, $0x3;
	s8 =	sadd.s32 s8, s0  }
0x11: {  	[dreg:$0xc] =	wrdreg s3;
	s0 =	simm.s32 $0x2;
	s3 =	simm.s32 $0x3  }
0x12: {  	[dreg:$0xd] =	wrdreg s14;
	s12 =	sshrl.u32 s12, $0x3;
	s22 =	sadd.s32 s6, s13  }
0x13: {  	s23 =	sadd.s32 s7, s13;
	s24 =	sadd.s32 s5, s21;
	[dreg:$0x6] =	wrdreg s22  }
0x14: {  	s8 =	sadd.s32 $0x17800, s8;
	s13 =	simm.s32 $0x0;
	[dreg:$0x7] =	wrdreg s23  }
.Ltmp0:
0x15: {  	s12 =	sadd.s32 $0x180, s12;
	[dreg:$0x8] =	wrdreg s24;
	(pc) =	sbr.rel .LBB2_1-.Ltmp0, $4  }
0x16: {  	[dreg:$0xb] =	wrdreg s8;
	s22 =	simm.s32 $0x4;
	s23 =	simm.s32 $0x80  }
0x17: {  	s24 =	simm.s32 $0x30;
	s8 =	simm.s32 $0x7A00;
	s25 =	sadd.s32 s6, s12  }
0x18: {  	s26 =	sadd.s32 s7, s12;
	s12 =	simm.s32 $0x60;
	[dreg:$0x9] =	wrdreg s25  }
0x19: {  	[dreg:$0xa] =	wrdreg s26;
	s25 =	simm.s32 $0x100;
	s26 =	simm.s32 $0x6200  }
.LBB2_8:
0x1a: {  	[bflag:$0x0] =	sbarrier.arrive $0xFFFF  }
0x1b: {  	s15 =	rddreg [dreg:$0x5]  }
0x1c: {  	s10 =	rddreg [dreg:$0xb]  }
0x1d: {  	s14 =	rddreg [dreg:$0xd]  }
0x1e: {  	[hbm:s10], [sflag:s15] =	dma.local [spmem:s14], $0x2780  }
0x1f: {  	_ =	swait.ge [sflag:s22], $0x2780  }
0x20: {  	s13 =	sadd.s32 $0x1, s13;
	s21 =	rddreg [dreg:$0xc]  }
0x21: {  	p0 =	sne.s32 s13, s21  }
.Ltmp1:
0x22: {  	_ = 	snop;
	(pc) =	sbr.rel @!p0 .LBB2_9-.Ltmp1, $3  }
0x23: {  	_ =	sdelay $0x1  }
0x24: {  	[sflag:s22] =	ssyncset.done $0x0  }
0x25: {  	[sflag:s22] =	ssyncadd.s32 $0xFFFFD880  }
.LBB2_1:
0x26: {  	s10 =	rddreg [dreg:$0x4]  }
0x27: {  	[spmem:s14], [sflag:s15] =	dma.local [hbm:s10], $0x2780  }
0x28: {  	_ =	swait.ge [sflag:s22], $0x2780  }
0x29: {  	[sflag:s22] =	ssyncset.done $0x0  }
0x2a: {  	[sflag:s22] =	ssyncadd.s32 $0xFFFFD880  }
0x2b: {  	[bflag:$0x0] =	sbarrier.arrive $0xFFFF  }
0x2c: {  	s19 =	rddreg [dreg:$0x6]  }
0x2d: {  	[tilespmem:s4], [sflag:$0x4] =	stream.linear.gather [hbm4b:s19+s4], $0x60, $0x38;
	[tilespmem:$0x1FE00] =	vst v63  }
0x2e: {  	_ =	swait.ge [sflag:s22], $0x60  }
0x2f: {  	[sflag:s22] =	ssyncset.done $0x0  }
0x30: {  	s21 =	rddreg [dreg:$0x7];
	[sflag:s22] =	ssyncadd.s32 $0xFFFFFFA0  }
0x31: {  	[tilespmem:s23], [sflag:$0x4] =	stream.linear.gather [hbm4b:s21+s4], $0x60, $0x38;
	[tilespmem:$0x1FE00] =	vst v63  }
0x32: {  	_ =	swait.ge [sflag:s22], $0x60  }
0x33: {  	[sflag:s22] =	ssyncset.done $0x0  }
0x34: {  	[sflag:s22] =	ssyncadd.s32 $0xFFFFFFA0  }
0x35: {  	[tilespmem:s25], [sflag:$0x1] =	stream.indirect.gather [hbm4b:s1+s24], $0x80, s4, s24, $0xb8;
	[tilespmem:$0x1FE00] =	vst v63  }
0x36: {  	s14 =	simm.s32 $0x1900  }
0x37: {  	[tilespmem:s14], [sflag:$0x1] =	stream.indirect.gather [hbm4b:s1+s24], $0x80, s24, s24, $0xb8;
	[tilespmem:$0x1FE00] =	vst v63  }
0x38: {  	s18 =	simm.s32 $0x3100;
	s15 =	rddreg [dreg:$0x8]  }
0x39: {  	[tilespmem:s18], [sflag:$0x2] =	stream.linear.gather [hbm4b:s15+s4], $0x3000, $0x38;
	[tilespmem:$0x1FE00] =	vst v63  }
0x3a: {  	s19 =	rddreg [dreg:$0x9]  }
0x3b: {  	[tilespmem:s29], [sflag:$0x3] =	stream.linear.gather [hbm4b:s19+s4], $0x60, $0x38;
	[tilespmem:$0x1FE00] =	vst v63  }
0x3c: {  	s21 =	rddreg [dreg:$0xa];
	s14 =	simm.s32 $0x0  }
0x3d: {  	[tilespmem:s30], [sflag:$0x3] =	stream.linear.gather [hbm4b:s21+s4], $0x60, $0x38;
	[tilespmem:$0x1FE00] =	vst v63  }
.LBB2_2:
0x3e: {  	_ =	swait.ge [sflag:s31], $0x1800  }
0x3f: {  	[sflag:s31] =	ssyncset.done $0x0  }
0x40: {  	[sflag:s31] =	ssyncadd.s32 $0xFFFFE800  }
0x41: {  	_ =	swait.ge [sflag:s31], $0x1800  }
0x42: {  	[sflag:s31] =	ssyncset.done $0x0  }
0x43: {  	[sflag:s31] =	ssyncadd.s32 $0xFFFFE800  }
0x44: {  	_ =	swait.ge [sflag:s0], $0x3000  }
0x45: {  	[sflag:s0] =	ssyncset.done $0x0  }
0x46: {  	[sflag:s0] =	ssyncadd.s32 $0xFFFFD000  }
0x47: {  	_ =	swait.ge [sflag:s3], $0x60  }
0x48: {  	[sflag:s3] =	ssyncset.done $0x0  }
0x49: {  	[sflag:s3] =	ssyncadd.s32 $0xFFFFFFA0  }
0x4a: {  	_ =	swait.ge [sflag:s3], $0x60  }
0x4b: {  	s15 =	sshll.u32 s14, $0x6;
	[sflag:s3] =	ssyncset.done $0x0  }
0x4c: {  	s18 =	sor.u32 s9, s15;
	[sflag:s3] =	ssyncadd.s32 $0xFFFFFFA0  }
0x4d: {  	[tilespmem:s26], [sflag:$0x1] =	stream.indirect.gather [hbm4b:s1+s24], $0x80, s29, s24, $0xb8;
	[tilespmem:$0x1FE00] =	vst v63  }
0x4e: {  	s18 =	smul.u32 $0x600, s18  }
0x4f: {  	[tilespmem:s8], [sflag:$0x1] =	stream.indirect.gather [hbm4b:s1+s24], $0x80, s28, s24, $0xb8;
	[tilespmem:$0x1FE00] =	vst v63  }
0x50: {  	s19 =	simm.s32 $0x0;
	s18 =	sadd.s32 s20, s18  }
0x51: {  	[tilespmem:s11], [sflag:$0x2] =	stream.linear.gather [hbm4b:s18+s19], $0x3000, $0x38;
	[tilespmem:$0x1FE00] =	vst v63  }
0x52: {  	s18 =	simm.s32 $0x0  }
0x53: {  	v6 =	vld [tilespmem:s18+$0x3100]  }
0x54: {  	v11 =	vld [tilespmem:s18+$0x3110]  }
0x55: {  	v5 =	vld [tilespmem:s18+$0x3120]  }
0x56: {  	v4 =	vld [tilespmem:s18+$0x3130]  }
0x57: {  	v3 =	vld [tilespmem:s18+$0x3140]  }
0x58: {  	v2 =	vld [tilespmem:s18+$0x3150]  }
0x59: {  	v1 =	vld [tilespmem:s18+$0x3160]  }
0x5a: {  	v0 =	vld [tilespmem:s18+$0x3170]  }
0x5b: {  	v12 =	vld [tilespmem:s18+$0x100]  }
0x5c: {  	v13 =	vld [tilespmem:s18+$0x110]  }
0x5d: {  	v10 =	vld [tilespmem:s18+$0x120]  }
0x5e: {  	v9 =	vld [tilespmem:s18+$0x130]  }
0x5f: {  	v8 =	vld [tilespmem:s18+$0x140]  }
0x60: {  	v7 =	vld [tilespmem:s18+$0x150];
	v12 =	vadd.f32 v6, v12  }
0x61: {  	s19 =	simm.s32 $0x200;
	v11 =	vadd.f32 v11, v13;
	v6 =	vld [tilespmem:s18+$0x160]  }
.LBB2_3:
0x62: {  	s10 =	sshra.s32 s19, $0x2;
	p0 =	sne.s32 s19, $0xBE00;
	v12 =	vmax.f32 v12, $0.0e+00;
	v5 =	vadd.f32 v5, v10;
	v10 =	vld [tilespmem:s18+$0x170]  }
0x63: {  	v13 =	vld [tilespmem:s10+$0x3100];
	[tilespmem:s18+$0x100] =	vst v12;
	v11 =	vmax.f32 v11, $0.0e+00;
	v4 =	vadd.f32 v4, v9  }
0x64: {  	v14 =	vld [tilespmem:s10+$0x3110];
	[tilespmem:s18+$0x110] =	vst v11;
	v9 =	vmax.f32 v5, $0.0e+00;
	v3 =	vadd.f32 v3, v8  }
0x65: {  	v5 =	vld [tilespmem:s10+$0x3120];
	[tilespmem:s18+$0x120] =	vst v9;
	v8 =	vmax.f32 v4, $0.0e+00;
	v2 =	vadd.f32 v2, v7  }
0x66: {  	v4 =	vld [tilespmem:s10+$0x3130];
	[tilespmem:s18+$0x130] =	vst v8;
	v7 =	vmax.f32 v3, $0.0e+00;
	v1 =	vadd.f32 v1, v6  }
0x67: {  	v3 =	vld [tilespmem:s10+$0x3140];
	[tilespmem:s18+$0x140] =	vst v7;
	v6 =	vmax.f32 v2, $0.0e+00;
	v0 =	vadd.f32 v0, v10  }
0x68: {  	v2 =	vld [tilespmem:s10+$0x3150];
	[tilespmem:s18+$0x150] =	vst v6;
	v6 =	vmax.f32 v1, $0.0e+00  }
0x69: {  	v1 =	vld [tilespmem:s10+$0x3160];
	[tilespmem:s18+$0x160] =	vst v6;
	v6 =	vmax.f32 v0, $0.0e+00  }
0x6a: {  	v0 =	vld [tilespmem:s10+$0x3170];
	[tilespmem:s18+$0x170] =	vst v6;
	s18 =	smov.u32 s10  }
0x6b: {  	v6 =	vld [tilespmem:s18+$0x100]  }
0x6c: {  	v11 =	vld [tilespmem:s18+$0x110]  }
.Ltmp2:
0x6d: {  	v10 =	vld [tilespmem:s18+$0x120];
	(pc) =	sbr.rel @p0 .LBB2_3-.Ltmp2, $4  }
0x6e: {  	v9 =	vld [tilespmem:s18+$0x130]  }
0x6f: {  	v8 =	vld [tilespmem:s18+$0x140]  }
0x70: {  	v12 =	vadd.f32 v13, v6;
	v7 =	vld [tilespmem:s18+$0x150]  }
0x71: {  	s19 =	sadd.s32 $0x200, s19;
	v11 =	vadd.f32 v14, v11;
	v6 =	vld [tilespmem:s18+$0x160]  }
0x72: {  	v12 =	vmax.f32 v12, $0.0e+00;
	v5 =	vadd.f32 v5, v10;
	v10 =	vld [tilespmem:s18+$0x170]  }
0x73: {  	[tilespmem:s18+$0x100] =	vst v12;
	v11 =	vmax.f32 v11, $0.0e+00;
	v4 =	vadd.f32 v4, v9  }
0x74: {  	[tilespmem:s18+$0x110] =	vst v11;
	v5 =	vmax.f32 v5, $0.0e+00;
	v3 =	vadd.f32 v3, v8  }
0x75: {  	[tilespmem:s18+$0x120] =	vst v5;
	v4 =	vmax.f32 v4, $0.0e+00;
	v2 =	vadd.f32 v2, v7  }
0x76: {  	[tilespmem:s18+$0x130] =	vst v4;
	v3 =	vmax.f32 v3, $0.0e+00;
	v1 =	vadd.f32 v1, v6  }
0x77: {  	[tilespmem:s18+$0x140] =	vst v3;
	v2 =	vmax.f32 v2, $0.0e+00;
	v0 =	vadd.f32 v0, v10  }
0x78: {  	[tilespmem:s18+$0x150] =	vst v2;
	v1 =	vmax.f32 v1, $0.0e+00  }
0x79: {  	[tilespmem:s18+$0x160] =	vst v1;
	v0 =	vmax.f32 v0, $0.0e+00  }
0x7a: {  	[tilespmem:s18+$0x170] =	vst v0  }
0x7b: {  	[spmem:s2] =	stream.indirect.scatter.add.f32 [tilespmem:s25], [sflag:$0x4], $0x80, s23, s12, $0xb8;
	[tilespmem:$0x1FE00] =	vst v63  }
0x7c: {  	_ =	swait.ge [sflag:s22], $0x3000  }
0x7d: {  	p0 =	seq.s32 s14, $0x34;
	[sflag:s22] =	ssyncset.done $0x0  }
0x7e: {  	s10 =	simm.s32 @p0 $0x1;
	[sflag:s22] =	ssyncadd.s32 $0xFFFFD000  }
0x7f: {  	_ =	swait.ge @p0 [sflag:s10], $0x1800  }
0x80: {  	[sflag:s10] =	ssyncset.done @p0 $0x0  }
0x81: {  	[sflag:s10] =	ssyncadd.s32 @p0 $0xFFFFE800  }
0x82: {  	_ =	swait.ge @p0 [sflag:s10], $0x1800  }
0x83: {  	[sflag:s10] =	ssyncset.done @p0 $0x0  }
0x84: {  	s18 =	sadd.s32 @!p0 s16, s15;
	[sflag:s10] =	ssyncadd.s32 @p0 $0xFFFFE800;
	s10 =	simm.s32 @p0 $0x2  }
0x85: {  	s19 =	smul.u32 @!p0 $0xC, s18;
	_ =	swait.ge @p0 [sflag:s10], $0x3000  }
0x86: {  	[sflag:s10] =	ssyncset.done @p0 $0x0  }
0x87: {  	s21 =	simm.s32 @!p0 $0x0;
	[sflag:s10] =	ssyncadd.s32 @p0 $0xFFFFD000;
	s10 =	sadd.s32 @!p0 s6, s19  }
0x88: {  	[tilespmem:s21], [sflag:$0x3] =	stream.linear.gather @!p0 [hbm4b:s10+s21], $0x60, $0x38;
	[tilespmem:$0x1FE00] =	vst v63  }
0x89: {  	s10 =	sadd.s32 @!p0 s7, s19;
	s19 =	simm.s32 @!p0 $0x80  }
0x8a: {  	[tilespmem:s19], [sflag:$0x3] =	stream.linear.gather @!p0 [hbm4b:s10+s21], $0x60, $0x38;
	[tilespmem:$0x1FE00] =	vst v63  }
0x8b: {  	s10 =	simm.s32 @!p0 $0x1  }
0x8c: {  	_ =	swait.ge @!p0 [sflag:s10], $0x1800  }
0x8d: {  	[sflag:s10] =	ssyncset.done @!p0 $0x0  }
0x8e: {  	[sflag:s10] =	ssyncadd.s32 @!p0 $0xFFFFE800  }
0x8f: {  	_ =	swait.ge @!p0 [sflag:s10], $0x1800  }
0x90: {  	[sflag:s10] =	ssyncset.done @!p0 $0x0  }
0x91: {  	[sflag:s10] =	ssyncadd.s32 @!p0 $0xFFFFE800;
	s10 =	simm.s32 @!p0 $0x2  }
0x92: {  	_ =	swait.ge @!p0 [sflag:s10], $0x3000  }
0x93: {  	[sflag:s10] =	ssyncset.done @!p0 $0x0  }
0x94: {  	[sflag:s10] =	ssyncadd.s32 @!p0 $0xFFFFD000;
	s10 =	simm.s32 @!p0 $0x3  }
0x95: {  	_ =	swait.ge @!p0 [sflag:s10], $0x60  }
0x96: {  	[sflag:s10] =	ssyncset.done @!p0 $0x0  }
0x97: {  	[sflag:s10] =	ssyncadd.s32 @!p0 $0xFFFFFFA0  }
0x98: {  	_ =	swait.ge @!p0 [sflag:s10], $0x60  }
0x99: {  	[sflag:s10] =	ssyncset.done @!p0 $0x0  }
0x9a: {  	s19 =	simm.s32 @!p0 $0x100;
	[sflag:s10] =	ssyncadd.s32 @!p0 $0xFFFFFFA0;
	s10 =	simm.s32 @!p0 $0x30  }
0x9b: {  	[tilespmem:s19], [sflag:$0x1] =	stream.indirect.gather @!p0 [hbm4b:s1+s10], $0x80, s21, s10, $0xb8;
	[tilespmem:$0x1FE00] =	vst v63  }
0x9c: {  	s18 =	smul.u32 @!p0 $0x600, s18;
	s19 =	simm.s32 @!p0 $0x1900  }
0x9d: {  	[tilespmem:s19], [sflag:$0x1] =	stream.indirect.gather @!p0 [hbm4b:s1+s10], $0x80, s10, s10, $0xb8;
	[tilespmem:$0x1FE00] =	vst v63  }
0x9e: {  	s10 =	sadd.s32 @!p0 s5, s18;
	s18 =	simm.s32 @!p0 $0x3100  }
0x9f: {  	[tilespmem:s18], [sflag:$0x2] =	stream.linear.gather @!p0 [hbm4b:s10+s21], $0x3000, $0x38;
	[tilespmem:$0x1FE00] =	vst v63  }
0xa0: {  	s18 =	simm.s32 $0x0  }
0xa1: {  	v6 =	vld [tilespmem:s18+$0x9200]  }
0xa2: {  	v11 =	vld [tilespmem:s18+$0x9210]  }
0xa3: {  	v5 =	vld [tilespmem:s18+$0x9220]  }
0xa4: {  	v4 =	vld [tilespmem:s18+$0x9230]  }
0xa5: {  	v3 =	vld [tilespmem:s18+$0x9240]  }
0xa6: {  	v2 =	vld [tilespmem:s18+$0x9250]  }
0xa7: {  	v1 =	vld [tilespmem:s18+$0x9260]  }
0xa8: {  	v0 =	vld [tilespmem:s18+$0x9270]  }
0xa9: {  	v12 =	vld [tilespmem:s18+$0x6200]  }
0xaa: {  	v13 =	vld [tilespmem:s18+$0x6210]  }
0xab: {  	v10 =	vld [tilespmem:s18+$0x6220]  }
0xac: {  	v9 =	vld [tilespmem:s18+$0x6230]  }
0xad: {  	v8 =	vld [tilespmem:s18+$0x6240]  }
0xae: {  	v7 =	vld [tilespmem:s18+$0x6250];
	v12 =	vadd.f32 v6, v12  }
0xaf: {  	s19 =	simm.s32 $0x200;
	v11 =	vadd.f32 v11, v13;
	v6 =	vld [tilespmem:s18+$0x6260]  }
.LBB2_5:
0xb0: {  	s10 =	sshra.s32 s19, $0x2;
	p1 =	sne.s32 s19, $0xBE00;
	v12 =	vmax.f32 v12, $0.0e+00;
	v5 =	vadd.f32 v5, v10;
	v10 =	vld [tilespmem:s18+$0x6270]  }
0xb1: {  	v13 =	vld [tilespmem:s10+$0x9200];
	[tilespmem:s18+$0x6200] =	vst v12;
	v11 =	vmax.f32 v11, $0.0e+00;
	v4 =	vadd.f32 v4, v9  }
0xb2: {  	v14 =	vld [tilespmem:s10+$0x9210];
	[tilespmem:s18+$0x6210] =	vst v11;
	v9 =	vmax.f32 v5, $0.0e+00;
	v3 =	vadd.f32 v3, v8  }
0xb3: {  	v5 =	vld [tilespmem:s10+$0x9220];
	[tilespmem:s18+$0x6220] =	vst v9;
	v8 =	vmax.f32 v4, $0.0e+00;
	v2 =	vadd.f32 v2, v7  }
0xb4: {  	v4 =	vld [tilespmem:s10+$0x9230];
	[tilespmem:s18+$0x6230] =	vst v8;
	v7 =	vmax.f32 v3, $0.0e+00;
	v1 =	vadd.f32 v1, v6  }
0xb5: {  	v3 =	vld [tilespmem:s10+$0x9240];
	[tilespmem:s18+$0x6240] =	vst v7;
	v6 =	vmax.f32 v2, $0.0e+00;
	v0 =	vadd.f32 v0, v10  }
0xb6: {  	v2 =	vld [tilespmem:s10+$0x9250];
	[tilespmem:s18+$0x6250] =	vst v6;
	v6 =	vmax.f32 v1, $0.0e+00  }
0xb7: {  	v1 =	vld [tilespmem:s10+$0x9260];
	[tilespmem:s18+$0x6260] =	vst v6;
	v6 =	vmax.f32 v0, $0.0e+00  }
0xb8: {  	v0 =	vld [tilespmem:s10+$0x9270];
	[tilespmem:s18+$0x6270] =	vst v6;
	s18 =	smov.u32 s10  }
0xb9: {  	v6 =	vld [tilespmem:s18+$0x6200]  }
0xba: {  	v11 =	vld [tilespmem:s18+$0x6210]  }
.Ltmp3:
0xbb: {  	v10 =	vld [tilespmem:s18+$0x6220];
	(pc) =	sbr.rel @p1 .LBB2_5-.Ltmp3, $4  }
0xbc: {  	v9 =	vld [tilespmem:s18+$0x6230]  }
0xbd: {  	v8 =	vld [tilespmem:s18+$0x6240]  }
0xbe: {  	v12 =	vadd.f32 v13, v6;
	v7 =	vld [tilespmem:s18+$0x6250]  }
0xbf: {  	s19 =	sadd.s32 $0x200, s19;
	v11 =	vadd.f32 v14, v11;
	v6 =	vld [tilespmem:s18+$0x6260]  }
0xc0: {  	v12 =	vmax.f32 v12, $0.0e+00;
	v5 =	vadd.f32 v5, v10;
	v63 =	vld [tilespmem:s18+$0x6270]  }
0xc1: {  	[tilespmem:s18+$0x6200] =	vst v12;
	v11 =	vmax.f32 v11, $0.0e+00;
	v4 =	vadd.f32 v4, v9  }
0xc2: {  	[tilespmem:s18+$0x6210] =	vst v11;
	v5 =	vmax.f32 v5, $0.0e+00;
	v3 =	vadd.f32 v3, v8  }
0xc3: {  	[tilespmem:s18+$0x6220] =	vst v5;
	v4 =	vmax.f32 v4, $0.0e+00;
	v2 =	vadd.f32 v2, v7  }
0xc4: {  	[tilespmem:s18+$0x6230] =	vst v4;
	v3 =	vmax.f32 v3, $0.0e+00;
	v1 =	vadd.f32 v1, v6  }
0xc5: {  	[tilespmem:s18+$0x6240] =	vst v3;
	v2 =	vmax.f32 v2, $0.0e+00;
	v0 =	vadd.f32 v0, v63  }
0xc6: {  	[tilespmem:s18+$0x6250] =	vst v2;
	v1 =	vmax.f32 v1, $0.0e+00  }
0xc7: {  	[tilespmem:s18+$0x6260] =	vst v1;
	v0 =	vmax.f32 v0, $0.0e+00  }
.Ltmp4:
0xc8: {  	[tilespmem:s18+$0x6270] =	vst v0;
	(pc) =	sbr.rel @p0 .LBB2_8-.Ltmp4, $4  }
0xc9: {  	[spmem:s2] =	stream.indirect.scatter.add.f32 [tilespmem:s26], [sflag:$0x4], $0x80, s30, s12, $0xb8;
	[tilespmem:$0x1FE00] =	vst v63  }
0xca: {  	_ =	swait.ge [sflag:s22], $0x3000  }
0xcb: {  	[sflag:s22] =	ssyncset.done $0x0  }
0xcc: {  	[sflag:s22] =	ssyncadd.s32 $0xFFFFD000  }
0xcd: {  	s10 =	sadd.s32 s17, s15  }
0xce: {  	s10 =	smul.u32 $0xC, s10  }
.Ltmp5:
0xcf: {  	_ = 	snop;
	(pc) =	sbr.rel .LBB2_2-.Ltmp5, $4  }
0xd0: {  	s21 =	sadd.s32 s6, s10  }
0xd1: {  	[tilespmem:s29], [sflag:$0x3] =	stream.linear.gather [hbm4b:s21+s4], $0x60, $0x38;
	[tilespmem:$0x1FE00] =	vst v63  }
0xd2: {  	s14 =	sadd.s32 $0x1, s14;
	s10 =	sadd.s32 s7, s10  }
0xd3: {  	[tilespmem:s30], [sflag:$0x3] =	stream.linear.gather [hbm4b:s10+s4], $0x60, $0x38;
	[tilespmem:$0x1FE00] =	vst v63  }
.LBB2_9:
0xd4: {  	_ =	sfence.sel $0x180000  }
0xd5: {  	[bflag:$0x0] =	sbarrier.arrive $0xFFFF  }
0xd6: {  	_ =	strace $0x90000047  }
0xd7: {  	s0 =	stileid.u32;
	[bflag:$0x2] =	sbarrier.arrive $0xFFFF  }
0xd8: {  	p0 =	sne.s32 s0, $0x0;
	s0 =	rddreg [dreg:$0x3]  }
0xd9: {  	s0 =	sadd.s32 @!p0 $0x100000, s0  }
0xda: {  	[sflag:s0] =	ssyncadd.tile.s32 @!p0 $0x1;
	_ =	shalt  }
.Lfunc_end2:
_tile_overlayer_lowered:
.L_overlay_start_2:
0xdb: {  	(tag) =	ssettag $0x2  }
0xdc: {  	s0 =	rddreg [dreg:$0x0];
	s2 =	stileid.u32  }
0xdd: {  	s1 =	rddreg [dreg:$0x1];
	p0 =	sne.s32 s2, $0x0  }
0xde: {  	s3 =	rddreg [dreg:$0x2];
	[bflag:$0x3] =	sbarrier.arrive $0xFFFF;
	s2 =	simm.s32 @!p0 $0x1C04  }
0xdf: {  	[timem:s3], [sflag:s2] =	dma.local @!p0 [hbm:s0], s1  }
0xe0: {  	s0 =	simm.s32 @!p0 $0x4  }
0xe1: {  	_ =	swait.ge @!p0 [sflag:s0], s1  }
0xe2: {  	s1 =	ssub.s32 @!p0 $0x0, s1;
	[sflag:s0] =	ssyncset.done @!p0 $0x0  }
0xe3: {  	[sflag:s0] =	ssyncadd.s32 @!p0 s1  }
0xe4: {  	[bflag:$0x3] =	sbarrier.arrive $0xFFFF  }
0xe5: {  	_ =	shalt  }

// kernel: kernel.14.cloned.1.call-start
scs
__scs_entry_jumppad:
0x0: {  	(pc) =	sbr.rel $0x88, $3  }
0x1: {  	(tag) =	ssettag $0x0;
	lr =	simm.s32 $0x1  }
0x2: {  	[smem:$0x3F9B] =	sst lr;
	_ =	strace $0xD0000000  }
0x3: {  	_ = 	snop  }
0x4: {  	_ = 	snop  }
0x5: {  	_ = 	snop  }
0x6: {  	_ = 	snop  }
0x7: {  	_ = 	snop  }
__scs_overlays_trampoline_lowered:
0x8: {  	[smem:$0x3FAA] =	sst s0  }
0x9: {  	[smem:$0x3FAB] =	sst s1  }
0xa: {  	[smem:$0x3FAC] =	sst s2  }
0xb: {  	[smem:$0x3FAD] =	sst s3  }
0xc: {  	[smem:$0x3FAE] =	sst s4  }
0xd: {  	[smem:$0x3FAF] =	sst s5  }
0xe: {  	[smem:$0x3FB0] =	sst s6  }
0xf: {  	[smem:$0x3FB1] =	sst s7  }
0x10: {  	[smem:$0x3FB2] =	sst s8  }
0x11: {  	[smem:$0x3FB3] =	sst s9;
	s0 =	simm.s32 @!p0 $0x0  }
0x12: {  	s1 =	sld [smem:$0x3F99];
	s0 =	simm.s32 @p0 $0x1  }
0x13: {  	[smem:$0x3FB4] =	sst s0;
	s0 =	simm.s32 @!p1 $0x0  }
0x14: {  	s2 =	sld [smem:$0x3F98];
	s0 =	simm.s32 @p1 $0x1  }
0x15: {  	[smem:$0x3FB5] =	sst s0;
	s0 =	simm.s32 @!p2 $0x0  }
0x16: {  	s3 =	sld [smem:$0x3FDB];
	s0 =	simm.s32 @p2 $0x1  }
0x17: {  	s4 =	simm.s32 $0x1BF5;
	[smem:$0x3FB7] =	sst s0  }
0x18: {  	s0 =	sld [smem:$0x3F9A];
	_ =	swait.ge [sflag:s4], $0x0  }
0x19: {  	s7 =	sld [smem:$0x3F9B]  }
0x1a: {  	s8 =	sadd.s32 $0xFFFFE003, lr  }
0x1b: {  	s9 =	sadd.s32 $0xFFFFFEF7, lr;
	s5 =	simm.s32 $0xFFFFFFFF;
	p2 =	slt.u32 s8, $0xFFFFF086  }
0x1c: {  	p1 =	slt.u32 s9, $0xF7A;
	s5 =	simm.s32 @!p2 $0x0  }
0x1d: {  	s5 =	simm.s32 @p1 $0x1;
	p0 =	seq.s32 s7, s2  }
0x1e: {  	s7 =	smul.u32 @!p0 $0xF7A, s2;
	p2 =	seq.s32 @!p0 s5, $0x0  }
0x1f: {  	s9 =	smul.u32 $0xF7A, s1;
	s8 =	simm.s32 @!p0 $0x1BF5;
	p2 =	por !p2, p0  }
0x20: {  	[sflag:s8] =	ssyncset.s32 @!p0 $0xFFFFF086;
	s6 =	sadd.s32 @!p0 s3, s7;
	s7 =	simm.s32 @!p0 $0x108  }
0x21: {  	s3 =	sadd.s32 s3, s9;
	s6 =	sadd.s32 @!p0 $0x88, s6;
	s7 =	simm.s32 @p2 $0x1082  }
0x22: {  	[simem:s7], [sflag:s8] =	dma.local @!p0 [hbm:s6], $0xF7A  }
0x23: {  	s9 =	sor.u32 $0xD0000000, s2;
	s6 =	simm.s32 $0x108;
	_ =	swait.ge @!p0 [sflag:s8], $0x0  }
0x24: {  	s3 =	sadd.s32 $0x88, s3;
	s6 =	simm.s32 @!p1 $0x1082;
	[sflag:s4] =	ssyncset.s32 $0xFFFFF086  }
0x25: {  	[simem:s6], [sflag:s4] =	dma.local [hbm:s3], $0xF7A  }
0x26: {  	[smem:$0x3F9B] =	sst s1;
	(tag) =	ssettag s2;
	_ =	strace s9  }
0x27: {  	s1 =	sld [smem:$0x3FAB]  }
0x28: {  	s2 =	sld [smem:$0x3FAC]  }
0x29: {  	s4 =	sld [smem:$0x3FAE]  }
0x2a: {  	p0 =	seq.s32 s5, $0x0;
	s5 =	sld [smem:$0x3FAF]  }
0x2b: {  	s6 =	sld [smem:$0x3FB0]  }
0x2c: {  	s7 =	sld [smem:$0x3FB1]  }
0x2d: {  	s3 =	simm.s32 $0x108;
	s8 =	sld [smem:$0x3FB2]  }
0x2e: {  	s3 =	simm.s32 @!p0 $0x1082;
	s9 =	sld [smem:$0x3FB3]  }
0x2f: {  	lr =	sadd.s32 s0, s3;
	s0 =	sld [smem:$0x3FAA]  }
0x30: {  	s3 =	sld [smem:$0x3FAD]  }
0x31: {  	[smem:$0x3FB6] =	sst s10  }
0x32: {  	s10 =	sld [smem:$0x3FB4];
	_ =	sdelay $0x3  }
0x33: {  	p0 =	seq.s32 s10, $0x1;
	s10 =	sld [smem:$0x3FB6];
	_ =	sdelay $0x3  }
0x34: {  	[smem:$0x3FB6] =	sst s10  }
0x35: {  	s10 =	sld [smem:$0x3FB5];
	_ =	sdelay $0x3  }
0x36: {  	p1 =	seq.s32 s10, $0x1;
	s10 =	sld [smem:$0x3FB6];
	_ =	sdelay $0x3  }
0x37: {  	[smem:$0x3FB6] =	sst s10  }
0x38: {  	s10 =	sld [smem:$0x3FB7]  }
0x39: {  	_ = 	snop;
	(pc) =	sbr.ind lr, $3  }
0x3a: {  	_ = 	snop  }
0x3b: {  	_ = 	snop  }
0x3c: {  	p2 =	seq.s32 s10, $0x1;
	s10 =	sld [smem:$0x3FB6]  }
0x3d: {  	_ =	shalt  }
0x3e: {  	_ =	shalt  }
0x3f: {  	_ =	shalt  }
0x40: {  	_ =	shalt  }
0x41: {  	_ =	shalt  }
0x42: {  	_ =	shalt  }
0x43: {  	_ =	shalt  }
0x44: {  	_ =	shalt  }
0x45: {  	_ =	shalt  }
0x46: {  	_ =	shalt  }
0x47: {  	_ =	shalt  }
0x48: {  	_ =	shalt  }
0x49: {  	_ =	shalt  }
0x4a: {  	_ =	shalt  }
0x4b: {  	_ =	shalt  }
0x4c: {  	_ =	shalt  }
0x4d: {  	_ =	shalt  }
0x4e: {  	_ =	shalt  }
0x4f: {  	_ =	shalt  }
0x50: {  	_ =	shalt  }
0x51: {  	_ =	shalt  }
0x52: {  	_ =	shalt  }
0x53: {  	_ =	shalt  }
0x54: {  	_ =	shalt  }
0x55: {  	_ =	shalt  }
0x56: {  	_ =	shalt  }
0x57: {  	_ =	shalt  }
0x58: {  	_ =	shalt  }
0x59: {  	_ =	shalt  }
0x5a: {  	_ =	shalt  }
0x5b: {  	_ =	shalt  }
0x5c: {  	_ =	shalt  }
0x5d: {  	_ =	shalt  }
0x5e: {  	_ =	shalt  }
0x5f: {  	_ =	shalt  }
0x60: {  	_ =	shalt  }
0x61: {  	_ =	shalt  }
0x62: {  	_ =	shalt  }
0x63: {  	_ =	shalt  }
0x64: {  	_ =	shalt  }
0x65: {  	_ =	shalt  }
0x66: {  	_ =	shalt  }
0x67: {  	_ =	shalt  }
0x68: {  	_ =	shalt  }
0x69: {  	_ =	shalt  }
0x6a: {  	_ =	shalt  }
0x6b: {  	_ =	shalt  }
0x6c: {  	_ =	shalt  }
0x6d: {  	_ =	shalt  }
0x6e: {  	_ =	shalt  }
0x6f: {  	_ =	shalt  }
0x70: {  	_ =	shalt  }
0x71: {  	_ =	shalt  }
0x72: {  	_ =	shalt  }
0x73: {  	_ =	shalt  }
0x74: {  	_ =	shalt  }
0x75: {  	_ =	shalt  }
0x76: {  	_ =	shalt  }
0x77: {  	_ =	shalt  }
0x78: {  	_ =	shalt  }
0x79: {  	_ =	shalt  }
0x7a: {  	_ =	shalt  }
0x7b: {  	_ =	shalt  }
0x7c: {  	_ =	shalt  }
0x7d: {  	_ =	shalt  }
0x7e: {  	_ =	shalt  }
0x7f: {  	_ =	shalt  }
0x80: {  	_ =	shalt  }
0x81: {  	_ =	shalt  }
0x82: {  	_ =	shalt  }
0x83: {  	_ =	shalt  }
0x84: {  	_ =	shalt  }
0x85: {  	_ =	shalt  }
0x86: {  	_ =	shalt  }
0x87: {  	_ =	shalt  }
.Lfunc_end0:
.L_simem_size_0:
called_computation.1_lowered:
.L_overlay_start_0:
0x88: {  	s2 =	sld [smem:$0x3FD9]  }
0x89: {  	s3 =	sld [smem:$0x3FFE];
	_ =	sdelay $0x1  }
0x8a: {  	s1 =	srdreg.scid  }
0x8b: {  	s0 =	sand.u32 $0x1, s1  }
0x8c: {  	s17 =	sshll.u32 s0, $0xA;
	s2 =	sadd.s32 s3, s2  }
0x8d: {  	s2 =	sadd.s32 s2, s17  }
0x8e: {  	[smem:$0x3FC2] =	sst s2  }
0x8f: {  	_ = 	snop  }
0x90: {  	s2 =	sld [smem:$0x3FD0];
	(tm) =	ssettm $0x1  }
0x91: {  	s18 =	sld [smem:$0x3FFB];
	_ =	sdelay $0x3  }
0x92: {  	_ =	strace s18  }
0x93: {  	s3 =	sld [smem:$0x3FFC];
	_ =	sdelay $0x3  }
0x94: {  	_ =	strace s3  }
0x95: {  	s3 =	sld [smem:$0x3FFD];
	_ =	sdelay $0x3  }
0x96: {  	_ =	strace s3  }
0x97: {  	_ =	strace $0x8FFFFFFF  }
0x98: {  	s19 =	sld [smem:$0x3FDB];
	_ =	sdelay $0x1  }
0x99: {  	s4 =	simm.s32 $_scs_section_size  }
0x9a: {  	s5 =	simm.s32 $_size__tile_overlayer_lowered;
	s6 =	simm.s32 $_tile_overlayer_lowered  }
0x9b: {  	s22 =	simm.s32 $0x1BFF;
	s21 =	sshll.u32 s6, $0x1;
	s3 =	sadd.s32 s4, s19  }
0x9c: {  	s7 =	simm.s32 $0x0;
	s20 =	sshll.u32 s5, $0x1;
	s5 =	sadd.s32 s21, s3  }
0x9d: {  	[timem:s7], [sflag:s22] =	dma.local [hbm:s5], s20  }
0x9e: {  	_ =	swait.ge [sflag:s22], s20  }
0x9f: {  	s4 =	ssub.s32 $0x0, s20;
	[sflag:s22] =	ssyncset.done $0x0  }
0xa0: {  	[sflag:s22] =	ssyncadd.s32 s4;
	_ =	sdelay $0x1  }
0xa1: {  	s23 =	simm.s32 $0x1B8B  }
0xa2: {  	_ =	swait.ge [sflag:s23], $0x1  }
0xa3: {  	[sflag:s23] =	ssyncset.done $0x0  }
0xa4: {  	s25 =	simm.s32 $0x1B8E;
	s24 =	sld [smem:$0x3FFE];
	[sflag:s23] =	ssyncadd.s32 $0xFFFFFFFF  }
0xa5: {  	s26 =	simm.s32 $execute0_lowered;
	[smem:$0x3FD2] =	sst s25  }
0xa6: {  	s5 =	sshll.u32 s26, $0x1;
	_ =	strace $0x80000049;
	[dreg:$0x1] =	wrdreg $0xFFFFFFFF  }
0xa7: {  	s28 =	simm.s32 $_size_execute0_lowered;
	s3 =	sadd.s32 s3, s5;
	[dreg:$0x0] =	wrdreg $0x0  }
0xa8: {  	s5 =	sshll.u32 s28, $0x1;
	[dreg:$0x2] =	wrdreg s3  }
0xa9: {  	[dreg:$0x3] =	wrdreg s5  }
0xaa: {  	[dreg:$0x4] =	wrdreg $0xC0  }
0xab: {  	_ =	task [dreg:s7], $0x5FFFF  }
0xac: {  	[dreg:$0x1] =	wrdreg $0xFFFFFFFF  }
0xad: {  	[dreg:$0x0] =	wrdreg $0x60  }
0xae: {  	[dreg:$0x2] =	wrdreg s2  }
0xaf: {  	[dreg:$0x3] =	wrdreg s24  }
0xb0: {  	[dreg:$0x4] =	wrdreg $0xC2000  }
0xb1: {  	[dreg:$0x5] =	wrdreg $0x9  }
0xb2: {  	_ =	task.clear_ibuf [dreg:s7], $0x6FFFF;
	_ =	strace $0x90000049  }
0xb3: {  	s29 =	simm.s32 $0x9;
	_ =	strace $0x8000004B  }
0xb4: {  	_ =	swait.ge [sflag:s29], $0x1  }
0xb5: {  	[sflag:s29] =	ssyncadd.s32 $0xFFFFFFFF  }
0xb6: {  	_ =	strace $0x9000004B  }
0xb7: {  	_ =	sfence  }
0xb8: {  	s30 =	sld [smem:$0x0];
	_ =	sdelay $0x2  }
0xb9: {  	s31 =	sshll.u32 s1, $0xD;
	s1 =	sshrl.u32 s1, $0x2  }
0xba: {  	s3 =	sand.u32 $0x4000, s31;
	s1 =	sadd.s32 s1, s30  }
0xbb: {  	s0 =	sor.u32 s3, s0;
	s1 =	sshll.u32 s1, $0x11  }
0xbc: {  	s0 =	sor.u32 s1, s0  }
0xbd: {  	s0 =	sadd.s32 $0x8F2B, s0  }
0xbe: {  	[sflag:s0] =	ssyncadd.remote.s32 $0x1  }
0xbf: {  	_ =	sfence.sel $0xFFFF  }
0xc0: {  	[dreg:$0x0] =	wrdreg $0xFFFFFFFF;
	(pc) =	sbr.abs _section_cstart, $3  }
0xc1: {  	[dreg:$0x1] =	wrdreg $0xFFFFFFFF  }
0xc2: {  	_ =	task.clear_ibuf [dreg:s7], $0x2FFFF;
	_ =	strace $0x9FFFFFFF  }
0xc3: {  	(tm) =	ssettm $0x7FFFFFFF  }
tec
execute0_lowered:
.L_overlay_start_1:
0x0: {  	(tag) =	ssettag $0x1  }
0x1: {  	s1 =	rddreg [dreg:$0x0]  }
0x2: {  	s0 =	rddreg [dreg:$0x1]  }
0x3: {  	s2 =	rddreg [dreg:$0x2];
	s4 =	simm.s32 $0x0  }
0x4: {  	s3 =	srdreg.scid;
	s14 =	stileid.u32;
	s29 =	simm.s32 $0x6100  }
0x5: {  	s30 =	simm.s32 $0x6180;
	s31 =	simm.s32 $0x1;
	s28 =	simm.s32 $0x6130  }
0x6: {  	[smem:$0x7FF] =	sst s4;
	s3 =	sand.u32 $0x1, s3;
	s9 =	smul.u32 $0x13C00, s14  }
0x7: {  	s5 =	sadd.s32 $0xEDFA00, s0;
	s6 =	sadd.s32 $0x3800, s0;
	s7 =	sadd.s32 $0xD800, s0  }
0x8: {  	s10 =	sadd.s32 $0x4E5C00, s0;
	s18 =	smul.u32 $0x4F000, s14;
	s20 =	sshll.u32 s14, $0x6  }
0x9: {  	s8 =	smul.u32 $0x13C000, s3;
	_ =	strace $0x8000004A;
	[dreg:$0x4] =	wrdreg s10  }
0xa: {  	s17 =	sshll.u32 s3, $0x4;
	s3 =	ssub.s32 $0x2, s3;
	s15 =	sor.u32 $0x1C04, s20  }
0xb: {  	s20 =	sadd.s32 $0xEEBA00, s0;
	s11 =	sshrl.u32 s3, $0x1;
	s10 =	sshrl.u32 s18, $0x2  }
0xc: {  	[dreg:$0x5] =	wrdreg s15;
	s8 =	sadd.s32 s9, s8;
	s9 =	sor.u32 s14, s17  }
0xd: {  	s3 =	ssub.s32 s3, s11;
	s19 =	sadd.s32 s10, s2;
	s12 =	smul.u32 $0x60, s9  }
0xe: {  	s11 =	simm.s32 $0x9200;
	s8 =	sshrl.u32 s8, $0x3;
	s13 =	smul.u32 $0xC, s9  }
0xf: {  	s21 =	smul.u32 $0x600, s9;
	s16 =	sor.u32 $0x40, s9;
	s17 =	sor.u32 $0x60, s9  }
0x10: {  	s3 =	smax.u32 s3, $0x1;
	s14 =	sshrl.u32 s19, $0x3;
	s8 =	sadd.s32 s8, s0  }
0x11: {  	[dreg:$0xc] =	wrdreg s3;
	s0 =	simm.s32 $0x2;
	s3 =	simm.s32 $0x3  }
0x12: {  	[dreg:$0xd] =	wrdreg s14;
	s12 =	sshrl.u32 s12, $0x3;
	s22 =	sadd.s32 s6, s13  }
0x13: {  	s23 =	sadd.s32 s7, s13;
	s24 =	sadd.s32 s5, s21;
	[dreg:$0x6] =	wrdreg s22  }
0x14: {  	s8 =	sadd.s32 $0x17800, s8;
	s13 =	simm.s32 $0x0;
	[dreg:$0x7] =	wrdreg s23  }
.Ltmp0:
0x15: {  	s12 =	sadd.s32 $0x180, s12;
	[dreg:$0x8] =	wrdreg s24;
	(pc) =	sbr.rel .LBB2_1-.Ltmp0, $4  }
0x16: {  	[dreg:$0xb] =	wrdreg s8;
	s22 =	simm.s32 $0x4;
	s23 =	simm.s32 $0x80  }
0x17: {  	s24 =	simm.s32 $0x30;
	s8 =	simm.s32 $0x7A00;
	s25 =	sadd.s32 s6, s12  }
0x18: {  	s26 =	sadd.s32 s7, s12;
	s12 =	simm.s32 $0x60;
	[dreg:$0x9] =	wrdreg s25  }
0x19: {  	[dreg:$0xa] =	wrdreg s26;
	s25 =	simm.s32 $0x100;
	s26 =	simm.s32 $0x6200  }
.LBB2_8:
0x1a: {  	[bflag:$0x0] =	sbarrier.arrive $0xFFFF  }
0x1b: {  	s15 =	rddreg [dreg:$0x5]  }
0x1c: {  	s10 =	rddreg [dreg:$0xb]  }
0x1d: {  	s14 =	rddreg [dreg:$0xd]  }
0x1e: {  	[hbm:s10], [sflag:s15] =	dma.local [spmem:s14], $0x2780  }
0x1f: {  	_ =	swait.ge [sflag:s22], $0x2780  }
0x20: {  	s13 =	sadd.s32 $0x1, s13;
	s21 =	rddreg [dreg:$0xc]  }
0x21: {  	p0 =	sne.s32 s13, s21  }
.Ltmp1:
0x22: {  	_ = 	snop;
	(pc) =	sbr.rel @!p0 .LBB2_9-.Ltmp1, $3  }
0x23: {  	_ =	sdelay $0x1  }
0x24: {  	[sflag:s22] =	ssyncset.done $0x0  }
0x25: {  	[sflag:s22] =	ssyncadd.s32 $0xFFFFD880  }
.LBB2_1:
0x26: {  	s10 =	rddreg [dreg:$0x4]  }
0x27: {  	[spmem:s14], [sflag:s15] =	dma.local [hbm:s10], $0x2780  }
0x28: {  	_ =	swait.ge [sflag:s22], $0x2780  }
0x29: {  	[sflag:s22] =	ssyncset.done $0x0  }
0x2a: {  	[sflag:s22] =	ssyncadd.s32 $0xFFFFD880  }
0x2b: {  	[bflag:$0x0] =	sbarrier.arrive $0xFFFF  }
0x2c: {  	s19 =	rddreg [dreg:$0x6]  }
0x2d: {  	[tilespmem:s4], [sflag:$0x4] =	stream.linear.gather [hbm4b:s19+s4], $0x60, $0x38;
	[tilespmem:$0x1FE00] =	vst v63  }
0x2e: {  	_ =	swait.ge [sflag:s22], $0x60  }
0x2f: {  	[sflag:s22] =	ssyncset.done $0x0  }
0x30: {  	s21 =	rddreg [dreg:$0x7];
	[sflag:s22] =	ssyncadd.s32 $0xFFFFFFA0  }
0x31: {  	[tilespmem:s23], [sflag:$0x4] =	stream.linear.gather [hbm4b:s21+s4], $0x60, $0x38;
	[tilespmem:$0x1FE00] =	vst v63  }
0x32: {  	_ =	swait.ge [sflag:s22], $0x60  }
0x33: {  	[sflag:s22] =	ssyncset.done $0x0  }
0x34: {  	[sflag:s22] =	ssyncadd.s32 $0xFFFFFFA0  }
0x35: {  	[tilespmem:s25], [sflag:$0x1] =	stream.indirect.gather [hbm4b:s1+s24], $0x80, s4, s24, $0xb8;
	[tilespmem:$0x1FE00] =	vst v63  }
0x36: {  	s14 =	simm.s32 $0x1900  }
0x37: {  	[tilespmem:s14], [sflag:$0x1] =	stream.indirect.gather [hbm4b:s1+s24], $0x80, s24, s24, $0xb8;
	[tilespmem:$0x1FE00] =	vst v63  }
0x38: {  	s18 =	simm.s32 $0x3100;
	s15 =	rddreg [dreg:$0x8]  }
0x39: {  	[tilespmem:s18], [sflag:$0x2] =	stream.linear.gather [hbm4b:s15+s4], $0x3000, $0x38;
	[tilespmem:$0x1FE00] =	vst v63  }
0x3a: {  	s19 =	rddreg [dreg:$0x9]  }
0x3b: {  	[tilespmem:s29], [sflag:$0x3] =	stream.linear.gather [hbm4b:s19+s4], $0x60, $0x38;
	[tilespmem:$0x1FE00] =	vst v63  }
0x3c: {  	s21 =	rddreg [dreg:$0xa];
	s14 =	simm.s32 $0x0  }
0x3d: {  	[tilespmem:s30], [sflag:$0x3] =	stream.linear.gather [hbm4b:s21+s4], $0x60, $0x38;
	[tilespmem:$0x1FE00] =	vst v63  }
.LBB2_2:
0x3e: {  	_ =	swait.ge [sflag:s31], $0x1800  }
0x3f: {  	[sflag:s31] =	ssyncset.done $0x0  }
0x40: {  	[sflag:s31] =	ssyncadd.s32 $0xFFFFE800  }
0x41: {  	_ =	swait.ge [sflag:s31], $0x1800  }
0x42: {  	[sflag:s31] =	ssyncset.done $0x0  }
0x43: {  	[sflag:s31] =	ssyncadd.s32 $0xFFFFE800  }
0x44: {  	_ =	swait.ge [sflag:s0], $0x3000  }
0x45: {  	[sflag:s0] =	ssyncset.done $0x0  }
0x46: {  	[sflag:s0] =	ssyncadd.s32 $0xFFFFD000  }
0x47: {  	_ =	swait.ge [sflag:s3], $0x60  }
0x48: {  	[sflag:s3] =	ssyncset.done $0x0  }
0x49: {  	[sflag:s3] =	ssyncadd.s32 $0xFFFFFFA0  }
0x4a: {  	_ =	swait.ge [sflag:s3], $0x60  }
0x4b: {  	s15 =	sshll.u32 s14, $0x6;
	[sflag:s3] =	ssyncset.done $0x0  }
0x4c: {  	s18 =	sor.u32 s9, s15;
	[sflag:s3] =	ssyncadd.s32 $0xFFFFFFA0  }
0x4d: {  	[tilespmem:s26], [sflag:$0x1] =	stream.indirect.gather [hbm4b:s1+s24], $0x80, s29, s24, $0xb8;
	[tilespmem:$0x1FE00] =	vst v63  }
0x4e: {  	s18 =	smul.u32 $0x600, s18  }
0x4f: {  	[tilespmem:s8], [sflag:$0x1] =	stream.indirect.gather [hbm4b:s1+s24], $0x80, s28, s24, $0xb8;
	[tilespmem:$0x1FE00] =	vst v63  }
0x50: {  	s19 =	simm.s32 $0x0;
	s18 =	sadd.s32 s20, s18  }
0x51: {  	[tilespmem:s11], [sflag:$0x2] =	stream.linear.gather [hbm4b:s18+s19], $0x3000, $0x38;
	[tilespmem:$0x1FE00] =	vst v63  }
0x52: {  	s18 =	simm.s32 $0x0  }
0x53: {  	v6 =	vld [tilespmem:s18+$0x3100]  }
0x54: {  	v11 =	vld [tilespmem:s18+$0x3110]  }
0x55: {  	v5 =	vld [tilespmem:s18+$0x3120]  }
0x56: {  	v4 =	vld [tilespmem:s18+$0x3130]  }
0x57: {  	v3 =	vld [tilespmem:s18+$0x3140]  }
0x58: {  	v2 =	vld [tilespmem:s18+$0x3150]  }
0x59: {  	v1 =	vld [tilespmem:s18+$0x3160]  }
0x5a: {  	v0 =	vld [tilespmem:s18+$0x3170]  }
0x5b: {  	v12 =	vld [tilespmem:s18+$0x100]  }
0x5c: {  	v13 =	vld [tilespmem:s18+$0x110]  }
0x5d: {  	v10 =	vld [tilespmem:s18+$0x120]  }
0x5e: {  	v9 =	vld [tilespmem:s18+$0x130]  }
0x5f: {  	v8 =	vld [tilespmem:s18+$0x140]  }
0x60: {  	v7 =	vld [tilespmem:s18+$0x150];
	v12 =	vadd.f32 v6, v12  }
0x61: {  	s19 =	simm.s32 $0x200;
	v11 =	vadd.f32 v11, v13;
	v6 =	vld [tilespmem:s18+$0x160]  }
.LBB2_3:
0x62: {  	s10 =	sshra.s32 s19, $0x2;
	p0 =	sne.s32 s19, $0xBE00;
	v12 =	vmax.f32 v12, $0.0e+00;
	v5 =	vadd.f32 v5, v10;
	v10 =	vld [tilespmem:s18+$0x170]  }
0x63: {  	v13 =	vld [tilespmem:s10+$0x3100];
	[tilespmem:s18+$0x100] =	vst v12;
	v11 =	vmax.f32 v11, $0.0e+00;
	v4 =	vadd.f32 v4, v9  }
0x64: {  	v14 =	vld [tilespmem:s10+$0x3110];
	[tilespmem:s18+$0x110] =	vst v11;
	v9 =	vmax.f32 v5, $0.0e+00;
	v3 =	vadd.f32 v3, v8  }
0x65: {  	v5 =	vld [tilespmem:s10+$0x3120];
	[tilespmem:s18+$0x120] =	vst v9;
	v8 =	vmax.f32 v4, $0.0e+00;
	v2 =	vadd.f32 v2, v7  }
0x66: {  	v4 =	vld [tilespmem:s10+$0x3130];
	[tilespmem:s18+$0x130] =	vst v8;
	v7 =	vmax.f32 v3, $0.0e+00;
	v1 =	vadd.f32 v1, v6  }
0x67: {  	v3 =	vld [tilespmem:s10+$0x3140];
	[tilespmem:s18+$0x140] =	vst v7;
	v6 =	vmax.f32 v2, $0.0e+00;
	v0 =	vadd.f32 v0, v10  }
0x68: {  	v2 =	vld [tilespmem:s10+$0x3150];
	[tilespmem:s18+$0x150] =	vst v6;
	v6 =	vmax.f32 v1, $0.0e+00  }
0x69: {  	v1 =	vld [tilespmem:s10+$0x3160];
	[tilespmem:s18+$0x160] =	vst v6;
	v6 =	vmax.f32 v0, $0.0e+00  }
0x6a: {  	v0 =	vld [tilespmem:s10+$0x3170];
	[tilespmem:s18+$0x170] =	vst v6;
	s18 =	smov.u32 s10  }
0x6b: {  	v6 =	vld [tilespmem:s18+$0x100]  }
0x6c: {  	v11 =	vld [tilespmem:s18+$0x110]  }
.Ltmp2:
0x6d: {  	v10 =	vld [tilespmem:s18+$0x120];
	(pc) =	sbr.rel @p0 .LBB2_3-.Ltmp2, $4  }
0x6e: {  	v9 =	vld [tilespmem:s18+$0x130]  }
0x6f: {  	v8 =	vld [tilespmem:s18+$0x140]  }
0x70: {  	v12 =	vadd.f32 v13, v6;
	v7 =	vld [tilespmem:s18+$0x150]  }
0x71: {  	s19 =	sadd.s32 $0x200, s19;
	v11 =	vadd.f32 v14, v11;
	v6 =	vld [tilespmem:s18+$0x160]  }
0x72: {  	v12 =	vmax.f32 v12, $0.0e+00;
	v5 =	vadd.f32 v5, v10;
	v10 =	vld [tilespmem:s18+$0x170]  }
0x73: {  	[tilespmem:s18+$0x100] =	vst v12;
	v11 =	vmax.f32 v11, $0.0e+00;
	v4 =	vadd.f32 v4, v9  }
0x74: {  	[tilespmem:s18+$0x110] =	vst v11;
	v5 =	vmax.f32 v5, $0.0e+00;
	v3 =	vadd.f32 v3, v8  }
0x75: {  	[tilespmem:s18+$0x120] =	vst v5;
	v4 =	vmax.f32 v4, $0.0e+00;
	v2 =	vadd.f32 v2, v7  }
0x76: {  	[tilespmem:s18+$0x130] =	vst v4;
	v3 =	vmax.f32 v3, $0.0e+00;
	v1 =	vadd.f32 v1, v6  }
0x77: {  	[tilespmem:s18+$0x140] =	vst v3;
	v2 =	vmax.f32 v2, $0.0e+00;
	v0 =	vadd.f32 v0, v10  }
0x78: {  	[tilespmem:s18+$0x150] =	vst v2;
	v1 =	vmax.f32 v1, $0.0e+00  }
0x79: {  	[tilespmem:s18+$0x160] =	vst v1;
	v0 =	vmax.f32 v0, $0.0e+00  }
0x7a: {  	[tilespmem:s18+$0x170] =	vst v0  }
0x7b: {  	[spmem:s2] =	stream.indirect.scatter.add.f32 [tilespmem:s25], [sflag:$0x4], $0x80, s23, s12, $0xb8;
	[tilespmem:$0x1FE00] =	vst v63  }
0x7c: {  	_ =	swait.ge [sflag:s22], $0x3000  }
0x7d: {  	p0 =	seq.s32 s14, $0x34;
	[sflag:s22] =	ssyncset.done $0x0  }
0x7e: {  	s10 =	simm.s32 @p0 $0x1;
	[sflag:s22] =	ssyncadd.s32 $0xFFFFD000  }
0x7f: {  	_ =	swait.ge @p0 [sflag:s10], $0x1800  }
0x80: {  	[sflag:s10] =	ssyncset.done @p0 $0x0  }
0x81: {  	[sflag:s10] =	ssyncadd.s32 @p0 $0xFFFFE800  }
0x82: {  	_ =	swait.ge @p0 [sflag:s10], $0x1800  }
0x83: {  	[sflag:s10] =	ssyncset.done @p0 $0x0  }
0x84: {  	s18 =	sadd.s32 @!p0 s16, s15;
	[sflag:s10] =	ssyncadd.s32 @p0 $0xFFFFE800;
	s10 =	simm.s32 @p0 $0x2  }
0x85: {  	s19 =	smul.u32 @!p0 $0xC, s18;
	_ =	swait.ge @p0 [sflag:s10], $0x3000  }
0x86: {  	[sflag:s10] =	ssyncset.done @p0 $0x0  }
0x87: {  	s21 =	simm.s32 @!p0 $0x0;
	[sflag:s10] =	ssyncadd.s32 @p0 $0xFFFFD000;
	s10 =	sadd.s32 @!p0 s6, s19  }
0x88: {  	[tilespmem:s21], [sflag:$0x3] =	stream.linear.gather @!p0 [hbm4b:s10+s21], $0x60, $0x38;
	[tilespmem:$0x1FE00] =	vst v63  }
0x89: {  	s10 =	sadd.s32 @!p0 s7, s19;
	s19 =	simm.s32 @!p0 $0x80  }
0x8a: {  	[tilespmem:s19], [sflag:$0x3] =	stream.linear.gather @!p0 [hbm4b:s10+s21], $0x60, $0x38;
	[tilespmem:$0x1FE00] =	vst v63  }
0x8b: {  	s10 =	simm.s32 @!p0 $0x1  }
0x8c: {  	_ =	swait.ge @!p0 [sflag:s10], $0x1800  }
0x8d: {  	[sflag:s10] =	ssyncset.done @!p0 $0x0  }
0x8e: {  	[sflag:s10] =	ssyncadd.s32 @!p0 $0xFFFFE800  }
0x8f: {  	_ =	swait.ge @!p0 [sflag:s10], $0x1800  }
0x90: {  	[sflag:s10] =	ssyncset.done @!p0 $0x0  }
0x91: {  	[sflag:s10] =	ssyncadd.s32 @!p0 $0xFFFFE800;
	s10 =	simm.s32 @!p0 $0x2  }
0x92: {  	_ =	swait.ge @!p0 [sflag:s10], $0x3000  }
0x93: {  	[sflag:s10] =	ssyncset.done @!p0 $0x0  }
0x94: {  	[sflag:s10] =	ssyncadd.s32 @!p0 $0xFFFFD000;
	s10 =	simm.s32 @!p0 $0x3  }
0x95: {  	_ =	swait.ge @!p0 [sflag:s10], $0x60  }
0x96: {  	[sflag:s10] =	ssyncset.done @!p0 $0x0  }
0x97: {  	[sflag:s10] =	ssyncadd.s32 @!p0 $0xFFFFFFA0  }
0x98: {  	_ =	swait.ge @!p0 [sflag:s10], $0x60  }
0x99: {  	[sflag:s10] =	ssyncset.done @!p0 $0x0  }
0x9a: {  	s19 =	simm.s32 @!p0 $0x100;
	[sflag:s10] =	ssyncadd.s32 @!p0 $0xFFFFFFA0;
	s10 =	simm.s32 @!p0 $0x30  }
0x9b: {  	[tilespmem:s19], [sflag:$0x1] =	stream.indirect.gather @!p0 [hbm4b:s1+s10], $0x80, s21, s10, $0xb8;
	[tilespmem:$0x1FE00] =	vst v63  }
0x9c: {  	s18 =	smul.u32 @!p0 $0x600, s18;
	s19 =	simm.s32 @!p0 $0x1900  }
0x9d: {  	[tilespmem:s19], [sflag:$0x1] =	stream.indirect.gather @!p0 [hbm4b:s1+s10], $0x80, s10, s10, $0xb8;
	[tilespmem:$0x1FE00] =	vst v63  }
0x9e: {  	s10 =	sadd.s32 @!p0 s5, s18;
	s18 =	simm.s32 @!p0 $0x3100  }
0x9f: {  	[tilespmem:s18], [sflag:$0x2] =	stream.linear.gather @!p0 [hbm4b:s10+s21], $0x3000, $0x38;
	[tilespmem:$0x1FE00] =	vst v63  }
0xa0: {  	s18 =	simm.s32 $0x0  }
0xa1: {  	v6 =	vld [tilespmem:s18+$0x9200]  }
0xa2: {  	v11 =	vld [tilespmem:s18+$0x9210]  }
0xa3: {  	v5 =	vld [tilespmem:s18+$0x9220]  }
0xa4: {  	v4 =	vld [tilespmem:s18+$0x9230]  }
0xa5: {  	v3 =	vld [tilespmem:s18+$0x9240]  }
0xa6: {  	v2 =	vld [tilespmem:s18+$0x9250]  }
0xa7: {  	v1 =	vld [tilespmem:s18+$0x9260]  }
0xa8: {  	v0 =	vld [tilespmem:s18+$0x9270]  }
0xa9: {  	v12 =	vld [tilespmem:s18+$0x6200]  }
0xaa: {  	v13 =	vld [tilespmem:s18+$0x6210]  }
0xab: {  	v10 =	vld [tilespmem:s18+$0x6220]  }
0xac: {  	v9 =	vld [tilespmem:s18+$0x6230]  }
0xad: {  	v8 =	vld [tilespmem:s18+$0x6240]  }
0xae: {  	v7 =	vld [tilespmem:s18+$0x6250];
	v12 =	vadd.f32 v6, v12  }
0xaf: {  	s19 =	simm.s32 $0x200;
	v11 =	vadd.f32 v11, v13;
	v6 =	vld [tilespmem:s18+$0x6260]  }
.LBB2_5:
0xb0: {  	s10 =	sshra.s32 s19, $0x2;
	p1 =	sne.s32 s19, $0xBE00;
	v12 =	vmax.f32 v12, $0.0e+00;
	v5 =	vadd.f32 v5, v10;
	v10 =	vld [tilespmem:s18+$0x6270]  }
0xb1: {  	v13 =	vld [tilespmem:s10+$0x9200];
	[tilespmem:s18+$0x6200] =	vst v12;
	v11 =	vmax.f32 v11, $0.0e+00;
	v4 =	vadd.f32 v4, v9  }
0xb2: {  	v14 =	vld [tilespmem:s10+$0x9210];
	[tilespmem:s18+$0x6210] =	vst v11;
	v9 =	vmax.f32 v5, $0.0e+00;
	v3 =	vadd.f32 v3, v8  }
0xb3: {  	v5 =	vld [tilespmem:s10+$0x9220];
	[tilespmem:s18+$0x6220] =	vst v9;
	v8 =	vmax.f32 v4, $0.0e+00;
	v2 =	vadd.f32 v2, v7  }
0xb4: {  	v4 =	vld [tilespmem:s10+$0x9230];
	[tilespmem:s18+$0x6230] =	vst v8;
	v7 =	vmax.f32 v3, $0.0e+00;
	v1 =	vadd.f32 v1, v6  }
0xb5: {  	v3 =	vld [tilespmem:s10+$0x9240];
	[tilespmem:s18+$0x6240] =	vst v7;
	v6 =	vmax.f32 v2, $0.0e+00;
	v0 =	vadd.f32 v0, v10  }
0xb6: {  	v2 =	vld [tilespmem:s10+$0x9250];
	[tilespmem:s18+$0x6250] =	vst v6;
	v6 =	vmax.f32 v1, $0.0e+00  }
0xb7: {  	v1 =	vld [tilespmem:s10+$0x9260];
	[tilespmem:s18+$0x6260] =	vst v6;
	v6 =	vmax.f32 v0, $0.0e+00  }
0xb8: {  	v0 =	vld [tilespmem:s10+$0x9270];
	[tilespmem:s18+$0x6270] =	vst v6;
	s18 =	smov.u32 s10  }
0xb9: {  	v6 =	vld [tilespmem:s18+$0x6200]  }
0xba: {  	v11 =	vld [tilespmem:s18+$0x6210]  }
.Ltmp3:
0xbb: {  	v10 =	vld [tilespmem:s18+$0x6220];
	(pc) =	sbr.rel @p1 .LBB2_5-.Ltmp3, $4  }
0xbc: {  	v9 =	vld [tilespmem:s18+$0x6230]  }
0xbd: {  	v8 =	vld [tilespmem:s18+$0x6240]  }
0xbe: {  	v12 =	vadd.f32 v13, v6;
	v7 =	vld [tilespmem:s18+$0x6250]  }
0xbf: {  	s19 =	sadd.s32 $0x200, s19;
	v11 =	vadd.f32 v14, v11;
	v6 =	vld [tilespmem:s18+$0x6260]  }
0xc0: {  	v12 =	vmax.f32 v12, $0.0e+00;
	v5 =	vadd.f32 v5, v10;
	v63 =	vld [tilespmem:s18+$0x6270]  }
0xc1: {  	[tilespmem:s18+$0x6200] =	vst v12;
	v11 =	vmax.f32 v11, $0.0e+00;
	v4 =	vadd.f32 v4, v9  }
0xc2: {  	[tilespmem:s18+$0x6210] =	vst v11;
	v5 =	vmax.f32 v5, $0.0e+00;
	v3 =	vadd.f32 v3, v8  }
0xc3: {  	[tilespmem:s18+$0x6220] =	vst v5;
	v4 =	vmax.f32 v4, $0.0e+00;
	v2 =	vadd.f32 v2, v7  }
0xc4: {  	[tilespmem:s18+$0x6230] =	vst v4;
	v3 =	vmax.f32 v3, $0.0e+00;
	v1 =	vadd.f32 v1, v6  }
0xc5: {  	[tilespmem:s18+$0x6240] =	vst v3;
	v2 =	vmax.f32 v2, $0.0e+00;
	v0 =	vadd.f32 v0, v63  }
0xc6: {  	[tilespmem:s18+$0x6250] =	vst v2;
	v1 =	vmax.f32 v1, $0.0e+00  }
0xc7: {  	[tilespmem:s18+$0x6260] =	vst v1;
	v0 =	vmax.f32 v0, $0.0e+00  }
.Ltmp4:
0xc8: {  	[tilespmem:s18+$0x6270] =	vst v0;
	(pc) =	sbr.rel @p0 .LBB2_8-.Ltmp4, $4  }
0xc9: {  	[spmem:s2] =	stream.indirect.scatter.add.f32 [tilespmem:s26], [sflag:$0x4], $0x80, s30, s12, $0xb8;
	[tilespmem:$0x1FE00] =	vst v63  }
0xca: {  	_ =	swait.ge [sflag:s22], $0x3000  }
0xcb: {  	[sflag:s22] =	ssyncset.done $0x0  }
0xcc: {  	[sflag:s22] =	ssyncadd.s32 $0xFFFFD000  }
0xcd: {  	s10 =	sadd.s32 s17, s15  }
0xce: {  	s10 =	smul.u32 $0xC, s10  }
.Ltmp5:
0xcf: {  	_ = 	snop;
	(pc) =	sbr.rel .LBB2_2-.Ltmp5, $4  }
0xd0: {  	s21 =	sadd.s32 s6, s10  }
0xd1: {  	[tilespmem:s29], [sflag:$0x3] =	stream.linear.gather [hbm4b:s21+s4], $0x60, $0x38;
	[tilespmem:$0x1FE00] =	vst v63  }
0xd2: {  	s14 =	sadd.s32 $0x1, s14;
	s10 =	sadd.s32 s7, s10  }
0xd3: {  	[tilespmem:s30], [sflag:$0x3] =	stream.linear.gather [hbm4b:s10+s4], $0x60, $0x38;
	[tilespmem:$0x1FE00] =	vst v63  }
.LBB2_9:
0xd4: {  	_ =	sfence.sel $0x180000  }
0xd5: {  	[bflag:$0x0] =	sbarrier.arrive $0xFFFF  }
0xd6: {  	_ =	strace $0x9000004A  }
0xd7: {  	s0 =	stileid.u32;
	[bflag:$0x2] =	sbarrier.arrive $0xFFFF  }
0xd8: {  	p0 =	sne.s32 s0, $0x0;
	s0 =	rddreg [dreg:$0x3]  }
0xd9: {  	s0 =	sadd.s32 @!p0 $0x100000, s0  }
0xda: {  	[sflag:s0] =	ssyncadd.tile.s32 @!p0 $0x1;
	_ =	shalt  }
.Lfunc_end2:
_tile_overlayer_lowered:
.L_overlay_start_2:
0xdb: {  	(tag) =	ssettag $0x2  }
0xdc: {  	s0 =	rddreg [dreg:$0x0];
	s2 =	stileid.u32  }
0xdd: {  	s1 =	rddreg [dreg:$0x1];
	p0 =	sne.s32 s2, $0x0  }
0xde: {  	s3 =	rddreg [dreg:$0x2];
	[bflag:$0x3] =	sbarrier.arrive $0xFFFF;
	s2 =	simm.s32 @!p0 $0x1C04  }
0xdf: {  	[timem:s3], [sflag:s2] =	dma.local @!p0 [hbm:s0], s1  }
0xe0: {  	s0 =	simm.s32 @!p0 $0x4  }
0xe1: {  	_ =	swait.ge @!p0 [sflag:s0], s1  }
0xe2: {  	s1 =	ssub.s32 @!p0 $0x0, s1;
	[sflag:s0] =	ssyncset.done @!p0 $0x0  }
0xe3: {  	[sflag:s0] =	ssyncadd.s32 @!p0 s1  }
0xe4: {  	[bflag:$0x3] =	sbarrier.arrive $0xFFFF  }
0xe5: {  	_ =	shalt  }

// kernel: kernel.17.cloned.1.call-start
scs
__scs_entry_jumppad:
0x0: {  	(pc) =	sbr.rel $0x88, $3  }
0x1: {  	(tag) =	ssettag $0x0;
	lr =	simm.s32 $0x1  }
0x2: {  	[smem:$0x3F9B] =	sst lr;
	_ =	strace $0xD0000000  }
0x3: {  	_ = 	snop  }
0x4: {  	_ = 	snop  }
0x5: {  	_ = 	snop  }
0x6: {  	_ = 	snop  }
0x7: {  	_ = 	snop  }
__scs_overlays_trampoline_lowered:
0x8: {  	[smem:$0x3FAA] =	sst s0  }
0x9: {  	[smem:$0x3FAB] =	sst s1  }
0xa: {  	[smem:$0x3FAC] =	sst s2  }
0xb: {  	[smem:$0x3FAD] =	sst s3  }
0xc: {  	[smem:$0x3FAE] =	sst s4  }
0xd: {  	[smem:$0x3FAF] =	sst s5  }
0xe: {  	[smem:$0x3FB0] =	sst s6  }
0xf: {  	[smem:$0x3FB1] =	sst s7  }
0x10: {  	[smem:$0x3FB2] =	sst s8  }
0x11: {  	[smem:$0x3FB3] =	sst s9;
	s0 =	simm.s32 @!p0 $0x0  }
0x12: {  	s1 =	sld [smem:$0x3F99];
	s0 =	simm.s32 @p0 $0x1  }
0x13: {  	[smem:$0x3FB4] =	sst s0;
	s0 =	simm.s32 @!p1 $0x0  }
0x14: {  	s2 =	sld [smem:$0x3F98];
	s0 =	simm.s32 @p1 $0x1  }
0x15: {  	[smem:$0x3FB5] =	sst s0;
	s0 =	simm.s32 @!p2 $0x0  }
0x16: {  	s3 =	sld [smem:$0x3FDB];
	s0 =	simm.s32 @p2 $0x1  }
0x17: {  	s4 =	simm.s32 $0x1BF5;
	[smem:$0x3FB7] =	sst s0  }
0x18: {  	s0 =	sld [smem:$0x3F9A];
	_ =	swait.ge [sflag:s4], $0x0  }
0x19: {  	s7 =	sld [smem:$0x3F9B]  }
0x1a: {  	s8 =	sadd.s32 $0xFFFFE003, lr  }
0x1b: {  	s9 =	sadd.s32 $0xFFFFFEF7, lr;
	s5 =	simm.s32 $0xFFFFFFFF;
	p2 =	slt.u32 s8, $0xFFFFF086  }
0x1c: {  	p1 =	slt.u32 s9, $0xF7A;
	s5 =	simm.s32 @!p2 $0x0  }
0x1d: {  	s5 =	simm.s32 @p1 $0x1;
	p0 =	seq.s32 s7, s2  }
0x1e: {  	s7 =	smul.u32 @!p0 $0xF7A, s2;
	p2 =	seq.s32 @!p0 s5, $0x0  }
0x1f: {  	s9 =	smul.u32 $0xF7A, s1;
	s8 =	simm.s32 @!p0 $0x1BF5;
	p2 =	por !p2, p0  }
0x20: {  	[sflag:s8] =	ssyncset.s32 @!p0 $0xFFFFF086;
	s6 =	sadd.s32 @!p0 s3, s7;
	s7 =	simm.s32 @!p0 $0x108  }
0x21: {  	s3 =	sadd.s32 s3, s9;
	s6 =	sadd.s32 @!p0 $0x88, s6;
	s7 =	simm.s32 @p2 $0x1082  }
0x22: {  	[simem:s7], [sflag:s8] =	dma.local @!p0 [hbm:s6], $0xF7A  }
0x23: {  	s9 =	sor.u32 $0xD0000000, s2;
	s6 =	simm.s32 $0x108;
	_ =	swait.ge @!p0 [sflag:s8], $0x0  }
0x24: {  	s3 =	sadd.s32 $0x88, s3;
	s6 =	simm.s32 @!p1 $0x1082;
	[sflag:s4] =	ssyncset.s32 $0xFFFFF086  }
0x25: {  	[simem:s6], [sflag:s4] =	dma.local [hbm:s3], $0xF7A  }
0x26: {  	[smem:$0x3F9B] =	sst s1;
	(tag) =	ssettag s2;
	_ =	strace s9  }
0x27: {  	s1 =	sld [smem:$0x3FAB]  }
0x28: {  	s2 =	sld [smem:$0x3FAC]  }
0x29: {  	s4 =	sld [smem:$0x3FAE]  }
0x2a: {  	p0 =	seq.s32 s5, $0x0;
	s5 =	sld [smem:$0x3FAF]  }
0x2b: {  	s6 =	sld [smem:$0x3FB0]  }
0x2c: {  	s7 =	sld [smem:$0x3FB1]  }
0x2d: {  	s3 =	simm.s32 $0x108;
	s8 =	sld [smem:$0x3FB2]  }
0x2e: {  	s3 =	simm.s32 @!p0 $0x1082;
	s9 =	sld [smem:$0x3FB3]  }
0x2f: {  	lr =	sadd.s32 s0, s3;
	s0 =	sld [smem:$0x3FAA]  }
0x30: {  	s3 =	sld [smem:$0x3FAD]  }
0x31: {  	[smem:$0x3FB6] =	sst s10  }
0x32: {  	s10 =	sld [smem:$0x3FB4];
	_ =	sdelay $0x3  }
0x33: {  	p0 =	seq.s32 s10, $0x1;
	s10 =	sld [smem:$0x3FB6];
	_ =	sdelay $0x3  }
0x34: {  	[smem:$0x3FB6] =	sst s10  }
0x35: {  	s10 =	sld [smem:$0x3FB5];
	_ =	sdelay $0x3  }
0x36: {  	p1 =	seq.s32 s10, $0x1;
	s10 =	sld [smem:$0x3FB6];
	_ =	sdelay $0x3  }
0x37: {  	[smem:$0x3FB6] =	sst s10  }
0x38: {  	s10 =	sld [smem:$0x3FB7]  }
0x39: {  	_ = 	snop;
	(pc) =	sbr.ind lr, $3  }
0x3a: {  	_ = 	snop  }
0x3b: {  	_ = 	snop  }
0x3c: {  	p2 =	seq.s32 s10, $0x1;
	s10 =	sld [smem:$0x3FB6]  }
0x3d: {  	_ =	shalt  }
0x3e: {  	_ =	shalt  }
0x3f: {  	_ =	shalt  }
0x40: {  	_ =	shalt  }
0x41: {  	_ =	shalt  }
0x42: {  	_ =	shalt  }
0x43: {  	_ =	shalt  }
0x44: {  	_ =	shalt  }
0x45: {  	_ =	shalt  }
0x46: {  	_ =	shalt  }
0x47: {  	_ =	shalt  }
0x48: {  	_ =	shalt  }
0x49: {  	_ =	shalt  }
0x4a: {  	_ =	shalt  }
0x4b: {  	_ =	shalt  }
0x4c: {  	_ =	shalt  }
0x4d: {  	_ =	shalt  }
0x4e: {  	_ =	shalt  }
0x4f: {  	_ =	shalt  }
0x50: {  	_ =	shalt  }
0x51: {  	_ =	shalt  }
0x52: {  	_ =	shalt  }
0x53: {  	_ =	shalt  }
0x54: {  	_ =	shalt  }
0x55: {  	_ =	shalt  }
0x56: {  	_ =	shalt  }
0x57: {  	_ =	shalt  }
0x58: {  	_ =	shalt  }
0x59: {  	_ =	shalt  }
0x5a: {  	_ =	shalt  }
0x5b: {  	_ =	shalt  }
0x5c: {  	_ =	shalt  }
0x5d: {  	_ =	shalt  }
0x5e: {  	_ =	shalt  }
0x5f: {  	_ =	shalt  }
0x60: {  	_ =	shalt  }
0x61: {  	_ =	shalt  }
0x62: {  	_ =	shalt  }
0x63: {  	_ =	shalt  }
0x64: {  	_ =	shalt  }
0x65: {  	_ =	shalt  }
0x66: {  	_ =	shalt  }
0x67: {  	_ =	shalt  }
0x68: {  	_ =	shalt  }
0x69: {  	_ =	shalt  }
0x6a: {  	_ =	shalt  }
0x6b: {  	_ =	shalt  }
0x6c: {  	_ =	shalt  }
0x6d: {  	_ =	shalt  }
0x6e: {  	_ =	shalt  }
0x6f: {  	_ =	shalt  }
0x70: {  	_ =	shalt  }
0x71: {  	_ =	shalt  }
0x72: {  	_ =	shalt  }
0x73: {  	_ =	shalt  }
0x74: {  	_ =	shalt  }
0x75: {  	_ =	shalt  }
0x76: {  	_ =	shalt  }
0x77: {  	_ =	shalt  }
0x78: {  	_ =	shalt  }
0x79: {  	_ =	shalt  }
0x7a: {  	_ =	shalt  }
0x7b: {  	_ =	shalt  }
0x7c: {  	_ =	shalt  }
0x7d: {  	_ =	shalt  }
0x7e: {  	_ =	shalt  }
0x7f: {  	_ =	shalt  }
0x80: {  	_ =	shalt  }
0x81: {  	_ =	shalt  }
0x82: {  	_ =	shalt  }
0x83: {  	_ =	shalt  }
0x84: {  	_ =	shalt  }
0x85: {  	_ =	shalt  }
0x86: {  	_ =	shalt  }
0x87: {  	_ =	shalt  }
.Lfunc_end0:
.L_simem_size_0:
called_computation.2_lowered:
.L_overlay_start_0:
0x88: {  	s2 =	sld [smem:$0x3FD9]  }
0x89: {  	s3 =	sld [smem:$0x3FFE];
	_ =	sdelay $0x1  }
0x8a: {  	s1 =	srdreg.scid  }
0x8b: {  	s0 =	sand.u32 $0x1, s1  }
0x8c: {  	s17 =	sshll.u32 s0, $0xA;
	s2 =	sadd.s32 s3, s2  }
0x8d: {  	s2 =	sadd.s32 s2, s17  }
0x8e: {  	[smem:$0x3FC2] =	sst s2  }
0x8f: {  	_ = 	snop  }
0x90: {  	s2 =	sld [smem:$0x3FD0];
	(tm) =	ssettm $0x1  }
0x91: {  	s18 =	sld [smem:$0x3FFB];
	_ =	sdelay $0x3  }
0x92: {  	_ =	strace s18  }
0x93: {  	s3 =	sld [smem:$0x3FFC];
	_ =	sdelay $0x3  }
0x94: {  	_ =	strace s3  }
0x95: {  	s3 =	sld [smem:$0x3FFD];
	_ =	sdelay $0x3  }
0x96: {  	_ =	strace s3  }
0x97: {  	_ =	strace $0x8FFFFFFF  }
0x98: {  	s19 =	sld [smem:$0x3FDB];
	_ =	sdelay $0x1  }
0x99: {  	s4 =	simm.s32 $_scs_section_size  }
0x9a: {  	s5 =	simm.s32 $_size__tile_overlayer_lowered;
	s6 =	simm.s32 $_tile_overlayer_lowered  }
0x9b: {  	s22 =	simm.s32 $0x1BFF;
	s21 =	sshll.u32 s6, $0x1;
	s3 =	sadd.s32 s4, s19  }
0x9c: {  	s7 =	simm.s32 $0x0;
	s20 =	sshll.u32 s5, $0x1;
	s5 =	sadd.s32 s21, s3  }
0x9d: {  	[timem:s7], [sflag:s22] =	dma.local [hbm:s5], s20  }
0x9e: {  	_ =	swait.ge [sflag:s22], s20  }
0x9f: {  	s4 =	ssub.s32 $0x0, s20;
	[sflag:s22] =	ssyncset.done $0x0  }
0xa0: {  	[sflag:s22] =	ssyncadd.s32 s4;
	_ =	sdelay $0x1  }
0xa1: {  	s23 =	simm.s32 $0x1B8B  }
0xa2: {  	_ =	swait.ge [sflag:s23], $0x1  }
0xa3: {  	[sflag:s23] =	ssyncset.done $0x0  }
0xa4: {  	s25 =	simm.s32 $0x1B8E;
	s24 =	sld [smem:$0x3FFE];
	[sflag:s23] =	ssyncadd.s32 $0xFFFFFFFF  }
0xa5: {  	s26 =	simm.s32 $execute0_lowered;
	[smem:$0x3FD2] =	sst s25  }
0xa6: {  	s5 =	sshll.u32 s26, $0x1;
	_ =	strace $0x8000004C;
	[dreg:$0x1] =	wrdreg $0xFFFFFFFF  }
0xa7: {  	s28 =	simm.s32 $_size_execute0_lowered;
	s3 =	sadd.s32 s3, s5;
	[dreg:$0x0] =	wrdreg $0x0  }
0xa8: {  	s5 =	sshll.u32 s28, $0x1;
	[dreg:$0x2] =	wrdreg s3  }
0xa9: {  	[dreg:$0x3] =	wrdreg s5  }
0xaa: {  	[dreg:$0x4] =	wrdreg $0xC0  }
0xab: {  	_ =	task [dreg:s7], $0x5FFFF  }
0xac: {  	[dreg:$0x1] =	wrdreg $0xFFFFFFFF  }
0xad: {  	[dreg:$0x0] =	wrdreg $0x60  }
0xae: {  	[dreg:$0x2] =	wrdreg s2  }
0xaf: {  	[dreg:$0x3] =	wrdreg s24  }
0xb0: {  	[dreg:$0x4] =	wrdreg $0xC2000  }
0xb1: {  	[dreg:$0x5] =	wrdreg $0x9  }
0xb2: {  	_ =	task.clear_ibuf [dreg:s7], $0x6FFFF;
	_ =	strace $0x9000004C  }
0xb3: {  	s29 =	simm.s32 $0x9;
	_ =	strace $0x8000004E  }
0xb4: {  	_ =	swait.ge [sflag:s29], $0x1  }
0xb5: {  	[sflag:s29] =	ssyncadd.s32 $0xFFFFFFFF  }
0xb6: {  	_ =	strace $0x9000004E  }
0xb7: {  	_ =	sfence  }
0xb8: {  	s30 =	sld [smem:$0x0];
	_ =	sdelay $0x2  }
0xb9: {  	s31 =	sshll.u32 s1, $0xD;
	s1 =	sshrl.u32 s1, $0x2  }
0xba: {  	s3 =	sand.u32 $0x4000, s31;
	s1 =	sadd.s32 s1, s30  }
0xbb: {  	s0 =	sor.u32 s3, s0;
	s1 =	sshll.u32 s1, $0x11  }
0xbc: {  	s0 =	sor.u32 s1, s0  }
0xbd: {  	s0 =	sadd.s32 $0x8F2B, s0  }
0xbe: {  	[sflag:s0] =	ssyncadd.remote.s32 $0x1  }
0xbf: {  	_ =	sfence.sel $0xFFFF  }
0xc0: {  	[dreg:$0x0] =	wrdreg $0xFFFFFFFF;
	(pc) =	sbr.abs _section_cstart, $3  }
0xc1: {  	[dreg:$0x1] =	wrdreg $0xFFFFFFFF  }
0xc2: {  	_ =	task.clear_ibuf [dreg:s7], $0x2FFFF;
	_ =	strace $0x9FFFFFFF  }
0xc3: {  	(tm) =	ssettm $0x7FFFFFFF  }
tec
execute0_lowered:
.L_overlay_start_1:
0x0: {  	(tag) =	ssettag $0x1  }
0x1: {  	s1 =	rddreg [dreg:$0x0]  }
0x2: {  	s0 =	rddreg [dreg:$0x1]  }
0x3: {  	s2 =	rddreg [dreg:$0x2];
	s4 =	simm.s32 $0x0  }
0x4: {  	s3 =	srdreg.scid;
	s14 =	stileid.u32;
	s29 =	simm.s32 $0x6100  }
0x5: {  	s30 =	simm.s32 $0x6180;
	s31 =	simm.s32 $0x1;
	s28 =	simm.s32 $0x6130  }
0x6: {  	[smem:$0x7FF] =	sst s4;
	s3 =	sand.u32 $0x1, s3;
	s9 =	smul.u32 $0x13C00, s14  }
0x7: {  	s5 =	sadd.s32 $0x9E7A00, s0;
	s6 =	sadd.s32 $0x3800, s0;
	s7 =	sadd.s32 $0xD800, s0  }
0x8: {  	s10 =	sadd.s32 $0x4E5C00, s0;
	s18 =	smul.u32 $0x4F000, s14;
	s20 =	sshll.u32 s14, $0x6  }
0x9: {  	s8 =	smul.u32 $0x13C000, s3;
	_ =	strace $0x8000004D;
	[dreg:$0x4] =	wrdreg s10  }
0xa: {  	s17 =	sshll.u32 s3, $0x4;
	s3 =	ssub.s32 $0x2, s3;
	s15 =	sor.u32 $0x1C04, s20  }
0xb: {  	s20 =	sadd.s32 $0x9F3A00, s0;
	s11 =	sshrl.u32 s3, $0x1;
	s10 =	sshrl.u32 s18, $0x2  }
0xc: {  	[dreg:$0x5] =	wrdreg s15;
	s8 =	sadd.s32 s9, s8;
	s9 =	sor.u32 s14, s17  }
0xd: {  	s3 =	ssub.s32 s3, s11;
	s19 =	sadd.s32 s10, s2;
	s12 =	smul.u32 $0x60, s9  }
0xe: {  	s11 =	simm.s32 $0x9200;
	s8 =	sshrl.u32 s8, $0x3;
	s13 =	smul.u32 $0xC, s9  }
0xf: {  	s21 =	smul.u32 $0x600, s9;
	s16 =	sor.u32 $0x40, s9;
	s17 =	sor.u32 $0x60, s9  }
0x10: {  	s3 =	smax.u32 s3, $0x1;
	s14 =	sshrl.u32 s19, $0x3;
	s8 =	sadd.s32 s8, s0  }
0x11: {  	[dreg:$0xc] =	wrdreg s3;
	s0 =	simm.s32 $0x2;
	s3 =	simm.s32 $0x3  }
0x12: {  	[dreg:$0xd] =	wrdreg s14;
	s12 =	sshrl.u32 s12, $0x3;
	s22 =	sadd.s32 s6, s13  }
0x13: {  	s23 =	sadd.s32 s7, s13;
	s24 =	sadd.s32 s5, s21;
	[dreg:$0x6] =	wrdreg s22  }
0x14: {  	s8 =	sadd.s32 $0x17800, s8;
	s13 =	simm.s32 $0x0;
	[dreg:$0x7] =	wrdreg s23  }
.Ltmp0:
0x15: {  	s12 =	sadd.s32 $0x180, s12;
	[dreg:$0x8] =	wrdreg s24;
	(pc) =	sbr.rel .LBB2_1-.Ltmp0, $4  }
0x16: {  	[dreg:$0xb] =	wrdreg s8;
	s22 =	simm.s32 $0x4;
	s23 =	simm.s32 $0x80  }
0x17: {  	s24 =	simm.s32 $0x30;
	s8 =	simm.s32 $0x7A00;
	s25 =	sadd.s32 s6, s12  }
0x18: {  	s26 =	sadd.s32 s7, s12;
	s12 =	simm.s32 $0x60;
	[dreg:$0x9] =	wrdreg s25  }
0x19: {  	[dreg:$0xa] =	wrdreg s26;
	s25 =	simm.s32 $0x100;
	s26 =	simm.s32 $0x6200  }
.LBB2_8:
0x1a: {  	[bflag:$0x0] =	sbarrier.arrive $0xFFFF  }
0x1b: {  	s15 =	rddreg [dreg:$0x5]  }
0x1c: {  	s10 =	rddreg [dreg:$0xb]  }
0x1d: {  	s14 =	rddreg [dreg:$0xd]  }
0x1e: {  	[hbm:s10], [sflag:s15] =	dma.local [spmem:s14], $0x2780  }
0x1f: {  	_ =	swait.ge [sflag:s22], $0x2780  }
0x20: {  	s13 =	sadd.s32 $0x1, s13;
	s21 =	rddreg [dreg:$0xc]  }
0x21: {  	p0 =	sne.s32 s13, s21  }
.Ltmp1:
0x22: {  	_ = 	snop;
	(pc) =	sbr.rel @!p0 .LBB2_9-.Ltmp1, $3  }
0x23: {  	_ =	sdelay $0x1  }
0x24: {  	[sflag:s22] =	ssyncset.done $0x0  }
0x25: {  	[sflag:s22] =	ssyncadd.s32 $0xFFFFD880  }
.LBB2_1:
0x26: {  	s10 =	rddreg [dreg:$0x4]  }
0x27: {  	[spmem:s14], [sflag:s15] =	dma.local [hbm:s10], $0x2780  }
0x28: {  	_ =	swait.ge [sflag:s22], $0x2780  }
0x29: {  	[sflag:s22] =	ssyncset.done $0x0  }
0x2a: {  	[sflag:s22] =	ssyncadd.s32 $0xFFFFD880  }
0x2b: {  	[bflag:$0x0] =	sbarrier.arrive $0xFFFF  }
0x2c: {  	s19 =	rddreg [dreg:$0x6]  }
0x2d: {  	[tilespmem:s4], [sflag:$0x4] =	stream.linear.gather [hbm4b:s19+s4], $0x60, $0x38;
	[tilespmem:$0x1FE00] =	vst v63  }
0x2e: {  	_ =	swait.ge [sflag:s22], $0x60  }
0x2f: {  	[sflag:s22] =	ssyncset.done $0x0  }
0x30: {  	s21 =	rddreg [dreg:$0x7];
	[sflag:s22] =	ssyncadd.s32 $0xFFFFFFA0  }
0x31: {  	[tilespmem:s23], [sflag:$0x4] =	stream.linear.gather [hbm4b:s21+s4], $0x60, $0x38;
	[tilespmem:$0x1FE00] =	vst v63  }
0x32: {  	_ =	swait.ge [sflag:s22], $0x60  }
0x33: {  	[sflag:s22] =	ssyncset.done $0x0  }
0x34: {  	[sflag:s22] =	ssyncadd.s32 $0xFFFFFFA0  }
0x35: {  	[tilespmem:s25], [sflag:$0x1] =	stream.indirect.gather [hbm4b:s1+s24], $0x80, s4, s24, $0xb8;
	[tilespmem:$0x1FE00] =	vst v63  }
0x36: {  	s14 =	simm.s32 $0x1900  }
0x37: {  	[tilespmem:s14], [sflag:$0x1] =	stream.indirect.gather [hbm4b:s1+s24], $0x80, s24, s24, $0xb8;
	[tilespmem:$0x1FE00] =	vst v63  }
0x38: {  	s18 =	simm.s32 $0x3100;
	s15 =	rddreg [dreg:$0x8]  }
0x39: {  	[tilespmem:s18], [sflag:$0x2] =	stream.linear.gather [hbm4b:s15+s4], $0x3000, $0x38;
	[tilespmem:$0x1FE00] =	vst v63  }
0x3a: {  	s19 =	rddreg [dreg:$0x9]  }
0x3b: {  	[tilespmem:s29], [sflag:$0x3] =	stream.linear.gather [hbm4b:s19+s4], $0x60, $0x38;
	[tilespmem:$0x1FE00] =	vst v63  }
0x3c: {  	s21 =	rddreg [dreg:$0xa];
	s14 =	simm.s32 $0x0  }
0x3d: {  	[tilespmem:s30], [sflag:$0x3] =	stream.linear.gather [hbm4b:s21+s4], $0x60, $0x38;
	[tilespmem:$0x1FE00] =	vst v63  }
.LBB2_2:
0x3e: {  	_ =	swait.ge [sflag:s31], $0x1800  }
0x3f: {  	[sflag:s31] =	ssyncset.done $0x0  }
0x40: {  	[sflag:s31] =	ssyncadd.s32 $0xFFFFE800  }
0x41: {  	_ =	swait.ge [sflag:s31], $0x1800  }
0x42: {  	[sflag:s31] =	ssyncset.done $0x0  }
0x43: {  	[sflag:s31] =	ssyncadd.s32 $0xFFFFE800  }
0x44: {  	_ =	swait.ge [sflag:s0], $0x3000  }
0x45: {  	[sflag:s0] =	ssyncset.done $0x0  }
0x46: {  	[sflag:s0] =	ssyncadd.s32 $0xFFFFD000  }
0x47: {  	_ =	swait.ge [sflag:s3], $0x60  }
0x48: {  	[sflag:s3] =	ssyncset.done $0x0  }
0x49: {  	[sflag:s3] =	ssyncadd.s32 $0xFFFFFFA0  }
0x4a: {  	_ =	swait.ge [sflag:s3], $0x60  }
0x4b: {  	s15 =	sshll.u32 s14, $0x6;
	[sflag:s3] =	ssyncset.done $0x0  }
0x4c: {  	s18 =	sor.u32 s9, s15;
	[sflag:s3] =	ssyncadd.s32 $0xFFFFFFA0  }
0x4d: {  	[tilespmem:s26], [sflag:$0x1] =	stream.indirect.gather [hbm4b:s1+s24], $0x80, s29, s24, $0xb8;
	[tilespmem:$0x1FE00] =	vst v63  }
0x4e: {  	s18 =	smul.u32 $0x600, s18  }
0x4f: {  	[tilespmem:s8], [sflag:$0x1] =	stream.indirect.gather [hbm4b:s1+s24], $0x80, s28, s24, $0xb8;
	[tilespmem:$0x1FE00] =	vst v63  }
0x50: {  	s19 =	simm.s32 $0x0;
	s18 =	sadd.s32 s20, s18  }
0x51: {  	[tilespmem:s11], [sflag:$0x2] =	stream.linear.gather [hbm4b:s18+s19], $0x3000, $0x38;
	[tilespmem:$0x1FE00] =	vst v63  }
0x52: {  	s18 =	simm.s32 $0x0  }
0x53: {  	v6 =	vld [tilespmem:s18+$0x3100]  }
0x54: {  	v11 =	vld [tilespmem:s18+$0x3110]  }
0x55: {  	v5 =	vld [tilespmem:s18+$0x3120]  }
0x56: {  	v4 =	vld [tilespmem:s18+$0x3130]  }
0x57: {  	v3 =	vld [tilespmem:s18+$0x3140]  }
0x58: {  	v2 =	vld [tilespmem:s18+$0x3150]  }
0x59: {  	v1 =	vld [tilespmem:s18+$0x3160]  }
0x5a: {  	v0 =	vld [tilespmem:s18+$0x3170]  }
0x5b: {  	v12 =	vld [tilespmem:s18+$0x100]  }
0x5c: {  	v13 =	vld [tilespmem:s18+$0x110]  }
0x5d: {  	v10 =	vld [tilespmem:s18+$0x120]  }
0x5e: {  	v9 =	vld [tilespmem:s18+$0x130]  }
0x5f: {  	v8 =	vld [tilespmem:s18+$0x140]  }
0x60: {  	v7 =	vld [tilespmem:s18+$0x150];
	v12 =	vadd.f32 v6, v12  }
0x61: {  	s19 =	simm.s32 $0x200;
	v11 =	vadd.f32 v11, v13;
	v6 =	vld [tilespmem:s18+$0x160]  }
.LBB2_3:
0x62: {  	s10 =	sshra.s32 s19, $0x2;
	p0 =	sne.s32 s19, $0xBE00;
	v12 =	vmax.f32 v12, $0.0e+00;
	v5 =	vadd.f32 v5, v10;
	v10 =	vld [tilespmem:s18+$0x170]  }
0x63: {  	v13 =	vld [tilespmem:s10+$0x3100];
	[tilespmem:s18+$0x100] =	vst v12;
	v11 =	vmax.f32 v11, $0.0e+00;
	v4 =	vadd.f32 v4, v9  }
0x64: {  	v14 =	vld [tilespmem:s10+$0x3110];
	[tilespmem:s18+$0x110] =	vst v11;
	v9 =	vmax.f32 v5, $0.0e+00;
	v3 =	vadd.f32 v3, v8  }
0x65: {  	v5 =	vld [tilespmem:s10+$0x3120];
	[tilespmem:s18+$0x120] =	vst v9;
	v8 =	vmax.f32 v4, $0.0e+00;
	v2 =	vadd.f32 v2, v7  }
0x66: {  	v4 =	vld [tilespmem:s10+$0x3130];
	[tilespmem:s18+$0x130] =	vst v8;
	v7 =	vmax.f32 v3, $0.0e+00;
	v1 =	vadd.f32 v1, v6  }
0x67: {  	v3 =	vld [tilespmem:s10+$0x3140];
	[tilespmem:s18+$0x140] =	vst v7;
	v6 =	vmax.f32 v2, $0.0e+00;
	v0 =	vadd.f32 v0, v10  }
0x68: {  	v2 =	vld [tilespmem:s10+$0x3150];
	[tilespmem:s18+$0x150] =	vst v6;
	v6 =	vmax.f32 v1, $0.0e+00  }
0x69: {  	v1 =	vld [tilespmem:s10+$0x3160];
	[tilespmem:s18+$0x160] =	vst v6;
	v6 =	vmax.f32 v0, $0.0e+00  }
0x6a: {  	v0 =	vld [tilespmem:s10+$0x3170];
	[tilespmem:s18+$0x170] =	vst v6;
	s18 =	smov.u32 s10  }
0x6b: {  	v6 =	vld [tilespmem:s18+$0x100]  }
0x6c: {  	v11 =	vld [tilespmem:s18+$0x110]  }
.Ltmp2:
0x6d: {  	v10 =	vld [tilespmem:s18+$0x120];
	(pc) =	sbr.rel @p0 .LBB2_3-.Ltmp2, $4  }
0x6e: {  	v9 =	vld [tilespmem:s18+$0x130]  }
0x6f: {  	v8 =	vld [tilespmem:s18+$0x140]  }
0x70: {  	v12 =	vadd.f32 v13, v6;
	v7 =	vld [tilespmem:s18+$0x150]  }
0x71: {  	s19 =	sadd.s32 $0x200, s19;
	v11 =	vadd.f32 v14, v11;
	v6 =	vld [tilespmem:s18+$0x160]  }
0x72: {  	v12 =	vmax.f32 v12, $0.0e+00;
	v5 =	vadd.f32 v5, v10;
	v10 =	vld [tilespmem:s18+$0x170]  }
0x73: {  	[tilespmem:s18+$0x100] =	vst v12;
	v11 =	vmax.f32 v11, $0.0e+00;
	v4 =	vadd.f32 v4, v9  }
0x74: {  	[tilespmem:s18+$0x110] =	vst v11;
	v5 =	vmax.f32 v5, $0.0e+00;
	v3 =	vadd.f32 v3, v8  }
0x75: {  	[tilespmem:s18+$0x120] =	vst v5;
	v4 =	vmax.f32 v4, $0.0e+00;
	v2 =	vadd.f32 v2, v7  }
0x76: {  	[tilespmem:s18+$0x130] =	vst v4;
	v3 =	vmax.f32 v3, $0.0e+00;
	v1 =	vadd.f32 v1, v6  }
0x77: {  	[tilespmem:s18+$0x140] =	vst v3;
	v2 =	vmax.f32 v2, $0.0e+00;
	v0 =	vadd.f32 v0, v10  }
0x78: {  	[tilespmem:s18+$0x150] =	vst v2;
	v1 =	vmax.f32 v1, $0.0e+00  }
0x79: {  	[tilespmem:s18+$0x160] =	vst v1;
	v0 =	vmax.f32 v0, $0.0e+00  }
0x7a: {  	[tilespmem:s18+$0x170] =	vst v0  }
0x7b: {  	[spmem:s2] =	stream.indirect.scatter.add.f32 [tilespmem:s25], [sflag:$0x4], $0x80, s23, s12, $0xb8;
	[tilespmem:$0x1FE00] =	vst v63  }
0x7c: {  	_ =	swait.ge [sflag:s22], $0x3000  }
0x7d: {  	p0 =	seq.s32 s14, $0x34;
	[sflag:s22] =	ssyncset.done $0x0  }
0x7e: {  	s10 =	simm.s32 @p0 $0x1;
	[sflag:s22] =	ssyncadd.s32 $0xFFFFD000  }
0x7f: {  	_ =	swait.ge @p0 [sflag:s10], $0x1800  }
0x80: {  	[sflag:s10] =	ssyncset.done @p0 $0x0  }
0x81: {  	[sflag:s10] =	ssyncadd.s32 @p0 $0xFFFFE800  }
0x82: {  	_ =	swait.ge @p0 [sflag:s10], $0x1800  }
0x83: {  	[sflag:s10] =	ssyncset.done @p0 $0x0  }
0x84: {  	s18 =	sadd.s32 @!p0 s16, s15;
	[sflag:s10] =	ssyncadd.s32 @p0 $0xFFFFE800;
	s10 =	simm.s32 @p0 $0x2  }
0x85: {  	s19 =	smul.u32 @!p0 $0xC, s18;
	_ =	swait.ge @p0 [sflag:s10], $0x3000  }
0x86: {  	[sflag:s10] =	ssyncset.done @p0 $0x0  }
0x87: {  	s21 =	simm.s32 @!p0 $0x0;
	[sflag:s10] =	ssyncadd.s32 @p0 $0xFFFFD000;
	s10 =	sadd.s32 @!p0 s6, s19  }
0x88: {  	[tilespmem:s21], [sflag:$0x3] =	stream.linear.gather @!p0 [hbm4b:s10+s21], $0x60, $0x38;
	[tilespmem:$0x1FE00] =	vst v63  }
0x89: {  	s10 =	sadd.s32 @!p0 s7, s19;
	s19 =	simm.s32 @!p0 $0x80  }
0x8a: {  	[tilespmem:s19], [sflag:$0x3] =	stream.linear.gather @!p0 [hbm4b:s10+s21], $0x60, $0x38;
	[tilespmem:$0x1FE00] =	vst v63  }
0x8b: {  	s10 =	simm.s32 @!p0 $0x1  }
0x8c: {  	_ =	swait.ge @!p0 [sflag:s10], $0x1800  }
0x8d: {  	[sflag:s10] =	ssyncset.done @!p0 $0x0  }
0x8e: {  	[sflag:s10] =	ssyncadd.s32 @!p0 $0xFFFFE800  }
0x8f: {  	_ =	swait.ge @!p0 [sflag:s10], $0x1800  }
0x90: {  	[sflag:s10] =	ssyncset.done @!p0 $0x0  }
0x91: {  	[sflag:s10] =	ssyncadd.s32 @!p0 $0xFFFFE800;
	s10 =	simm.s32 @!p0 $0x2  }
0x92: {  	_ =	swait.ge @!p0 [sflag:s10], $0x3000  }
0x93: {  	[sflag:s10] =	ssyncset.done @!p0 $0x0  }
0x94: {  	[sflag:s10] =	ssyncadd.s32 @!p0 $0xFFFFD000;
	s10 =	simm.s32 @!p0 $0x3  }
0x95: {  	_ =	swait.ge @!p0 [sflag:s10], $0x60  }
0x96: {  	[sflag:s10] =	ssyncset.done @!p0 $0x0  }
0x97: {  	[sflag:s10] =	ssyncadd.s32 @!p0 $0xFFFFFFA0  }
0x98: {  	_ =	swait.ge @!p0 [sflag:s10], $0x60  }
0x99: {  	[sflag:s10] =	ssyncset.done @!p0 $0x0  }
0x9a: {  	s19 =	simm.s32 @!p0 $0x100;
	[sflag:s10] =	ssyncadd.s32 @!p0 $0xFFFFFFA0;
	s10 =	simm.s32 @!p0 $0x30  }
0x9b: {  	[tilespmem:s19], [sflag:$0x1] =	stream.indirect.gather @!p0 [hbm4b:s1+s10], $0x80, s21, s10, $0xb8;
	[tilespmem:$0x1FE00] =	vst v63  }
0x9c: {  	s18 =	smul.u32 @!p0 $0x600, s18;
	s19 =	simm.s32 @!p0 $0x1900  }
0x9d: {  	[tilespmem:s19], [sflag:$0x1] =	stream.indirect.gather @!p0 [hbm4b:s1+s10], $0x80, s10, s10, $0xb8;
	[tilespmem:$0x1FE00] =	vst v63  }
0x9e: {  	s10 =	sadd.s32 @!p0 s5, s18;
	s18 =	simm.s32 @!p0 $0x3100  }
0x9f: {  	[tilespmem:s18], [sflag:$0x2] =	stream.linear.gather @!p0 [hbm4b:s10+s21], $0x3000, $0x38;
	[tilespmem:$0x1FE00] =	vst v63  }
0xa0: {  	s18 =	simm.s32 $0x0  }
0xa1: {  	v6 =	vld [tilespmem:s18+$0x9200]  }
0xa2: {  	v11 =	vld [tilespmem:s18+$0x9210]  }
0xa3: {  	v5 =	vld [tilespmem:s18+$0x9220]  }
0xa4: {  	v4 =	vld [tilespmem:s18+$0x9230]  }
0xa5: {  	v3 =	vld [tilespmem:s18+$0x9240]  }
0xa6: {  	v2 =	vld [tilespmem:s18+$0x9250]  }
0xa7: {  	v1 =	vld [tilespmem:s18+$0x9260]  }
0xa8: {  	v0 =	vld [tilespmem:s18+$0x9270]  }
0xa9: {  	v12 =	vld [tilespmem:s18+$0x6200]  }
0xaa: {  	v13 =	vld [tilespmem:s18+$0x6210]  }
0xab: {  	v10 =	vld [tilespmem:s18+$0x6220]  }
0xac: {  	v9 =	vld [tilespmem:s18+$0x6230]  }
0xad: {  	v8 =	vld [tilespmem:s18+$0x6240]  }
0xae: {  	v7 =	vld [tilespmem:s18+$0x6250];
	v12 =	vadd.f32 v6, v12  }
0xaf: {  	s19 =	simm.s32 $0x200;
	v11 =	vadd.f32 v11, v13;
	v6 =	vld [tilespmem:s18+$0x6260]  }
.LBB2_5:
0xb0: {  	s10 =	sshra.s32 s19, $0x2;
	p1 =	sne.s32 s19, $0xBE00;
	v12 =	vmax.f32 v12, $0.0e+00;
	v5 =	vadd.f32 v5, v10;
	v10 =	vld [tilespmem:s18+$0x6270]  }
0xb1: {  	v13 =	vld [tilespmem:s10+$0x9200];
	[tilespmem:s18+$0x6200] =	vst v12;
	v11 =	vmax.f32 v11, $0.0e+00;
	v4 =	vadd.f32 v4, v9  }
0xb2: {  	v14 =	vld [tilespmem:s10+$0x9210];
	[tilespmem:s18+$0x6210] =	vst v11;
	v9 =	vmax.f32 v5, $0.0e+00;
	v3 =	vadd.f32 v3, v8  }
0xb3: {  	v5 =	vld [tilespmem:s10+$0x9220];
	[tilespmem:s18+$0x6220] =	vst v9;
	v8 =	vmax.f32 v4, $0.0e+00;
	v2 =	vadd.f32 v2, v7  }
0xb4: {  	v4 =	vld [tilespmem:s10+$0x9230];
	[tilespmem:s18+$0x6230] =	vst v8;
	v7 =	vmax.f32 v3, $0.0e+00;
	v1 =	vadd.f32 v1, v6  }
0xb5: {  	v3 =	vld [tilespmem:s10+$0x9240];
	[tilespmem:s18+$0x6240] =	vst v7;
	v6 =	vmax.f32 v2, $0.0e+00;
	v0 =	vadd.f32 v0, v10  }
0xb6: {  	v2 =	vld [tilespmem:s10+$0x9250];
	[tilespmem:s18+$0x6250] =	vst v6;
	v6 =	vmax.f32 v1, $0.0e+00  }
0xb7: {  	v1 =	vld [tilespmem:s10+$0x9260];
	[tilespmem:s18+$0x6260] =	vst v6;
	v6 =	vmax.f32 v0, $0.0e+00  }
0xb8: {  	v0 =	vld [tilespmem:s10+$0x9270];
	[tilespmem:s18+$0x6270] =	vst v6;
	s18 =	smov.u32 s10  }
0xb9: {  	v6 =	vld [tilespmem:s18+$0x6200]  }
0xba: {  	v11 =	vld [tilespmem:s18+$0x6210]  }
.Ltmp3:
0xbb: {  	v10 =	vld [tilespmem:s18+$0x6220];
	(pc) =	sbr.rel @p1 .LBB2_5-.Ltmp3, $4  }
0xbc: {  	v9 =	vld [tilespmem:s18+$0x6230]  }
0xbd: {  	v8 =	vld [tilespmem:s18+$0x6240]  }
0xbe: {  	v12 =	vadd.f32 v13, v6;
	v7 =	vld [tilespmem:s18+$0x6250]  }
0xbf: {  	s19 =	sadd.s32 $0x200, s19;
	v11 =	vadd.f32 v14, v11;
	v6 =	vld [tilespmem:s18+$0x6260]  }
0xc0: {  	v12 =	vmax.f32 v12, $0.0e+00;
	v5 =	vadd.f32 v5, v10;
	v63 =	vld [tilespmem:s18+$0x6270]  }
0xc1: {  	[tilespmem:s18+$0x6200] =	vst v12;
	v11 =	vmax.f32 v11, $0.0e+00;
	v4 =	vadd.f32 v4, v9  }
0xc2: {  	[tilespmem:s18+$0x6210] =	vst v11;
	v5 =	vmax.f32 v5, $0.0e+00;
	v3 =	vadd.f32 v3, v8  }
0xc3: {  	[tilespmem:s18+$0x6220] =	vst v5;
	v4 =	vmax.f32 v4, $0.0e+00;
	v2 =	vadd.f32 v2, v7  }
0xc4: {  	[tilespmem:s18+$0x6230] =	vst v4;
	v3 =	vmax.f32 v3, $0.0e+00;
	v1 =	vadd.f32 v1, v6  }
0xc5: {  	[tilespmem:s18+$0x6240] =	vst v3;
	v2 =	vmax.f32 v2, $0.0e+00;
	v0 =	vadd.f32 v0, v63  }
0xc6: {  	[tilespmem:s18+$0x6250] =	vst v2;
	v1 =	vmax.f32 v1, $0.0e+00  }
0xc7: {  	[tilespmem:s18+$0x6260] =	vst v1;
	v0 =	vmax.f32 v0, $0.0e+00  }
.Ltmp4:
0xc8: {  	[tilespmem:s18+$0x6270] =	vst v0;
	(pc) =	sbr.rel @p0 .LBB2_8-.Ltmp4, $4  }
0xc9: {  	[spmem:s2] =	stream.indirect.scatter.add.f32 [tilespmem:s26], [sflag:$0x4], $0x80, s30, s12, $0xb8;
	[tilespmem:$0x1FE00] =	vst v63  }
0xca: {  	_ =	swait.ge [sflag:s22], $0x3000  }
0xcb: {  	[sflag:s22] =	ssyncset.done $0x0  }
0xcc: {  	[sflag:s22] =	ssyncadd.s32 $0xFFFFD000  }
0xcd: {  	s10 =	sadd.s32 s17, s15  }
0xce: {  	s10 =	smul.u32 $0xC, s10  }
.Ltmp5:
0xcf: {  	_ = 	snop;
	(pc) =	sbr.rel .LBB2_2-.Ltmp5, $4  }
0xd0: {  	s21 =	sadd.s32 s6, s10  }
0xd1: {  	[tilespmem:s29], [sflag:$0x3] =	stream.linear.gather [hbm4b:s21+s4], $0x60, $0x38;
	[tilespmem:$0x1FE00] =	vst v63  }
0xd2: {  	s14 =	sadd.s32 $0x1, s14;
	s10 =	sadd.s32 s7, s10  }
0xd3: {  	[tilespmem:s30], [sflag:$0x3] =	stream.linear.gather [hbm4b:s10+s4], $0x60, $0x38;
	[tilespmem:$0x1FE00] =	vst v63  }
.LBB2_9:
0xd4: {  	_ =	sfence.sel $0x180000  }
0xd5: {  	[bflag:$0x0] =	sbarrier.arrive $0xFFFF  }
0xd6: {  	_ =	strace $0x9000004D  }
0xd7: {  	s0 =	stileid.u32;
	[bflag:$0x2] =	sbarrier.arrive $0xFFFF  }
0xd8: {  	p0 =	sne.s32 s0, $0x0;
	s0 =	rddreg [dreg:$0x3]  }
0xd9: {  	s0 =	sadd.s32 @!p0 $0x100000, s0  }
0xda: {  	[sflag:s0] =	ssyncadd.tile.s32 @!p0 $0x1;
	_ =	shalt  }
.Lfunc_end2:
_tile_overlayer_lowered:
.L_overlay_start_2:
0xdb: {  	(tag) =	ssettag $0x2  }
0xdc: {  	s0 =	rddreg [dreg:$0x0];
	s2 =	stileid.u32  }
0xdd: {  	s1 =	rddreg [dreg:$0x1];
	p0 =	sne.s32 s2, $0x0  }
0xde: {  	s3 =	rddreg [dreg:$0x2];
	[bflag:$0x3] =	sbarrier.arrive $0xFFFF;
	s2 =	simm.s32 @!p0 $0x1C04  }
0xdf: {  	[timem:s3], [sflag:s2] =	dma.local @!p0 [hbm:s0], s1  }
0xe0: {  	s0 =	simm.s32 @!p0 $0x4  }
0xe1: {  	_ =	swait.ge @!p0 [sflag:s0], s1  }
0xe2: {  	s1 =	ssub.s32 @!p0 $0x0, s1;
	[sflag:s0] =	ssyncset.done @!p0 $0x0  }
0xe3: {  	[sflag:s0] =	ssyncadd.s32 @!p0 s1  }
0xe4: {  	[bflag:$0x3] =	sbarrier.arrive $0xFFFF  }
0xe5: {  	_ =	shalt  }

</sc_bundles>
